<compile_context>
chip_gen: v7x
topology: tpu7x:2x2x1
jax: 0.10.2.dev20260603
libtpu: 0.0.44.dev20260713+nightly
codegen_flags: <defaults>
</compile_context>

<pallas_src>
import functools

import jax
import jax.numpy as jnp
from jax import lax
from jax.experimental import pallas as pl
from jax.experimental.pallas import tpu as pltpu
from jax.experimental.pallas import tpu_sc as plsc

_NC = 2
_NS = 16
_L = 16
_NW = _NC * _NS
_CHA = 80
_CHD = 80


def _mesh():
    return plsc.VectorSubcoreMesh(
        core_axis_name="c", subcore_axis_name="s",
        num_cores=_NC, num_subcores=_NS)


_SC_PARAMS = pltpu.CompilerParams(use_tc_tiling_on_sc=False)


def _sc_degree(dst, n_nodes):
    e = dst.shape[0]
    epw = e // _NW
    nch = epw // _CHD
    nb = 4
    nr = nch // nb
    tail = list(range(nr * nb, nch))
    fl = 640
    assert fl % 8 == 0 and (_NS - 1) * fl < n_nodes

    @functools.partial(
        pl.kernel,
        out_type=jax.ShapeDtypeStruct((_NC, n_nodes), jnp.float32),
        mesh=_mesh(),
        scratch_types=[
            pltpu.VMEM((_CHD,), jnp.int32),
            pltpu.VMEM((_CHD,), jnp.int32),
            pltpu.VMEM((_CHD,), jnp.int32),
            pltpu.VMEM((_CHD,), jnp.int32),
            pltpu.VMEM((_CHD,), jnp.float32),
            pltpu.VMEM((fl,), jnp.float32),
            pltpu.VMEM_SHARED((n_nodes,), jnp.float32),
            pltpu.SemaphoreType.DMA,
            pltpu.SemaphoreType.DMA,
            pltpu.SemaphoreType.DMA,
            pltpu.SemaphoreType.DMA,
        ],
        compiler_params=_SC_PARAMS,
    )
    def k(dst_hbm, out_hbm, didx0, didx1, didx2, didx3, ones_v, zb, acc,
          dsem0, dsem1, dsem2, dsem3):
        didxs = (didx0, didx1, didx2, didx3)
        dsems = (dsem0, dsem1, dsem2, dsem3)
        cid = lax.axis_index("c")
        sid = lax.axis_index("s")
        wid = sid * _NC + cid
        base = wid * epw
        one = jnp.ones((_L,), jnp.float32)
        zero = jnp.zeros((_L,), jnp.float32)

        def didx_copy(b, c):
            off = pl.multiple_of(base + c * _CHD, 8)
            return pltpu.make_async_copy(
                dst_hbm.at[pl.ds(off, _CHD)], didxs[b], dsems[b])

        @pl.loop(0, _CHD // _L)
        def _(r):
            ones_v[pl.ds(r * _L, _L)] = one

        @pl.loop(0, fl // _L)
        def _(r):
            zb[pl.ds(r * _L, _L)] = zero

        lastn = n_nodes - (_NS - 1) * fl
        row0 = sid * fl
        pltpu.sync_copy(zb.at[pl.ds(0, lastn)], acc.at[pl.ds(row0, lastn)])

        @pl.when(sid < _NS - 1)
        def _():
            pltpu.sync_copy(zb.at[pl.ds(0, fl - lastn)],
                            acc.at[pl.ds(row0 + lastn, fl - lastn)])

        plsc.subcore_barrier()
        for b in range(nb):
            didx_copy(b, b).start()

        @pl.loop(0, nr)
        def _(r):
            for b in range(nb):
                c = r * nb + b
                didx_copy(b, c).wait()
                pltpu.sync_copy(ones_v, acc.at[didxs[b]], add=True)

                @pl.when(c + nb < nch)
                def _():
                    didx_copy(b, c + nb).start()

        for c in tail:
            b = c % nb
            didx_copy(b, c).wait()
            pltpu.sync_copy(ones_v, acc.at[didxs[b]], add=True)

        plsc.subcore_barrier()
        pltpu.sync_copy(acc.at[pl.ds(row0, lastn)],
                        out_hbm.at[cid, pl.ds(row0, lastn)])

        @pl.when(sid < _NS - 1)
        def _():
            pltpu.sync_copy(acc.at[pl.ds(row0 + lastn, fl - lastn)],
                            out_hbm.at[cid, pl.ds(row0 + lastn, fl - lastn)])

    return k(dst)


@functools.lru_cache(maxsize=None)
def _sc_aggregate_kernel(e, d, n_nodes):
    epw = e // _NW
    nch = epw // _CHA
    rpt = n_nodes // _NS
    zr = 25
    nb = 3
    nr = nch // nb
    tail = list(range(nr * nb, nch))

    @functools.partial(
        pl.kernel,
        out_type=jax.ShapeDtypeStruct((_NC, n_nodes, d), jnp.float32),
        mesh=_mesh(),
        scratch_types=[
            pltpu.VMEM((epw,), jnp.int32),
            pltpu.VMEM((_CHA,), jnp.int32),
            pltpu.VMEM((_CHA,), jnp.int32),
            pltpu.VMEM((_CHA,), jnp.int32),
            pltpu.VMEM((_CHA, d), jnp.float32),
            pltpu.VMEM((_CHA, d), jnp.float32),
            pltpu.VMEM((_CHA, d), jnp.float32),
            pltpu.VMEM((zr, d), jnp.float32),
            pltpu.VMEM_SHARED((n_nodes, d), jnp.float32),
            pltpu.SemaphoreType.DMA,
            pltpu.SemaphoreType.DMA,
            pltpu.SemaphoreType.DMA,
            pltpu.SemaphoreType.DMA,
            pltpu.SemaphoreType.DMA,
            pltpu.SemaphoreType.DMA,
        ],
        compiler_params=_SC_PARAMS,
    )
    def k(xs_hbm, src_hbm, dst_hbm, out_hbm, src_all, didx0, didx1, didx2,
          rows0, rows1, rows2, zb, acc, dsem0, dsem1, dsem2,
          gsem0, gsem1, gsem2):
        didxs = (didx0, didx1, didx2)
        rows = (rows0, rows1, rows2)
        dsems = (dsem0, dsem1, dsem2)
        gsems = (gsem0, gsem1, gsem2)
        cid = lax.axis_index("c")
        sid = lax.axis_index("s")
        wid = sid * _NC + cid
        base = wid * epw
        zero = jnp.zeros((_L,), jnp.float32)

        def didx_copy(b, c):
            off = pl.multiple_of(base + c * _CHA, 8)
            return pltpu.make_async_copy(
                dst_hbm.at[pl.ds(off, _CHA)], didxs[b], dsems[b])

        def gather_copy(b, c):
            off = pl.multiple_of(c * _CHA, 8)
            return pltpu.make_async_copy(
                xs_hbm.at[src_all.at[pl.ds(off, _CHA)]], rows[b], gsems[b])

        pltpu.sync_copy(src_hbm.at[pl.ds(pl.multiple_of(base, 8), epw)],
                        src_all)

        @pl.loop(0, zr)
        def _(r):
            @pl.loop(0, d // _L)
            def _(j):
                zb[r, pl.ds(j * _L, _L)] = zero

        row0 = sid * rpt

        @pl.loop(0, rpt // zr)
        def _(t):
            pltpu.sync_copy(zb, acc.at[pl.ds(row0 + t * zr, zr)])

        plsc.subcore_barrier()
        for b in range(nb):
            didx_copy(b, b).start()
            gather_copy(b, b).start()

        @pl.loop(0, nr)
        def _(r):
            for b in range(nb):
                c = r * nb + b
                didx_copy(b, c).wait()
                gather_copy(b, c).wait()
                pltpu.sync_copy(rows[b], acc.at[didxs[b]], add=True)

                @pl.when(c + nb < nch)
                def _():
                    didx_copy(b, c + nb).start()
                    gather_copy(b, c + nb).start()

        for c in tail:
            b = c % nb
            didx_copy(b, c).wait()
            gather_copy(b, c).wait()
            pltpu.sync_copy(rows[b], acc.at[didxs[b]], add=True)

        plsc.subcore_barrier()

        @pl.loop(0, rpt // zr)
        def _(t):
            r0 = row0 + t * zr
            pltpu.sync_copy(acc.at[pl.ds(r0, zr)],
                            out_hbm.at[cid, pl.ds(r0, zr)])

    return k


def _sc_aggregate(xs, src, dst, n_nodes):
    return _sc_aggregate_kernel(src.shape[0], xs.shape[1], n_nodes)(
        xs, src, dst)


_RB = 2000


def _tc_prep1(x, w1, degp):
    n, d = x.shape

    def body(x_ref, w_ref, degp_ref, xs_ref, dinv_ref):
        deg = degp_ref[:, 0:1] + degp_ref[:, 1:2] + 1.0
        dinv = lax.rsqrt(deg)
        xw = jnp.dot(x_ref[...], w_ref[...],
                     preferred_element_type=jnp.float32)
        xs_ref[...] = xw * dinv
        dinv_ref[...] = dinv

    return pl.pallas_call(
        body,
        grid=(n // _RB,),
        in_specs=[
            pl.BlockSpec((_RB, d), lambda i: (i, 0)),
            pl.BlockSpec((d, d), lambda i: (0, 0)),
            pl.BlockSpec((_RB, _NC), lambda i: (i, 0)),
        ],
        out_specs=[
            pl.BlockSpec((_RB, d), lambda i: (i, 0)),
            pl.BlockSpec((_RB, 1), lambda i: (i, 0)),
        ],
        out_shape=[
            jax.ShapeDtypeStruct((n, d), jnp.float32),
            jax.ShapeDtypeStruct((n, 1), jnp.float32),
        ],
    )(x, w1, degp)


def _tc_mid(agg, xs1, dinv, b1, w2):
    n, d = xs1.shape

    def body(agg_ref, xs_ref, dinv_ref, b_ref, w_ref, o_ref):
        s = agg_ref[0] + agg_ref[1] + xs_ref[...]
        h = jnp.maximum(dinv_ref[...] * s + b_ref[...], 0.0)
        o_ref[...] = jnp.dot(h, w_ref[...],
                             preferred_element_type=jnp.float32) * dinv_ref[...]

    return pl.pallas_call(
        body,
        grid=(n // _RB,),
        in_specs=[
            pl.BlockSpec((_NC, _RB, d), lambda i: (0, i, 0)),
            pl.BlockSpec((_RB, d), lambda i: (i, 0)),
            pl.BlockSpec((_RB, 1), lambda i: (i, 0)),
            pl.BlockSpec((1, d), lambda i: (0, 0)),
            pl.BlockSpec((d, d), lambda i: (0, 0)),
        ],
        out_specs=pl.BlockSpec((_RB, d), lambda i: (i, 0)),
        out_shape=jax.ShapeDtypeStruct((n, d), jnp.float32),
    )(agg, xs1, dinv, b1, w2)


def _tc_final(agg, xs2, dinv, b2):
    n, d = xs2.shape

    def body(agg_ref, xs_ref, dinv_ref, b_ref, o_ref):
        s = agg_ref[0] + agg_ref[1] + xs_ref[...]
        o_ref[...] = dinv_ref[...] * s + b_ref[...]

    return pl.pallas_call(
        body,
        grid=(n // _RB,),
        in_specs=[
            pl.BlockSpec((_NC, _RB, d), lambda i: (0, i, 0)),
            pl.BlockSpec((_RB, d), lambda i: (i, 0)),
            pl.BlockSpec((_RB, 1), lambda i: (i, 0)),
            pl.BlockSpec((1, d), lambda i: (0, 0)),
        ],
        out_specs=pl.BlockSpec((_RB, d), lambda i: (i, 0)),
        out_shape=jax.ShapeDtypeStruct((n, d), jnp.float32),
    )(agg, xs2, dinv, b2)


def kernel(x, adj, W1, b1, W2, b2):
    n, d = x.shape
    adj = adj.astype(jnp.int32)
    src = adj[0]
    dst = adj[1]
    e = src.shape[0]
    assert e % _NW == 0 and n % _NS == 0 and d % _L == 0

    degp = _sc_degree(dst, n)
    degp_t = jnp.transpose(degp)
    xs1, dinv = _tc_prep1(x, W1, degp_t)
    agg1 = _sc_aggregate(xs1, src, dst, n)
    xs2 = _tc_mid(agg1, xs1, dinv, b1.reshape(1, d), W2)
    agg2 = _sc_aggregate(xs2, src, dst, n)
    return _tc_final(agg2, xs2, dinv, b2.reshape(1, d))

# --- scband reference (transcript-rebuilt; emitter-appended) ---
"""Pipeline reference for scband-graph-encoder-50173807952427 (READ-ONLY COPY).

The authoritative reference and input builder live on the scoring server;
editing this copy changes nothing except your own understanding.
"""

import jax, jax.numpy as jnp
import numpy as np

N = 10000
E = 320000
D = 128


def gcn_conv(x, edge_index, W, b):
    num_nodes = x.shape[0]
    # linear transform first (PyG GCNConv applies lin before propagate)
    xw = x @ W
    src = edge_index[0]
    dst = edge_index[1]
    # add self loops
    loop = jnp.arange(num_nodes, dtype=edge_index.dtype)
    src = jnp.concatenate([src, loop])
    dst = jnp.concatenate([dst, loop])
    # symmetric normalization D^{-1/2} (A+I) D^{-1/2}
    deg = jnp.zeros((num_nodes,), dtype=xw.dtype).at[dst].add(1.0)
    dinv = jnp.where(deg > 0, 1.0 / jnp.sqrt(deg), 0.0)
    norm = dinv[src] * dinv[dst]
    msg = jnp.take(xw, src, axis=0) * norm[:, None]
    out = jnp.zeros_like(xw).at[dst].add(msg)
    return out + b


def setup_inputs(seed: int = 0) -> dict:
    key = jax.random.key(seed)
    k1, k2, k3, k4, k5, k6 = jax.random.split(key, 6)
    x = jax.random.normal(k1, (N, D), dtype=jnp.float32)
    adj = jax.random.randint(k2, (2, E), 0, N, dtype=jnp.int64)
    W1 = jax.random.normal(k3, (D, D), dtype=jnp.float32) * 0.05
    b1 = jnp.zeros((D,), dtype=jnp.float32)
    W2 = jax.random.normal(k4, (D, D), dtype=jnp.float32) * 0.05
    b2 = jnp.zeros((D,), dtype=jnp.float32)
    return {"x": x, "adj": adj, "W1": W1, "b1": b1, "W2": W2, "b2": b2}


def reference(x, adj, W1, b1, W2, b2):
    # eval mode: dropout is identity
    h = jax.nn.relu(gcn_conv(x, adj, W1, b1))
    out = gcn_conv(h, adj, W2, b2)
    return out

if __name__ == "__main__":
    import jax
    _d = setup_inputs()
    print(jax.jit(kernel)(*tuple(_d.values())))

</pallas_src>

<mosaic_0001>
#map = affine_map<(d0, d1) -> (0)>
#map1 = affine_map<(d0, d1) -> (0, 0)>
module attributes {stable_mosaic.version = 14 : i64} {
  func.func @k(%arg0: i32, %arg1: i32, %arg2: memref<320000xi32, #tpu.memory_space<hbm>>, %arg3: memref<2x10000xf32, #tpu.memory_space<hbm>>, %arg4: memref<80xi32, #tpu.memory_space<vmem>>, %arg5: memref<80xi32, #tpu.memory_space<vmem>>, %arg6: memref<80xi32, #tpu.memory_space<vmem>>, %arg7: memref<80xi32, #tpu.memory_space<vmem>>, %arg8: memref<80xf32, #tpu.memory_space<vmem>>, %arg9: memref<640xf32, #tpu.memory_space<vmem>>, %arg10: memref<10000xf32, #tpu.memory_space<vmem_shared>>, %arg11: memref<!tpu.dma_semaphore, #tpu.memory_space<semaphore_mem>>, %arg12: memref<!tpu.dma_semaphore, #tpu.memory_space<semaphore_mem>>, %arg13: memref<!tpu.dma_semaphore, #tpu.memory_space<semaphore_mem>>, %arg14: memref<!tpu.dma_semaphore, #tpu.memory_space<semaphore_mem>>) attributes {dimension_semantics = [#tpu.dimension_semantics<core_parallel>, #tpu.dimension_semantics<subcore_parallel>], iteration_bounds = array<i64: 2, 16>, scalar_prefetch = 0 : i64, scratch_operands = 11 : i64, tpu.core_type = #tpu.core_type<sc_vector_subcore>, window_params = [{transform_indices = #map}, {transform_indices = #map1}]} {
    %mul3A = arith.constant 2 : i32
    %mul3A_0 = arith.muli %arg1, %mul3A : i32
    %add3A = arith.addi %mul3A_0, %arg0 : i32
    %mul3A_1 = arith.constant 10000 : i32
    %mul3A_2 = arith.muli %add3A, %mul3A_1 : i32
    %broadcast_in_dim3A = arith.constant 1.000000e+00 : f32
    %broadcast_in_dim3A_3 = vector.broadcast %broadcast_in_dim3A : f32 to vector<16xf32>
    %broadcast_in_dim3A_4 = arith.constant 0.000000e+00 : f32
    %broadcast_in_dim3A_5 = vector.broadcast %broadcast_in_dim3A_4 : f32 to vector<16xf32>
    %scan3A = arith.constant 0 : i32
    %scan3A_6 = arith.constant 5 : i32
    %scan3A_7 = arith.addi %scan3A, %scan3A_6 : i32
    %scan3A_8 = arith.constant 1 : i32
    scf.for %scan3A_52 = %scan3A to %scan3A_7 step %scan3A_8  : i32 {
      %mul3A_53 = arith.constant 1 : i32
      %mul3A_54 = arith.muli %scan3A_52, %mul3A_53 : i32
      %add3A_55 = arith.constant 0 : i32
      %add3A_56 = arith.addi %add3A_55, %mul3A_54 : i32
      %mul3A_57 = arith.constant 16 : i32
      %mul3A_58 = arith.muli %add3A_56, %mul3A_57 : i32
      %swap3A = arith.index_cast %mul3A_58 : i32 to index
      %swap3A_59 = tpu.vector_load %arg8[%swap3A] {strides = array<i32>} : memref<80xf32, #tpu.memory_space<vmem>>, vector<16xf32>,
      %swap3A_60 = vector.shape_cast %swap3A_59 : vector<16xf32> to vector<16xf32>
      %swap3A_61 = vector.shape_cast %broadcast_in_dim3A_3 : vector<16xf32> to vector<16xf32>
      tpu.vector_store %arg8[%swap3A], %swap3A_61 {strides = array<i32>} : memref<80xf32, #tpu.memory_space<vmem>>, vector<16xf32>,
    }
    %scan3A_9 = arith.constant 5 : i32
    %scan3A_10 = arith.constant 0 : i32
    %scan3A_11 = arith.constant 40 : i32
    %scan3A_12 = arith.addi %scan3A_10, %scan3A_11 : i32
    %scan3A_13 = arith.constant 1 : i32
    scf.for %scan3A_52 = %scan3A_10 to %scan3A_12 step %scan3A_13  : i32 {
      %mul3A_53 = arith.constant 1 : i32
      %mul3A_54 = arith.muli %scan3A_52, %mul3A_53 : i32
      %add3A_55 = arith.constant 0 : i32
      %add3A_56 = arith.addi %add3A_55, %mul3A_54 : i32
      %mul3A_57 = arith.constant 16 : i32
      %mul3A_58 = arith.muli %add3A_56, %mul3A_57 : i32
      %swap3A = arith.index_cast %mul3A_58 : i32 to index
      %swap3A_59 = tpu.vector_load %arg9[%swap3A] {strides = array<i32>} : memref<640xf32, #tpu.memory_space<vmem>>, vector<16xf32>,
      %swap3A_60 = vector.shape_cast %swap3A_59 : vector<16xf32> to vector<16xf32>
      %swap3A_61 = vector.shape_cast %broadcast_in_dim3A_5 : vector<16xf32> to vector<16xf32>
      tpu.vector_store %arg9[%swap3A], %swap3A_61 {strides = array<i32>} : memref<640xf32, #tpu.memory_space<vmem>>, vector<16xf32>,
    }
    %scan3A_14 = arith.constant 40 : i32
    %mul3A_15 = arith.constant 640 : i32
    %mul3A_16 = arith.muli %arg1, %mul3A_15 : i32
    "tpu.region"() ({
      %run_scoped3A = tpu.sem_alloc : memref<!tpu.dma_semaphore, #tpu.memory_space<semaphore_mem>>
      %dma_start3A_52 = arith.constant 0 : i32
      %dma_start3A_53 = tpu.memref_slice %arg9[%dma_start3A_52] : memref<640xf32, #tpu.memory_space<vmem>> -> memref<400xf32, #tpu.memory_space<vmem>>
      %dma_start3A_54 = tpu.memref_slice %arg10[%mul3A_16] : memref<10000xf32, #tpu.memory_space<vmem_shared>> -> memref<400xf32, #tpu.memory_space<vmem_shared>>
      %dma_start3A_55 = tpu.memref_slice %arg10[%mul3A_16] : memref<10000xf32, #tpu.memory_space<vmem_shared>> -> memref<400xf32, #tpu.memory_space<vmem_shared>>
      %dma_start3A_56 = arith.constant 0 : i32
      %dma_start3A_57 = tpu.memref_slice %arg9[%dma_start3A_56] : memref<640xf32, #tpu.memory_space<vmem>> -> memref<400xf32, #tpu.memory_space<vmem>>
      tpu.enqueue_dma source(%dma_start3A_57 : memref<400xf32, #tpu.memory_space<vmem>>) target(%dma_start3A_55 : memref<400xf32, #tpu.memory_space<vmem_shared>>) target_semaphore(%run_scoped3A : memref<!tpu.dma_semaphore, #tpu.memory_space<semaphore_mem>>)
      %dma_wait3A_58 = arith.constant 0 : i32
      %dma_wait3A_59 = tpu.memref_slice %arg9[%dma_wait3A_58] : memref<640xf32, #tpu.memory_space<vmem>> -> memref<400xf32, #tpu.memory_space<vmem>>
      %dma_wait3A_60 = tpu.memref_slice %arg10[%mul3A_16] : memref<10000xf32, #tpu.memory_space<vmem_shared>> -> memref<400xf32, #tpu.memory_space<vmem_shared>>
      %dma_wait3A_61 = tpu.memref_slice %arg10[%mul3A_16] : memref<10000xf32, #tpu.memory_space<vmem_shared>> -> memref<400xf32, #tpu.memory_space<vmem_shared>>
      %dma_wait3A_62 = arith.constant 0 : i32
      %dma_wait3A_63 = tpu.memref_slice %arg9[%dma_wait3A_62] : memref<640xf32, #tpu.memory_space<vmem>> -> memref<400xf32, #tpu.memory_space<vmem>>
      tpu.wait_dma2 semaphore(%run_scoped3A : memref<!tpu.dma_semaphore, #tpu.memory_space<semaphore_mem>>) src(%dma_wait3A_63 : memref<400xf32, #tpu.memory_space<vmem>>) dst(%dma_wait3A_61 : memref<400xf32, #tpu.memory_space<vmem_shared>>)
      tpu.yield
    }) : () -> ()
    %lt3A = arith.constant 15 : i32
    %lt3A_17 = arith.cmpi slt, %arg1, %lt3A : i32
    %convert_element_type3A = arith.extui %lt3A_17 : i1 to i32
    %cond3A = arith.constant 0 : i32
    %cond3A_18 = arith.cmpi ne, %convert_element_type3A, %cond3A : i32
    scf.if %cond3A_18 {
      %add3A_52 = arith.constant 400 : i32
      %add3A_53 = arith.addi %mul3A_16, %add3A_52 : i32
      "tpu.region"() ({
        %run_scoped3A = tpu.sem_alloc : memref<!tpu.dma_semaphore, #tpu.memory_space<semaphore_mem>>
        %dma_start3A_54 = arith.constant 0 : i32
        %dma_start3A_55 = tpu.memref_slice %arg9[%dma_start3A_54] : memref<640xf32, #tpu.memory_space<vmem>> -> memref<240xf32, #tpu.memory_space<vmem>>
        %dma_start3A_56 = tpu.memref_slice %arg10[%add3A_53] : memref<10000xf32, #tpu.memory_space<vmem_shared>> -> memref<240xf32, #tpu.memory_space<vmem_shared>>
        %dma_start3A_57 = tpu.memref_slice %arg10[%add3A_53] : memref<10000xf32, #tpu.memory_space<vmem_shared>> -> memref<240xf32, #tpu.memory_space<vmem_shared>>
        %dma_start3A_58 = arith.constant 0 : i32
        %dma_start3A_59 = tpu.memref_slice %arg9[%dma_start3A_58] : memref<640xf32, #tpu.memory_space<vmem>> -> memref<240xf32, #tpu.memory_space<vmem>>
        tpu.enqueue_dma source(%dma_start3A_59 : memref<240xf32, #tpu.memory_space<vmem>>) target(%dma_start3A_57 : memref<240xf32, #tpu.memory_space<vmem_shared>>) target_semaphore(%run_scoped3A : memref<!tpu.dma_semaphore, #tpu.memory_space<semaphore_mem>>)
        %dma_wait3A_60 = arith.constant 0 : i32
        %dma_wait3A_61 = tpu.memref_slice %arg9[%dma_wait3A_60] : memref<640xf32, #tpu.memory_space<vmem>> -> memref<240xf32, #tpu.memory_space<vmem>>
        %dma_wait3A_62 = tpu.memref_slice %arg10[%add3A_53] : memref<10000xf32, #tpu.memory_space<vmem_shared>> -> memref<240xf32, #tpu.memory_space<vmem_shared>>
        %dma_wait3A_63 = tpu.memref_slice %arg10[%add3A_53] : memref<10000xf32, #tpu.memory_space<vmem_shared>> -> memref<240xf32, #tpu.memory_space<vmem_shared>>
        %dma_wait3A_64 = arith.constant 0 : i32
        %dma_wait3A_65 = tpu.memref_slice %arg9[%dma_wait3A_64] : memref<640xf32, #tpu.memory_space<vmem>> -> memref<240xf32, #tpu.memory_space<vmem>>
        tpu.wait_dma2 semaphore(%run_scoped3A : memref<!tpu.dma_semaphore, #tpu.memory_space<semaphore_mem>>) src(%dma_wait3A_65 : memref<240xf32, #tpu.memory_space<vmem>>) dst(%dma_wait3A_63 : memref<240xf32, #tpu.memory_space<vmem_shared>>)
        tpu.yield
      }) : () -> ()
    } else {
    }
    %barrier3A = arith.constant 0 : index
    tpu.barrier barrier_id(%barrier3A)
    %add3A_19 = arith.constant 0 : i32
    %add3A_20 = arith.addi %mul3A_2, %add3A_19 : i32
    %multiple_of3A = tpu.assume_multiple %add3A_20, 8 : i32
    %dma_start3A = tpu.memref_slice %arg2[%multiple_of3A] : memref<320000xi32, #tpu.memory_space<hbm>> -> memref<80xi32, #tpu.memory_space<hbm>>
    %dma_start3A_21 = tpu.memref_slice %arg2[%multiple_of3A] : memref<320000xi32, #tpu.memory_space<hbm>> -> memref<80xi32, #tpu.memory_space<hbm>>
    tpu.enqueue_dma source(%dma_start3A_21 : memref<80xi32, #tpu.memory_space<hbm>>) target(%arg4 : memref<80xi32, #tpu.memory_space<vmem>>) target_semaphore(%arg11 : memref<!tpu.dma_semaphore, #tpu.memory_space<semaphore_mem>>)
    %add3A_22 = arith.constant 80 : i32
    %add3A_23 = arith.addi %mul3A_2, %add3A_22 : i32
    %multiple_of3A_24 = tpu.assume_multiple %add3A_23, 8 : i32
    %dma_start3A_25 = tpu.memref_slice %arg2[%multiple_of3A_24] : memref<320000xi32, #tpu.memory_space<hbm>> -> memref<80xi32, #tpu.memory_space<hbm>>
    %dma_start3A_26 = tpu.memref_slice %arg2[%multiple_of3A_24] : memref<320000xi32, #tpu.memory_space<hbm>> -> memref<80xi32, #tpu.memory_space<hbm>>
    tpu.enqueue_dma source(%dma_start3A_26 : memref<80xi32, #tpu.memory_space<hbm>>) target(%arg5 : memref<80xi32, #tpu.memory_space<vmem>>) target_semaphore(%arg12 : memref<!tpu.dma_semaphore, #tpu.memory_space<semaphore_mem>>)
    %add3A_27 = arith.constant 160 : i32
    %add3A_28 = arith.addi %mul3A_2, %add3A_27 : i32
    %multiple_of3A_29 = tpu.assume_multiple %add3A_28, 8 : i32
    %dma_start3A_30 = tpu.memref_slice %arg2[%multiple_of3A_29] : memref<320000xi32, #tpu.memory_space<hbm>> -> memref<80xi32, #tpu.memory_space<hbm>>
    %dma_start3A_31 = tpu.memref_slice %arg2[%multiple_of3A_29] : memref<320000xi32, #tpu.memory_space<hbm>> -> memref<80xi32, #tpu.memory_space<hbm>>
    tpu.enqueue_dma source(%dma_start3A_31 : memref<80xi32, #tpu.memory_space<hbm>>) target(%arg6 : memref<80xi32, #tpu.memory_space<vmem>>) target_semaphore(%arg13 : memref<!tpu.dma_semaphore, #tpu.memory_space<semaphore_mem>>)
    %add3A_32 = arith.constant 240 : i32
    %add3A_33 = arith.addi %mul3A_2, %add3A_32 : i32
    %multiple_of3A_34 = tpu.assume_multiple %add3A_33, 8 : i32
    %dma_start3A_35 = tpu.memref_slice %arg2[%multiple_of3A_34] : memref<320000xi32, #tpu.memory_space<hbm>> -> memref<80xi32, #tpu.memory_space<hbm>>
    %dma_start3A_36 = tpu.memref_slice %arg2[%multiple_of3A_34] : memref<320000xi32, #tpu.memory_space<hbm>> -> memref<80xi32, #tpu.memory_space<hbm>>
    tpu.enqueue_dma source(%dma_start3A_36 : memref<80xi32, #tpu.memory_space<hbm>>) target(%arg7 : memref<80xi32, #tpu.memory_space<vmem>>) target_semaphore(%arg14 : memref<!tpu.dma_semaphore, #tpu.memory_space<semaphore_mem>>)
    %scan3A_37 = arith.constant 0 : i32
    %scan3A_38 = arith.constant 31 : i32
    %scan3A_39 = arith.addi %scan3A_37, %scan3A_38 : i32
    %scan3A_40 = arith.constant 1 : i32
    scf.for %scan3A_52 = %scan3A_37 to %scan3A_39 step %scan3A_40  : i32 {
      %mul3A_53 = arith.constant 1 : i32
      %mul3A_54 = arith.muli %scan3A_52, %mul3A_53 : i32
      %add3A_55 = arith.constant 0 : i32
      %add3A_56 = arith.addi %add3A_55, %mul3A_54 : i32
      %mul3A_57 = arith.constant 4 : i32
      %mul3A_58 = arith.muli %add3A_56, %mul3A_57 : i32
      %add3A_59 = arith.constant 0 : i32
      %add3A_60 = arith.addi %mul3A_58, %add3A_59 : i32
      %mul3A_61 = arith.constant 80 : i32
      %mul3A_62 = arith.muli %add3A_60, %mul3A_61 : i32
      %add3A_63 = arith.addi %mul3A_2, %mul3A_62 : i32
      %multiple_of3A_64 = tpu.assume_multiple %add3A_63, 8 : i32
      %dma_wait3A_65 = tpu.memref_slice %arg2[%multiple_of3A_64] : memref<320000xi32, #tpu.memory_space<hbm>> -> memref<80xi32, #tpu.memory_space<hbm>>
      %dma_wait3A_66 = tpu.memref_slice %arg2[%multiple_of3A_64] : memref<320000xi32, #tpu.memory_space<hbm>> -> memref<80xi32, #tpu.memory_space<hbm>>
      tpu.wait_dma2 semaphore(%arg11 : memref<!tpu.dma_semaphore, #tpu.memory_space<semaphore_mem>>) src(%dma_wait3A_66 : memref<80xi32, #tpu.memory_space<hbm>>) dst(%arg4 : memref<80xi32, #tpu.memory_space<vmem>>)
      "tpu.region"() ({
        %run_scoped3A = tpu.sem_alloc : memref<!tpu.dma_semaphore, #tpu.memory_space<semaphore_mem>>
        %dma_start3A_125 = arith.constant 0 : i32
        %dma_start3A_126 = tpu.memref_slice %arg10[%dma_start3A_125] : memref<10000xf32, #tpu.memory_space<vmem_shared>> -> memref<10000xf32, #tpu.memory_space<vmem_shared>>
        tpu.enqueue_indirect_dma source(%arg8 : memref<80xf32, #tpu.memory_space<vmem>>) target(%dma_start3A_126 : memref<10000xf32, #tpu.memory_space<vmem_shared>>) offsets(%arg4 : memref<80xi32, #tpu.memory_space<vmem>>) semaphore(%run_scoped3A : memref<!tpu.dma_semaphore, #tpu.memory_space<semaphore_mem>>) {add = true}
        %dma_wait3A_127 = arith.constant 0 : i32
        %dma_wait3A_128 = tpu.memref_slice %arg10[%dma_wait3A_127] : memref<10000xf32, #tpu.memory_space<vmem_shared>> -> memref<10000xf32, #tpu.memory_space<vmem_shared>>
        tpu.wait_indirect_dma semaphore(%run_scoped3A : memref<!tpu.dma_semaphore, #tpu.memory_space<semaphore_mem>>) src(%arg8 : memref<80xf32, #tpu.memory_space<vmem>>) dst(%dma_wait3A_128 : memref<10000xf32, #tpu.memory_space<vmem_shared>>)
        tpu.yield
      }) : () -> ()
      %add3A_67 = arith.constant 4 : i32
      %add3A_68 = arith.addi %add3A_60, %add3A_67 : i32
      %lt3A_69 = arith.constant 125 : i32
      %lt3A_70 = arith.cmpi slt, %add3A_68, %lt3A_69 : i32
      %convert_element_type3A_71 = arith.extui %lt3A_70 : i1 to i32
      %cond3A_72 = arith.constant 0 : i32
      %cond3A_73 = arith.cmpi ne, %convert_element_type3A_71, %cond3A_72 : i32
      scf.if %cond3A_73 {
        %add3A_125 = arith.constant 4 : i32
        %add3A_126 = arith.addi %add3A_60, %add3A_125 : i32
        %mul3A_127 = arith.constant 80 : i32
        %mul3A_128 = arith.muli %add3A_126, %mul3A_127 : i32
        %add3A_129 = arith.addi %mul3A_2, %mul3A_128 : i32
        %multiple_of3A_130 = tpu.assume_multiple %add3A_129, 8 : i32
        %dma_start3A_131 = tpu.memref_slice %arg2[%multiple_of3A_130] : memref<320000xi32, #tpu.memory_space<hbm>> -> memref<80xi32, #tpu.memory_space<hbm>>
        %dma_start3A_132 = tpu.memref_slice %arg2[%multiple_of3A_130] : memref<320000xi32, #tpu.memory_space<hbm>> -> memref<80xi32, #tpu.memory_space<hbm>>
        tpu.enqueue_dma source(%dma_start3A_132 : memref<80xi32, #tpu.memory_space<hbm>>) target(%arg4 : memref<80xi32, #tpu.memory_space<vmem>>) target_semaphore(%arg11 : memref<!tpu.dma_semaphore, #tpu.memory_space<semaphore_mem>>)
      } else {
      }
      %mul3A_74 = arith.constant 4 : i32
      %mul3A_75 = arith.muli %add3A_56, %mul3A_74 : i32
      %add3A_76 = arith.constant 1 : i32
      %add3A_77 = arith.addi %mul3A_75, %add3A_76 : i32
      %mul3A_78 = arith.constant 80 : i32
      %mul3A_79 = arith.muli %add3A_77, %mul3A_78 : i32
      %add3A_80 = arith.addi %mul3A_2, %mul3A_79 : i32
      %multiple_of3A_81 = tpu.assume_multiple %add3A_80, 8 : i32
      %dma_wait3A_82 = tpu.memref_slice %arg2[%multiple_of3A_81] : memref<320000xi32, #tpu.memory_space<hbm>> -> memref<80xi32, #tpu.memory_space<hbm>>
      %dma_wait3A_83 = tpu.memref_slice %arg2[%multiple_of3A_81] : memref<320000xi32, #tpu.memory_space<hbm>> -> memref<80xi32, #tpu.memory_space<hbm>>
      tpu.wait_dma2 semaphore(%arg12 : memref<!tpu.dma_semaphore, #tpu.memory_space<semaphore_mem>>) src(%dma_wait3A_83 : memref<80xi32, #tpu.memory_space<hbm>>) dst(%arg5 : memref<80xi32, #tpu.memory_space<vmem>>)
      "tpu.region"() ({
        %run_scoped3A = tpu.sem_alloc : memref<!tpu.dma_semaphore, #tpu.memory_space<semaphore_mem>>
        %dma_start3A_125 = arith.constant 0 : i32
        %dma_start3A_126 = tpu.memref_slice %arg10[%dma_start3A_125] : memref<10000xf32, #tpu.memory_space<vmem_shared>> -> memref<10000xf32, #tpu.memory_space<vmem_shared>>
        tpu.enqueue_indirect_dma source(%arg8 : memref<80xf32, #tpu.memory_space<vmem>>) target(%dma_start3A_126 : memref<10000xf32, #tpu.memory_space<vmem_shared>>) offsets(%arg5 : memref<80xi32, #tpu.memory_space<vmem>>) semaphore(%run_scoped3A : memref<!tpu.dma_semaphore, #tpu.memory_space<semaphore_mem>>) {add = true}
        %dma_wait3A_127 = arith.constant 0 : i32
        %dma_wait3A_128 = tpu.memref_slice %arg10[%dma_wait3A_127] : memref<10000xf32, #tpu.memory_space<vmem_shared>> -> memref<10000xf32, #tpu.memory_space<vmem_shared>>
        tpu.wait_indirect_dma semaphore(%run_scoped3A : memref<!tpu.dma_semaphore, #tpu.memory_space<semaphore_mem>>) src(%arg8 : memref<80xf32, #tpu.memory_space<vmem>>) dst(%dma_wait3A_128 : memref<10000xf32, #tpu.memory_space<vmem_shared>>)
        tpu.yield
      }) : () -> ()
      %add3A_84 = arith.constant 4 : i32
      %add3A_85 = arith.addi %add3A_77, %add3A_84 : i32
      %lt3A_86 = arith.constant 125 : i32
      %lt3A_87 = arith.cmpi slt, %add3A_85, %lt3A_86 : i32
      %convert_element_type3A_88 = arith.extui %lt3A_87 : i1 to i32
      %cond3A_89 = arith.constant 0 : i32
      %cond3A_90 = arith.cmpi ne, %convert_element_type3A_88, %cond3A_89 : i32
      scf.if %cond3A_90 {
        %add3A_125 = arith.constant 4 : i32
        %add3A_126 = arith.addi %add3A_77, %add3A_125 : i32
        %mul3A_127 = arith.constant 80 : i32
        %mul3A_128 = arith.muli %add3A_126, %mul3A_127 : i32
        %add3A_129 = arith.addi %mul3A_2, %mul3A_128 : i32
        %multiple_of3A_130 = tpu.assume_multiple %add3A_129, 8 : i32
        %dma_start3A_131 = tpu.memref_slice %arg2[%multiple_of3A_130] : memref<320000xi32, #tpu.memory_space<hbm>> -> memref<80xi32, #tpu.memory_space<hbm>>
        %dma_start3A_132 = tpu.memref_slice %arg2[%multiple_of3A_130] : memref<320000xi32, #tpu.memory_space<hbm>> -> memref<80xi32, #tpu.memory_space<hbm>>
        tpu.enqueue_dma source(%dma_start3A_132 : memref<80xi32, #tpu.memory_space<hbm>>) target(%arg5 : memref<80xi32, #tpu.memory_space<vmem>>) target_semaphore(%arg12 : memref<!tpu.dma_semaphore, #tpu.memory_space<semaphore_mem>>)
      } else {
      }
      %mul3A_91 = arith.constant 4 : i32
      %mul3A_92 = arith.muli %add3A_56, %mul3A_91 : i32
      %add3A_93 = arith.constant 2 : i32
      %add3A_94 = arith.addi %mul3A_92, %add3A_93 : i32
      %mul3A_95 = arith.constant 80 : i32
      %mul3A_96 = arith.muli %add3A_94, %mul3A_95 : i32
      %add3A_97 = arith.addi %mul3A_2, %mul3A_96 : i32
      %multiple_of3A_98 = tpu.assume_multiple %add3A_97, 8 : i32
      %dma_wait3A_99 = tpu.memref_slice %arg2[%multiple_of3A_98] : memref<320000xi32, #tpu.memory_space<hbm>> -> memref<80xi32, #tpu.memory_space<hbm>>
      %dma_wait3A_100 = tpu.memref_slice %arg2[%multiple_of3A_98] : memref<320000xi32, #tpu.memory_space<hbm>> -> memref<80xi32, #tpu.memory_space<hbm>>
      tpu.wait_dma2 semaphore(%arg13 : memref<!tpu.dma_semaphore, #tpu.memory_space<semaphore_mem>>) src(%dma_wait3A_100 : memref<80xi32, #tpu.memory_space<hbm>>) dst(%arg6 : memref<80xi32, #tpu.memory_space<vmem>>)
      "tpu.region"() ({
        %run_scoped3A = tpu.sem_alloc : memref<!tpu.dma_semaphore, #tpu.memory_space<semaphore_mem>>
        %dma_start3A_125 = arith.constant 0 : i32
        %dma_start3A_126 = tpu.memref_slice %arg10[%dma_start3A_125] : memref<10000xf32, #tpu.memory_space<vmem_shared>> -> memref<10000xf32, #tpu.memory_space<vmem_shared>>
        tpu.enqueue_indirect_dma source(%arg8 : memref<80xf32, #tpu.memory_space<vmem>>) target(%dma_start3A_126 : memref<10000xf32, #tpu.memory_space<vmem_shared>>) offsets(%arg6 : memref<80xi32, #tpu.memory_space<vmem>>) semaphore(%run_scoped3A : memref<!tpu.dma_semaphore, #tpu.memory_space<semaphore_mem>>) {add = true}
        %dma_wait3A_127 = arith.constant 0 : i32
        %dma_wait3A_128 = tpu.memref_slice %arg10[%dma_wait3A_127] : memref<10000xf32, #tpu.memory_space<vmem_shared>> -> memref<10000xf32, #tpu.memory_space<vmem_shared>>
        tpu.wait_indirect_dma semaphore(%run_scoped3A : memref<!tpu.dma_semaphore, #tpu.memory_space<semaphore_mem>>) src(%arg8 : memref<80xf32, #tpu.memory_space<vmem>>) dst(%dma_wait3A_128 : memref<10000xf32, #tpu.memory_space<vmem_shared>>)
        tpu.yield
      }) : () -> ()
      %add3A_101 = arith.constant 4 : i32
      %add3A_102 = arith.addi %add3A_94, %add3A_101 : i32
      %lt3A_103 = arith.constant 125 : i32
      %lt3A_104 = arith.cmpi slt, %add3A_102, %lt3A_103 : i32
      %convert_element_type3A_105 = arith.extui %lt3A_104 : i1 to i32
      %cond3A_106 = arith.constant 0 : i32
      %cond3A_107 = arith.cmpi ne, %convert_element_type3A_105, %cond3A_106 : i32
      scf.if %cond3A_107 {
        %add3A_125 = arith.constant 4 : i32
        %add3A_126 = arith.addi %add3A_94, %add3A_125 : i32
        %mul3A_127 = arith.constant 80 : i32
        %mul3A_128 = arith.muli %add3A_126, %mul3A_127 : i32
        %add3A_129 = arith.addi %mul3A_2, %mul3A_128 : i32
        %multiple_of3A_130 = tpu.assume_multiple %add3A_129, 8 : i32
        %dma_start3A_131 = tpu.memref_slice %arg2[%multiple_of3A_130] : memref<320000xi32, #tpu.memory_space<hbm>> -> memref<80xi32, #tpu.memory_space<hbm>>
        %dma_start3A_132 = tpu.memref_slice %arg2[%multiple_of3A_130] : memref<320000xi32, #tpu.memory_space<hbm>> -> memref<80xi32, #tpu.memory_space<hbm>>
        tpu.enqueue_dma source(%dma_start3A_132 : memref<80xi32, #tpu.memory_space<hbm>>) target(%arg6 : memref<80xi32, #tpu.memory_space<vmem>>) target_semaphore(%arg13 : memref<!tpu.dma_semaphore, #tpu.memory_space<semaphore_mem>>)
      } else {
      }
      %mul3A_108 = arith.constant 4 : i32
      %mul3A_109 = arith.muli %add3A_56, %mul3A_108 : i32
      %add3A_110 = arith.constant 3 : i32
      %add3A_111 = arith.addi %mul3A_109, %add3A_110 : i32
      %mul3A_112 = arith.constant 80 : i32
      %mul3A_113 = arith.muli %add3A_111, %mul3A_112 : i32
      %add3A_114 = arith.addi %mul3A_2, %mul3A_113 : i32
      %multiple_of3A_115 = tpu.assume_multiple %add3A_114, 8 : i32
      %dma_wait3A_116 = tpu.memref_slice %arg2[%multiple_of3A_115] : memref<320000xi32, #tpu.memory_space<hbm>> -> memref<80xi32, #tpu.memory_space<hbm>>
      %dma_wait3A_117 = tpu.memref_slice %arg2[%multiple_of3A_115] : memref<320000xi32, #tpu.memory_space<hbm>> -> memref<80xi32, #tpu.memory_space<hbm>>
      tpu.wait_dma2 semaphore(%arg14 : memref<!tpu.dma_semaphore, #tpu.memory_space<semaphore_mem>>) src(%dma_wait3A_117 : memref<80xi32, #tpu.memory_space<hbm>>) dst(%arg7 : memref<80xi32, #tpu.memory_space<vmem>>)
      "tpu.region"() ({
        %run_scoped3A = tpu.sem_alloc : memref<!tpu.dma_semaphore, #tpu.memory_space<semaphore_mem>>
        %dma_start3A_125 = arith.constant 0 : i32
        %dma_start3A_126 = tpu.memref_slice %arg10[%dma_start3A_125] : memref<10000xf32, #tpu.memory_space<vmem_shared>> -> memref<10000xf32, #tpu.memory_space<vmem_shared>>
        tpu.enqueue_indirect_dma source(%arg8 : memref<80xf32, #tpu.memory_space<vmem>>) target(%dma_start3A_126 : memref<10000xf32, #tpu.memory_space<vmem_shared>>) offsets(%arg7 : memref<80xi32, #tpu.memory_space<vmem>>) semaphore(%run_scoped3A : memref<!tpu.dma_semaphore, #tpu.memory_space<semaphore_mem>>) {add = true}
        %dma_wait3A_127 = arith.constant 0 : i32
        %dma_wait3A_128 = tpu.memref_slice %arg10[%dma_wait3A_127] : memref<10000xf32, #tpu.memory_space<vmem_shared>> -> memref<10000xf32, #tpu.memory_space<vmem_shared>>
        tpu.wait_indirect_dma semaphore(%run_scoped3A : memref<!tpu.dma_semaphore, #tpu.memory_space<semaphore_mem>>) src(%arg8 : memref<80xf32, #tpu.memory_space<vmem>>) dst(%dma_wait3A_128 : memref<10000xf32, #tpu.memory_space<vmem_shared>>)
        tpu.yield
      }) : () -> ()
      %add3A_118 = arith.constant 4 : i32
      %add3A_119 = arith.addi %add3A_111, %add3A_118 : i32
      %lt3A_120 = arith.constant 125 : i32
      %lt3A_121 = arith.cmpi slt, %add3A_119, %lt3A_120 : i32
      %convert_element_type3A_122 = arith.extui %lt3A_121 : i1 to i32
      %cond3A_123 = arith.constant 0 : i32
      %cond3A_124 = arith.cmpi ne, %convert_element_type3A_122, %cond3A_123 : i32
      scf.if %cond3A_124 {
        %add3A_125 = arith.constant 4 : i32
        %add3A_126 = arith.addi %add3A_111, %add3A_125 : i32
        %mul3A_127 = arith.constant 80 : i32
        %mul3A_128 = arith.muli %add3A_126, %mul3A_127 : i32
        %add3A_129 = arith.addi %mul3A_2, %mul3A_128 : i32
        %multiple_of3A_130 = tpu.assume_multiple %add3A_129, 8 : i32
        %dma_start3A_131 = tpu.memref_slice %arg2[%multiple_of3A_130] : memref<320000xi32, #tpu.memory_space<hbm>> -> memref<80xi32, #tpu.memory_space<hbm>>
        %dma_start3A_132 = tpu.memref_slice %arg2[%multiple_of3A_130] : memref<320000xi32, #tpu.memory_space<hbm>> -> memref<80xi32, #tpu.memory_space<hbm>>
        tpu.enqueue_dma source(%dma_start3A_132 : memref<80xi32, #tpu.memory_space<hbm>>) target(%arg7 : memref<80xi32, #tpu.memory_space<vmem>>) target_semaphore(%arg14 : memref<!tpu.dma_semaphore, #tpu.memory_space<semaphore_mem>>)
      } else {
      }
    }
    %scan3A_41 = arith.constant 31 : i32
    %add3A_42 = arith.constant 9920 : i32
    %add3A_43 = arith.addi %mul3A_2, %add3A_42 : i32
    %multiple_of3A_44 = tpu.assume_multiple %add3A_43, 8 : i32
    %dma_wait3A = tpu.memref_slice %arg2[%multiple_of3A_44] : memref<320000xi32, #tpu.memory_space<hbm>> -> memref<80xi32, #tpu.memory_space<hbm>>
    %dma_wait3A_45 = tpu.memref_slice %arg2[%multiple_of3A_44] : memref<320000xi32, #tpu.memory_space<hbm>> -> memref<80xi32, #tpu.memory_space<hbm>>
    tpu.wait_dma2 semaphore(%arg11 : memref<!tpu.dma_semaphore, #tpu.memory_space<semaphore_mem>>) src(%dma_wait3A_45 : memref<80xi32, #tpu.memory_space<hbm>>) dst(%arg4 : memref<80xi32, #tpu.memory_space<vmem>>)
    "tpu.region"() ({
      %run_scoped3A = tpu.sem_alloc : memref<!tpu.dma_semaphore, #tpu.memory_space<semaphore_mem>>
      %dma_start3A_52 = arith.constant 0 : i32
      %dma_start3A_53 = tpu.memref_slice %arg10[%dma_start3A_52] : memref<10000xf32, #tpu.memory_space<vmem_shared>> -> memref<10000xf32, #tpu.memory_space<vmem_shared>>
      tpu.enqueue_indirect_dma source(%arg8 : memref<80xf32, #tpu.memory_space<vmem>>) target(%dma_start3A_53 : memref<10000xf32, #tpu.memory_space<vmem_shared>>) offsets(%arg4 : memref<80xi32, #tpu.memory_space<vmem>>) semaphore(%run_scoped3A : memref<!tpu.dma_semaphore, #tpu.memory_space<semaphore_mem>>) {add = true}
      %dma_wait3A_54 = arith.constant 0 : i32
      %dma_wait3A_55 = tpu.memref_slice %arg10[%dma_wait3A_54] : memref<10000xf32, #tpu.memory_space<vmem_shared>> -> memref<10000xf32, #tpu.memory_space<vmem_shared>>
      tpu.wait_indirect_dma semaphore(%run_scoped3A : memref<!tpu.dma_semaphore, #tpu.memory_space<semaphore_mem>>) src(%arg8 : memref<80xf32, #tpu.memory_space<vmem>>) dst(%dma_wait3A_55 : memref<10000xf32, #tpu.memory_space<vmem_shared>>)
      tpu.yield
    }) : () -> ()
    %barrier3A_46 = arith.constant 0 : index
    tpu.barrier barrier_id(%barrier3A_46)
    "tpu.region"() ({
      %run_scoped3A = tpu.sem_alloc : memref<!tpu.dma_semaphore, #tpu.memory_space<semaphore_mem>>
      %dma_start3A_52 = tpu.memref_slice %arg3[%arg0, %mul3A_16] : memref<2x10000xf32, #tpu.memory_space<hbm>> -> memref<1x400xf32, #tpu.memory_space<hbm>>
      %dma_start3A_53 = tpu.memref_squeeze %dma_start3A_52 : memref<1x400xf32, #tpu.memory_space<hbm>> -> memref<400xf32, #tpu.memory_space<hbm>>
      %dma_start3A_54 = tpu.memref_slice %arg10[%mul3A_16] : memref<10000xf32, #tpu.memory_space<vmem_shared>> -> memref<400xf32, #tpu.memory_space<vmem_shared>>
      tpu.enqueue_dma source(%dma_start3A_54 : memref<400xf32, #tpu.memory_space<vmem_shared>>) target(%dma_start3A_53 : memref<400xf32, #tpu.memory_space<hbm>>) target_semaphore(%run_scoped3A : memref<!tpu.dma_semaphore, #tpu.memory_space<semaphore_mem>>)
      %dma_wait3A_55 = tpu.memref_slice %arg3[%arg0, %mul3A_16] : memref<2x10000xf32, #tpu.memory_space<hbm>> -> memref<1x400xf32, #tpu.memory_space<hbm>>
      %dma_wait3A_56 = tpu.memref_squeeze %dma_wait3A_55 : memref<1x400xf32, #tpu.memory_space<hbm>> -> memref<400xf32, #tpu.memory_space<hbm>>
      %dma_wait3A_57 = tpu.memref_slice %arg10[%mul3A_16] : memref<10000xf32, #tpu.memory_space<vmem_shared>> -> memref<400xf32, #tpu.memory_space<vmem_shared>>
      tpu.wait_dma2 semaphore(%run_scoped3A : memref<!tpu.dma_semaphore, #tpu.memory_space<semaphore_mem>>) src(%dma_wait3A_57 : memref<400xf32, #tpu.memory_space<vmem_shared>>) dst(%dma_wait3A_56 : memref<400xf32, #tpu.memory_space<hbm>>)
      tpu.yield
    }) : () -> ()
    %lt3A_47 = arith.constant 15 : i32
    %lt3A_48 = arith.cmpi slt, %arg1, %lt3A_47 : i32
    %convert_element_type3A_49 = arith.extui %lt3A_48 : i1 to i32
    %cond3A_50 = arith.constant 0 : i32
    %cond3A_51 = arith.cmpi ne, %convert_element_type3A_49, %cond3A_50 : i32
    scf.if %cond3A_51 {
      %add3A_52 = arith.constant 400 : i32
      %add3A_53 = arith.addi %mul3A_16, %add3A_52 : i32
      %add3A_54 = arith.constant 400 : i32
      %add3A_55 = arith.addi %mul3A_16, %add3A_54 : i32
      "tpu.region"() ({
        %run_scoped3A = tpu.sem_alloc : memref<!tpu.dma_semaphore, #tpu.memory_space<semaphore_mem>>
        %dma_start3A_56 = tpu.memref_slice %arg3[%arg0, %add3A_55] : memref<2x10000xf32, #tpu.memory_space<hbm>> -> memref<1x240xf32, #tpu.memory_space<hbm>>
        %dma_start3A_57 = tpu.memref_squeeze %dma_start3A_56 : memref<1x240xf32, #tpu.memory_space<hbm>> -> memref<240xf32, #tpu.memory_space<hbm>>
        %dma_start3A_58 = tpu.memref_slice %arg10[%add3A_53] : memref<10000xf32, #tpu.memory_space<vmem_shared>> -> memref<240xf32, #tpu.memory_space<vmem_shared>>
        tpu.enqueue_dma source(%dma_start3A_58 : memref<240xf32, #tpu.memory_space<vmem_shared>>) target(%dma_start3A_57 : memref<240xf32, #tpu.memory_space<hbm>>) target_semaphore(%run_scoped3A : memref<!tpu.dma_semaphore, #tpu.memory_space<semaphore_mem>>)
        %dma_wait3A_59 = tpu.memref_slice %arg3[%arg0, %add3A_55] : memref<2x10000xf32, #tpu.memory_space<hbm>> -> memref<1x240xf32, #tpu.memory_space<hbm>>
        %dma_wait3A_60 = tpu.memref_squeeze %dma_wait3A_59 : memref<1x240xf32, #tpu.memory_space<hbm>> -> memref<240xf32, #tpu.memory_space<hbm>>
        %dma_wait3A_61 = tpu.memref_slice %arg10[%add3A_53] : memref<10000xf32, #tpu.memory_space<vmem_shared>> -> memref<240xf32, #tpu.memory_space<vmem_shared>>
        tpu.wait_dma2 semaphore(%run_scoped3A : memref<!tpu.dma_semaphore, #tpu.memory_space<semaphore_mem>>) src(%dma_wait3A_61 : memref<240xf32, #tpu.memory_space<vmem_shared>>) dst(%dma_wait3A_60 : memref<240xf32, #tpu.memory_space<hbm>>)
        tpu.yield
      }) : () -> ()
    } else {
    }
    return
  }
}

#map = affine_map<(d0, d1) -> (0, 0)>
#map1 = affine_map<(d0, d1) -> (0)>
#map2 = affine_map<(d0, d1) -> (0, 0, 0)>
module attributes {stable_mosaic.version = 14 : i64} {
  func.func @k(%arg0: i32, %arg1: i32, %arg2: memref<10000x128xf32, #tpu.memory_space<hbm>>, %arg3: memref<320000xi32, #tpu.memory_space<hbm>>, %arg4: memref<320000xi32, #tpu.memory_space<hbm>>, %arg5: memref<2x10000x128xf32, #tpu.memory_space<hbm>>, %arg6: memref<10000xi32, #tpu.memory_space<vmem>>, %arg7: memref<80xi32, #tpu.memory_space<vmem>>, %arg8: memref<80xi32, #tpu.memory_space<vmem>>, %arg9: memref<80xi32, #tpu.memory_space<vmem>>, %arg10: memref<80x128xf32, #tpu.memory_space<vmem>>, %arg11: memref<80x128xf32, #tpu.memory_space<vmem>>, %arg12: memref<80x128xf32, #tpu.memory_space<vmem>>, %arg13: memref<25x128xf32, #tpu.memory_space<vmem>>, %arg14: memref<10000x128xf32, #tpu.memory_space<vmem_shared>>, %arg15: memref<!tpu.dma_semaphore, #tpu.memory_space<semaphore_mem>>, %arg16: memref<!tpu.dma_semaphore, #tpu.memory_space<semaphore_mem>>, %arg17: memref<!tpu.dma_semaphore, #tpu.memory_space<semaphore_mem>>, %arg18: memref<!tpu.dma_semaphore, #tpu.memory_space<semaphore_mem>>, %arg19: memref<!tpu.dma_semaphore, #tpu.memory_space<semaphore_mem>>, %arg20: memref<!tpu.dma_semaphore, #tpu.memory_space<semaphore_mem>>) attributes {dimension_semantics = [#tpu.dimension_semantics<core_parallel>, #tpu.dimension_semantics<subcore_parallel>], iteration_bounds = array<i64: 2, 16>, scalar_prefetch = 0 : i64, scratch_operands = 15 : i64, tpu.core_type = #tpu.core_type<sc_vector_subcore>, window_params = [{transform_indices = #map}, {transform_indices = #map1}, {transform_indices = #map1}, {transform_indices = #map2}]} {
    %mul3A = arith.constant 2 : i32
    %mul3A_0 = arith.muli %arg1, %mul3A : i32
    %add3A = arith.addi %mul3A_0, %arg0 : i32
    %mul3A_1 = arith.constant 10000 : i32
    %mul3A_2 = arith.muli %add3A, %mul3A_1 : i32
    %broadcast_in_dim3A = arith.constant 0.000000e+00 : f32
    %broadcast_in_dim3A_3 = vector.broadcast %broadcast_in_dim3A : f32 to vector<16xf32>
    %multiple_of3A = tpu.assume_multiple %mul3A_2, 8 : i32
    "tpu.region"() ({
      %run_scoped3A = tpu.sem_alloc : memref<!tpu.dma_semaphore, #tpu.memory_space<semaphore_mem>>
      %dma_start3A_79 = tpu.memref_slice %arg3[%multiple_of3A] : memref<320000xi32, #tpu.memory_space<hbm>> -> memref<10000xi32, #tpu.memory_space<hbm>>
      %dma_start3A_80 = tpu.memref_slice %arg3[%multiple_of3A] : memref<320000xi32, #tpu.memory_space<hbm>> -> memref<10000xi32, #tpu.memory_space<hbm>>
      tpu.enqueue_dma source(%dma_start3A_80 : memref<10000xi32, #tpu.memory_space<hbm>>) target(%arg6 : memref<10000xi32, #tpu.memory_space<vmem>>) target_semaphore(%run_scoped3A : memref<!tpu.dma_semaphore, #tpu.memory_space<semaphore_mem>>)
      %dma_wait3A_81 = tpu.memref_slice %arg3[%multiple_of3A] : memref<320000xi32, #tpu.memory_space<hbm>> -> memref<10000xi32, #tpu.memory_space<hbm>>
      %dma_wait3A_82 = tpu.memref_slice %arg3[%multiple_of3A] : memref<320000xi32, #tpu.memory_space<hbm>> -> memref<10000xi32, #tpu.memory_space<hbm>>
      tpu.wait_dma2 semaphore(%run_scoped3A : memref<!tpu.dma_semaphore, #tpu.memory_space<semaphore_mem>>) src(%dma_wait3A_82 : memref<10000xi32, #tpu.memory_space<hbm>>) dst(%arg6 : memref<10000xi32, #tpu.memory_space<vmem>>)
      tpu.yield
    }) : () -> ()
    %scan3A = arith.constant 0 : i32
    %scan3A_4 = arith.constant 25 : i32
    %scan3A_5 = arith.addi %scan3A, %scan3A_4 : i32
    %scan3A_6 = arith.constant 1 : i32
    scf.for %scan3A_79 = %scan3A to %scan3A_5 step %scan3A_6  : i32 {
      %mul3A_80 = arith.constant 1 : i32
      %mul3A_81 = arith.muli %scan3A_79, %mul3A_80 : i32
      %add3A_82 = arith.constant 0 : i32
      %add3A_83 = arith.addi %add3A_82, %mul3A_81 : i32
      %scan3A_84 = arith.constant 0 : i32
      %scan3A_85 = arith.constant 8 : i32
      %scan3A_86 = arith.addi %scan3A_84, %scan3A_85 : i32
      %scan3A_87 = arith.constant 1 : i32
      scf.for %scan3A_89 = %scan3A_84 to %scan3A_86 step %scan3A_87  : i32 {
        %mul3A_90 = arith.constant 1 : i32
        %mul3A_91 = arith.muli %scan3A_89, %mul3A_90 : i32
        %add3A_92 = arith.constant 0 : i32
        %add3A_93 = arith.addi %add3A_92, %mul3A_91 : i32
        %mul3A_94 = arith.constant 16 : i32
        %mul3A_95 = arith.muli %add3A_93, %mul3A_94 : i32
        %swap3A = arith.index_cast %add3A_83 : i32 to index
        %swap3A_96 = arith.index_cast %mul3A_95 : i32 to index
        %swap3A_97 = tpu.vector_load %arg13[%swap3A, %swap3A_96] {strides = array<i32>} : memref<25x128xf32, #tpu.memory_space<vmem>>, vector<1x16xf32>,
        %swap3A_98 = vector.shape_cast %swap3A_97 : vector<1x16xf32> to vector<16xf32>
        %swap3A_99 = vector.shape_cast %broadcast_in_dim3A_3 : vector<16xf32> to vector<1x16xf32>
        tpu.vector_store %arg13[%swap3A, %swap3A_96], %swap3A_99 {strides = array<i32>} : memref<25x128xf32, #tpu.memory_space<vmem>>, vector<1x16xf32>,
      }
      %scan3A_88 = arith.constant 8 : i32
    }
    %scan3A_7 = arith.constant 25 : i32
    %mul3A_8 = arith.constant 625 : i32
    %mul3A_9 = arith.muli %arg1, %mul3A_8 : i32
    %scan3A_10 = arith.constant 0 : i32
    %scan3A_11 = arith.constant 25 : i32
    %scan3A_12 = arith.addi %scan3A_10, %scan3A_11 : i32
    %scan3A_13 = arith.constant 1 : i32
    scf.for %scan3A_79 = %scan3A_10 to %scan3A_12 step %scan3A_13  : i32 {
      %mul3A_80 = arith.constant 1 : i32
      %mul3A_81 = arith.muli %scan3A_79, %mul3A_80 : i32
      %add3A_82 = arith.constant 0 : i32
      %add3A_83 = arith.addi %add3A_82, %mul3A_81 : i32
      %mul3A_84 = arith.constant 25 : i32
      %mul3A_85 = arith.muli %add3A_83, %mul3A_84 : i32
      %add3A_86 = arith.addi %mul3A_9, %mul3A_85 : i32
      "tpu.region"() ({
        %run_scoped3A = tpu.sem_alloc : memref<!tpu.dma_semaphore, #tpu.memory_space<semaphore_mem>>
        %dma_start3A_87 = arith.constant 0 : i32
        %dma_start3A_88 = tpu.memref_slice %arg14[%add3A_86, %dma_start3A_87] : memref<10000x128xf32, #tpu.memory_space<vmem_shared>> -> memref<25x128xf32, #tpu.memory_space<vmem_shared>>
        %dma_start3A_89 = arith.constant 0 : i32
        %dma_start3A_90 = tpu.memref_slice %arg14[%add3A_86, %dma_start3A_89] : memref<10000x128xf32, #tpu.memory_space<vmem_shared>> -> memref<25x128xf32, #tpu.memory_space<vmem_shared>>
        tpu.enqueue_dma source(%arg13 : memref<25x128xf32, #tpu.memory_space<vmem>>) target(%dma_start3A_90 : memref<25x128xf32, #tpu.memory_space<vmem_shared>>) target_semaphore(%run_scoped3A : memref<!tpu.dma_semaphore, #tpu.memory_space<semaphore_mem>>)
        %dma_wait3A_91 = arith.constant 0 : i32
        %dma_wait3A_92 = tpu.memref_slice %arg14[%add3A_86, %dma_wait3A_91] : memref<10000x128xf32, #tpu.memory_space<vmem_shared>> -> memref<25x128xf32, #tpu.memory_space<vmem_shared>>
        %dma_wait3A_93 = arith.constant 0 : i32
        %dma_wait3A_94 = tpu.memref_slice %arg14[%add3A_86, %dma_wait3A_93] : memref<10000x128xf32, #tpu.memory_space<vmem_shared>> -> memref<25x128xf32, #tpu.memory_space<vmem_shared>>
        tpu.wait_dma2 semaphore(%run_scoped3A : memref<!tpu.dma_semaphore, #tpu.memory_space<semaphore_mem>>) src(%arg13 : memref<25x128xf32, #tpu.memory_space<vmem>>) dst(%dma_wait3A_94 : memref<25x128xf32, #tpu.memory_space<vmem_shared>>)
        tpu.yield
      }) : () -> ()
    }
    %scan3A_14 = arith.constant 25 : i32
    %barrier3A = arith.constant 0 : index
    tpu.barrier barrier_id(%barrier3A)
    %add3A_15 = arith.constant 0 : i32
    %add3A_16 = arith.addi %mul3A_2, %add3A_15 : i32
    %multiple_of3A_17 = tpu.assume_multiple %add3A_16, 8 : i32
    %dma_start3A = tpu.memref_slice %arg4[%multiple_of3A_17] : memref<320000xi32, #tpu.memory_space<hbm>> -> memref<80xi32, #tpu.memory_space<hbm>>
    %dma_start3A_18 = tpu.memref_slice %arg4[%multiple_of3A_17] : memref<320000xi32, #tpu.memory_space<hbm>> -> memref<80xi32, #tpu.memory_space<hbm>>
    tpu.enqueue_dma source(%dma_start3A_18 : memref<80xi32, #tpu.memory_space<hbm>>) target(%arg7 : memref<80xi32, #tpu.memory_space<vmem>>) target_semaphore(%arg15 : memref<!tpu.dma_semaphore, #tpu.memory_space<semaphore_mem>>)
    %multiple_of3A_19 = arith.constant 0 : i32
    %multiple_of3A_20 = tpu.assume_multiple %multiple_of3A_19, 8 : i32
    %dma_start3A_21 = tpu.memref_slice %arg6[%multiple_of3A_20] : memref<10000xi32, #tpu.memory_space<vmem>> -> memref<80xi32, #tpu.memory_space<vmem>>
    %dma_start3A_22 = arith.constant 0 : i32
    %dma_start3A_23 = arith.constant 0 : i32
    %dma_start3A_24 = tpu.memref_slice %arg2[%dma_start3A_22, %dma_start3A_23] : memref<10000x128xf32, #tpu.memory_space<hbm>> -> memref<10000x128xf32, #tpu.memory_space<hbm>>
    tpu.enqueue_indirect_dma source(%dma_start3A_24 : memref<10000x128xf32, #tpu.memory_space<hbm>>) target(%arg10 : memref<80x128xf32, #tpu.memory_space<vmem>>) offsets(%dma_start3A_21 : memref<80xi32, #tpu.memory_space<vmem>>) semaphore(%arg18 : memref<!tpu.dma_semaphore, #tpu.memory_space<semaphore_mem>>)
    %add3A_25 = arith.constant 80 : i32
    %add3A_26 = arith.addi %mul3A_2, %add3A_25 : i32
    %multiple_of3A_27 = tpu.assume_multiple %add3A_26, 8 : i32
    %dma_start3A_28 = tpu.memref_slice %arg4[%multiple_of3A_27] : memref<320000xi32, #tpu.memory_space<hbm>> -> memref<80xi32, #tpu.memory_space<hbm>>
    %dma_start3A_29 = tpu.memref_slice %arg4[%multiple_of3A_27] : memref<320000xi32, #tpu.memory_space<hbm>> -> memref<80xi32, #tpu.memory_space<hbm>>
    tpu.enqueue_dma source(%dma_start3A_29 : memref<80xi32, #tpu.memory_space<hbm>>) target(%arg8 : memref<80xi32, #tpu.memory_space<vmem>>) target_semaphore(%arg16 : memref<!tpu.dma_semaphore, #tpu.memory_space<semaphore_mem>>)
    %multiple_of3A_30 = arith.constant 80 : i32
    %multiple_of3A_31 = tpu.assume_multiple %multiple_of3A_30, 8 : i32
    %dma_start3A_32 = tpu.memref_slice %arg6[%multiple_of3A_31] : memref<10000xi32, #tpu.memory_space<vmem>> -> memref<80xi32, #tpu.memory_space<vmem>>
    %dma_start3A_33 = arith.constant 0 : i32
    %dma_start3A_34 = arith.constant 0 : i32
    %dma_start3A_35 = tpu.memref_slice %arg2[%dma_start3A_33, %dma_start3A_34] : memref<10000x128xf32, #tpu.memory_space<hbm>> -> memref<10000x128xf32, #tpu.memory_space<hbm>>
    tpu.enqueue_indirect_dma source(%dma_start3A_35 : memref<10000x128xf32, #tpu.memory_space<hbm>>) target(%arg11 : memref<80x128xf32, #tpu.memory_space<vmem>>) offsets(%dma_start3A_32 : memref<80xi32, #tpu.memory_space<vmem>>) semaphore(%arg19 : memref<!tpu.dma_semaphore, #tpu.memory_space<semaphore_mem>>)
    %add3A_36 = arith.constant 160 : i32
    %add3A_37 = arith.addi %mul3A_2, %add3A_36 : i32
    %multiple_of3A_38 = tpu.assume_multiple %add3A_37, 8 : i32
    %dma_start3A_39 = tpu.memref_slice %arg4[%multiple_of3A_38] : memref<320000xi32, #tpu.memory_space<hbm>> -> memref<80xi32, #tpu.memory_space<hbm>>
    %dma_start3A_40 = tpu.memref_slice %arg4[%multiple_of3A_38] : memref<320000xi32, #tpu.memory_space<hbm>> -> memref<80xi32, #tpu.memory_space<hbm>>
    tpu.enqueue_dma source(%dma_start3A_40 : memref<80xi32, #tpu.memory_space<hbm>>) target(%arg9 : memref<80xi32, #tpu.memory_space<vmem>>) target_semaphore(%arg17 : memref<!tpu.dma_semaphore, #tpu.memory_space<semaphore_mem>>)
    %multiple_of3A_41 = arith.constant 160 : i32
    %multiple_of3A_42 = tpu.assume_multiple %multiple_of3A_41, 8 : i32
    %dma_start3A_43 = tpu.memref_slice %arg6[%multiple_of3A_42] : memref<10000xi32, #tpu.memory_space<vmem>> -> memref<80xi32, #tpu.memory_space<vmem>>
    %dma_start3A_44 = arith.constant 0 : i32
    %dma_start3A_45 = arith.constant 0 : i32
    %dma_start3A_46 = tpu.memref_slice %arg2[%dma_start3A_44, %dma_start3A_45] : memref<10000x128xf32, #tpu.memory_space<hbm>> -> memref<10000x128xf32, #tpu.memory_space<hbm>>
    tpu.enqueue_indirect_dma source(%dma_start3A_46 : memref<10000x128xf32, #tpu.memory_space<hbm>>) target(%arg12 : memref<80x128xf32, #tpu.memory_space<vmem>>) offsets(%dma_start3A_43 : memref<80xi32, #tpu.memory_space<vmem>>) semaphore(%arg20 : memref<!tpu.dma_semaphore, #tpu.memory_space<semaphore_mem>>)
    %scan3A_47 = arith.constant 0 : i32
    %scan3A_48 = arith.constant 41 : i32
    %scan3A_49 = arith.addi %scan3A_47, %scan3A_48 : i32
    %scan3A_50 = arith.constant 1 : i32
    scf.for %scan3A_79 = %scan3A_47 to %scan3A_49 step %scan3A_50  : i32 {
      %mul3A_80 = arith.constant 1 : i32
      %mul3A_81 = arith.muli %scan3A_79, %mul3A_80 : i32
      %add3A_82 = arith.constant 0 : i32
      %add3A_83 = arith.addi %add3A_82, %mul3A_81 : i32
      %mul3A_84 = arith.constant 3 : i32
      %mul3A_85 = arith.muli %add3A_83, %mul3A_84 : i32
      %add3A_86 = arith.constant 0 : i32
      %add3A_87 = arith.addi %mul3A_85, %add3A_86 : i32
      %mul3A_88 = arith.constant 80 : i32
      %mul3A_89 = arith.muli %add3A_87, %mul3A_88 : i32
      %add3A_90 = arith.addi %mul3A_2, %mul3A_89 : i32
      %multiple_of3A_91 = tpu.assume_multiple %add3A_90, 8 : i32
      %dma_wait3A_92 = tpu.memref_slice %arg4[%multiple_of3A_91] : memref<320000xi32, #tpu.memory_space<hbm>> -> memref<80xi32, #tpu.memory_space<hbm>>
      %dma_wait3A_93 = tpu.memref_slice %arg4[%multiple_of3A_91] : memref<320000xi32, #tpu.memory_space<hbm>> -> memref<80xi32, #tpu.memory_space<hbm>>
      tpu.wait_dma2 semaphore(%arg15 : memref<!tpu.dma_semaphore, #tpu.memory_space<semaphore_mem>>) src(%dma_wait3A_93 : memref<80xi32, #tpu.memory_space<hbm>>) dst(%arg7 : memref<80xi32, #tpu.memory_space<vmem>>)
      %mul3A_94 = arith.constant 80 : i32
      %mul3A_95 = arith.muli %add3A_87, %mul3A_94 : i32
      %multiple_of3A_96 = tpu.assume_multiple %mul3A_95, 8 : i32
      %dma_wait3A_97 = tpu.memref_slice %arg6[%multiple_of3A_96] : memref<10000xi32, #tpu.memory_space<vmem>> -> memref<80xi32, #tpu.memory_space<vmem>>
      %dma_wait3A_98 = arith.constant 0 : i32
      %dma_wait3A_99 = arith.constant 0 : i32
      %dma_wait3A_100 = tpu.memref_slice %arg2[%dma_wait3A_98, %dma_wait3A_99] : memref<10000x128xf32, #tpu.memory_space<hbm>> -> memref<10000x128xf32, #tpu.memory_space<hbm>>
      tpu.wait_indirect_dma semaphore(%arg18 : memref<!tpu.dma_semaphore, #tpu.memory_space<semaphore_mem>>) src(%dma_wait3A_100 : memref<10000x128xf32, #tpu.memory_space<hbm>>) dst(%arg10 : memref<80x128xf32, #tpu.memory_space<vmem>>)
      "tpu.region"() ({
        %run_scoped3A = tpu.sem_alloc : memref<!tpu.dma_semaphore, #tpu.memory_space<semaphore_mem>>
        %dma_start3A_153 = arith.constant 0 : i32
        %dma_start3A_154 = arith.constant 0 : i32
        %dma_start3A_155 = tpu.memref_slice %arg14[%dma_start3A_153, %dma_start3A_154] : memref<10000x128xf32, #tpu.memory_space<vmem_shared>> -> memref<10000x128xf32, #tpu.memory_space<vmem_shared>>
        tpu.enqueue_indirect_dma source(%arg10 : memref<80x128xf32, #tpu.memory_space<vmem>>) target(%dma_start3A_155 : memref<10000x128xf32, #tpu.memory_space<vmem_shared>>) offsets(%arg7 : memref<80xi32, #tpu.memory_space<vmem>>) semaphore(%run_scoped3A : memref<!tpu.dma_semaphore, #tpu.memory_space<semaphore_mem>>) {add = true}
        %dma_wait3A_156 = arith.constant 0 : i32
        %dma_wait3A_157 = arith.constant 0 : i32
        %dma_wait3A_158 = tpu.memref_slice %arg14[%dma_wait3A_156, %dma_wait3A_157] : memref<10000x128xf32, #tpu.memory_space<vmem_shared>> -> memref<10000x128xf32, #tpu.memory_space<vmem_shared>>
        tpu.wait_indirect_dma semaphore(%run_scoped3A : memref<!tpu.dma_semaphore, #tpu.memory_space<semaphore_mem>>) src(%arg10 : memref<80x128xf32, #tpu.memory_space<vmem>>) dst(%dma_wait3A_158 : memref<10000x128xf32, #tpu.memory_space<vmem_shared>>)
        tpu.yield
      }) : () -> ()
      %add3A_101 = arith.constant 3 : i32
      %add3A_102 = arith.addi %add3A_87, %add3A_101 : i32
      %lt3A = arith.constant 125 : i32
      %lt3A_103 = arith.cmpi slt, %add3A_102, %lt3A : i32
      %convert_element_type3A = arith.extui %lt3A_103 : i1 to i32
      %cond3A = arith.constant 0 : i32
      %cond3A_104 = arith.cmpi ne, %convert_element_type3A, %cond3A : i32
      scf.if %cond3A_104 {
        %add3A_153 = arith.constant 3 : i32
        %add3A_154 = arith.addi %add3A_87, %add3A_153 : i32
        %mul3A_155 = arith.constant 80 : i32
        %mul3A_156 = arith.muli %add3A_154, %mul3A_155 : i32
        %add3A_157 = arith.addi %mul3A_2, %mul3A_156 : i32
        %multiple_of3A_158 = tpu.assume_multiple %add3A_157, 8 : i32
        %dma_start3A_159 = tpu.memref_slice %arg4[%multiple_of3A_158] : memref<320000xi32, #tpu.memory_space<hbm>> -> memref<80xi32, #tpu.memory_space<hbm>>
        %dma_start3A_160 = tpu.memref_slice %arg4[%multiple_of3A_158] : memref<320000xi32, #tpu.memory_space<hbm>> -> memref<80xi32, #tpu.memory_space<hbm>>
        tpu.enqueue_dma source(%dma_start3A_160 : memref<80xi32, #tpu.memory_space<hbm>>) target(%arg7 : memref<80xi32, #tpu.memory_space<vmem>>) target_semaphore(%arg15 : memref<!tpu.dma_semaphore, #tpu.memory_space<semaphore_mem>>)
        %add3A_161 = arith.constant 3 : i32
        %add3A_162 = arith.addi %add3A_87, %add3A_161 : i32
        %mul3A_163 = arith.constant 80 : i32
        %mul3A_164 = arith.muli %add3A_162, %mul3A_163 : i32
        %multiple_of3A_165 = tpu.assume_multiple %mul3A_164, 8 : i32
        %dma_start3A_166 = tpu.memref_slice %arg6[%multiple_of3A_165] : memref<10000xi32, #tpu.memory_space<vmem>> -> memref<80xi32, #tpu.memory_space<vmem>>
        %dma_start3A_167 = arith.constant 0 : i32
        %dma_start3A_168 = arith.constant 0 : i32
        %dma_start3A_169 = tpu.memref_slice %arg2[%dma_start3A_167, %dma_start3A_168] : memref<10000x128xf32, #tpu.memory_space<hbm>> -> memref<10000x128xf32, #tpu.memory_space<hbm>>
        tpu.enqueue_indirect_dma source(%dma_start3A_169 : memref<10000x128xf32, #tpu.memory_space<hbm>>) target(%arg10 : memref<80x128xf32, #tpu.memory_space<vmem>>) offsets(%dma_start3A_166 : memref<80xi32, #tpu.memory_space<vmem>>) semaphore(%arg18 : memref<!tpu.dma_semaphore, #tpu.memory_space<semaphore_mem>>)
      } else {
      }
      %mul3A_105 = arith.constant 3 : i32
      %mul3A_106 = arith.muli %add3A_83, %mul3A_105 : i32
      %add3A_107 = arith.constant 1 : i32
      %add3A_108 = arith.addi %mul3A_106, %add3A_107 : i32
      %mul3A_109 = arith.constant 80 : i32
      %mul3A_110 = arith.muli %add3A_108, %mul3A_109 : i32
      %add3A_111 = arith.addi %mul3A_2, %mul3A_110 : i32
      %multiple_of3A_112 = tpu.assume_multiple %add3A_111, 8 : i32
      %dma_wait3A_113 = tpu.memref_slice %arg4[%multiple_of3A_112] : memref<320000xi32, #tpu.memory_space<hbm>> -> memref<80xi32, #tpu.memory_space<hbm>>
      %dma_wait3A_114 = tpu.memref_slice %arg4[%multiple_of3A_112] : memref<320000xi32, #tpu.memory_space<hbm>> -> memref<80xi32, #tpu.memory_space<hbm>>
      tpu.wait_dma2 semaphore(%arg16 : memref<!tpu.dma_semaphore, #tpu.memory_space<semaphore_mem>>) src(%dma_wait3A_114 : memref<80xi32, #tpu.memory_space<hbm>>) dst(%arg8 : memref<80xi32, #tpu.memory_space<vmem>>)
      %mul3A_115 = arith.constant 80 : i32
      %mul3A_116 = arith.muli %add3A_108, %mul3A_115 : i32
      %multiple_of3A_117 = tpu.assume_multiple %mul3A_116, 8 : i32
      %dma_wait3A_118 = tpu.memref_slice %arg6[%multiple_of3A_117] : memref<10000xi32, #tpu.memory_space<vmem>> -> memref<80xi32, #tpu.memory_space<vmem>>
      %dma_wait3A_119 = arith.constant 0 : i32
      %dma_wait3A_120 = arith.constant 0 : i32
      %dma_wait3A_121 = tpu.memref_slice %arg2[%dma_wait3A_119, %dma_wait3A_120] : memref<10000x128xf32, #tpu.memory_space<hbm>> -> memref<10000x128xf32, #tpu.memory_space<hbm>>
      tpu.wait_indirect_dma semaphore(%arg19 : memref<!tpu.dma_semaphore, #tpu.memory_space<semaphore_mem>>) src(%dma_wait3A_121 : memref<10000x128xf32, #tpu.memory_space<hbm>>) dst(%arg11 : memref<80x128xf32, #tpu.memory_space<vmem>>)
      "tpu.region"() ({
        %run_scoped3A = tpu.sem_alloc : memref<!tpu.dma_semaphore, #tpu.memory_space<semaphore_mem>>
        %dma_start3A_153 = arith.constant 0 : i32
        %dma_start3A_154 = arith.constant 0 : i32
        %dma_start3A_155 = tpu.memref_slice %arg14[%dma_start3A_153, %dma_start3A_154] : memref<10000x128xf32, #tpu.memory_space<vmem_shared>> -> memref<10000x128xf32, #tpu.memory_space<vmem_shared>>
        tpu.enqueue_indirect_dma source(%arg11 : memref<80x128xf32, #tpu.memory_space<vmem>>) target(%dma_start3A_155 : memref<10000x128xf32, #tpu.memory_space<vmem_shared>>) offsets(%arg8 : memref<80xi32, #tpu.memory_space<vmem>>) semaphore(%run_scoped3A : memref<!tpu.dma_semaphore, #tpu.memory_space<semaphore_mem>>) {add = true}
        %dma_wait3A_156 = arith.constant 0 : i32
        %dma_wait3A_157 = arith.constant 0 : i32
        %dma_wait3A_158 = tpu.memref_slice %arg14[%dma_wait3A_156, %dma_wait3A_157] : memref<10000x128xf32, #tpu.memory_space<vmem_shared>> -> memref<10000x128xf32, #tpu.memory_space<vmem_shared>>
        tpu.wait_indirect_dma semaphore(%run_scoped3A : memref<!tpu.dma_semaphore, #tpu.memory_space<semaphore_mem>>) src(%arg11 : memref<80x128xf32, #tpu.memory_space<vmem>>) dst(%dma_wait3A_158 : memref<10000x128xf32, #tpu.memory_space<vmem_shared>>)
        tpu.yield
      }) : () -> ()
      %add3A_122 = arith.constant 3 : i32
      %add3A_123 = arith.addi %add3A_108, %add3A_122 : i32
      %lt3A_124 = arith.constant 125 : i32
      %lt3A_125 = arith.cmpi slt, %add3A_123, %lt3A_124 : i32
      %convert_element_type3A_126 = arith.extui %lt3A_125 : i1 to i32
      %cond3A_127 = arith.constant 0 : i32
      %cond3A_128 = arith.cmpi ne, %convert_element_type3A_126, %cond3A_127 : i32
      scf.if %cond3A_128 {
        %add3A_153 = arith.constant 3 : i32
        %add3A_154 = arith.addi %add3A_108, %add3A_153 : i32
        %mul3A_155 = arith.constant 80 : i32
        %mul3A_156 = arith.muli %add3A_154, %mul3A_155 : i32
        %add3A_157 = arith.addi %mul3A_2, %mul3A_156 : i32
        %multiple_of3A_158 = tpu.assume_multiple %add3A_157, 8 : i32
        %dma_start3A_159 = tpu.memref_slice %arg4[%multiple_of3A_158] : memref<320000xi32, #tpu.memory_space<hbm>> -> memref<80xi32, #tpu.memory_space<hbm>>
        %dma_start3A_160 = tpu.memref_slice %arg4[%multiple_of3A_158] : memref<320000xi32, #tpu.memory_space<hbm>> -> memref<80xi32, #tpu.memory_space<hbm>>
        tpu.enqueue_dma source(%dma_start3A_160 : memref<80xi32, #tpu.memory_space<hbm>>) target(%arg8 : memref<80xi32, #tpu.memory_space<vmem>>) target_semaphore(%arg16 : memref<!tpu.dma_semaphore, #tpu.memory_space<semaphore_mem>>)
        %add3A_161 = arith.constant 3 : i32
        %add3A_162 = arith.addi %add3A_108, %add3A_161 : i32
        %mul3A_163 = arith.constant 80 : i32
        %mul3A_164 = arith.muli %add3A_162, %mul3A_163 : i32
        %multiple_of3A_165 = tpu.assume_multiple %mul3A_164, 8 : i32
        %dma_start3A_166 = tpu.memref_slice %arg6[%multiple_of3A_165] : memref<10000xi32, #tpu.memory_space<vmem>> -> memref<80xi32, #tpu.memory_space<vmem>>
        %dma_start3A_167 = arith.constant 0 : i32
        %dma_start3A_168 = arith.constant 0 : i32
        %dma_start3A_169 = tpu.memref_slice %arg2[%dma_start3A_167, %dma_start3A_168] : memref<10000x128xf32, #tpu.memory_space<hbm>> -> memref<10000x128xf32, #tpu.memory_space<hbm>>
        tpu.enqueue_indirect_dma source(%dma_start3A_169 : memref<10000x128xf32, #tpu.memory_space<hbm>>) target(%arg11 : memref<80x128xf32, #tpu.memory_space<vmem>>) offsets(%dma_start3A_166 : memref<80xi32, #tpu.memory_space<vmem>>) semaphore(%arg19 : memref<!tpu.dma_semaphore, #tpu.memory_space<semaphore_mem>>)
      } else {
      }
      %mul3A_129 = arith.constant 3 : i32
      %mul3A_130 = arith.muli %add3A_83, %mul3A_129 : i32
      %add3A_131 = arith.constant 2 : i32
      %add3A_132 = arith.addi %mul3A_130, %add3A_131 : i32
      %mul3A_133 = arith.constant 80 : i32
      %mul3A_134 = arith.muli %add3A_132, %mul3A_133 : i32
      %add3A_135 = arith.addi %mul3A_2, %mul3A_134 : i32
      %multiple_of3A_136 = tpu.assume_multiple %add3A_135, 8 : i32
      %dma_wait3A_137 = tpu.memref_slice %arg4[%multiple_of3A_136] : memref<320000xi32, #tpu.memory_space<hbm>> -> memref<80xi32, #tpu.memory_space<hbm>>
      %dma_wait3A_138 = tpu.memref_slice %arg4[%multiple_of3A_136] : memref<320000xi32, #tpu.memory_space<hbm>> -> memref<80xi32, #tpu.memory_space<hbm>>
      tpu.wait_dma2 semaphore(%arg17 : memref<!tpu.dma_semaphore, #tpu.memory_space<semaphore_mem>>) src(%dma_wait3A_138 : memref<80xi32, #tpu.memory_space<hbm>>) dst(%arg9 : memref<80xi32, #tpu.memory_space<vmem>>)
      %mul3A_139 = arith.constant 80 : i32
      %mul3A_140 = arith.muli %add3A_132, %mul3A_139 : i32
      %multiple_of3A_141 = tpu.assume_multiple %mul3A_140, 8 : i32
      %dma_wait3A_142 = tpu.memref_slice %arg6[%multiple_of3A_141] : memref<10000xi32, #tpu.memory_space<vmem>> -> memref<80xi32, #tpu.memory_space<vmem>>
      %dma_wait3A_143 = arith.constant 0 : i32
      %dma_wait3A_144 = arith.constant 0 : i32
      %dma_wait3A_145 = tpu.memref_slice %arg2[%dma_wait3A_143, %dma_wait3A_144] : memref<10000x128xf32, #tpu.memory_space<hbm>> -> memref<10000x128xf32, #tpu.memory_space<hbm>>
      tpu.wait_indirect_dma semaphore(%arg20 : memref<!tpu.dma_semaphore, #tpu.memory_space<semaphore_mem>>) src(%dma_wait3A_145 : memref<10000x128xf32, #tpu.memory_space<hbm>>) dst(%arg12 : memref<80x128xf32, #tpu.memory_space<vmem>>)
      "tpu.region"() ({
        %run_scoped3A = tpu.sem_alloc : memref<!tpu.dma_semaphore, #tpu.memory_space<semaphore_mem>>
        %dma_start3A_153 = arith.constant 0 : i32
        %dma_start3A_154 = arith.constant 0 : i32
        %dma_start3A_155 = tpu.memref_slice %arg14[%dma_start3A_153, %dma_start3A_154] : memref<10000x128xf32, #tpu.memory_space<vmem_shared>> -> memref<10000x128xf32, #tpu.memory_space<vmem_shared>>
        tpu.enqueue_indirect_dma source(%arg12 : memref<80x128xf32, #tpu.memory_space<vmem>>) target(%dma_start3A_155 : memref<10000x128xf32, #tpu.memory_space<vmem_shared>>) offsets(%arg9 : memref<80xi32, #tpu.memory_space<vmem>>) semaphore(%run_scoped3A : memref<!tpu.dma_semaphore, #tpu.memory_space<semaphore_mem>>) {add = true}
        %dma_wait3A_156 = arith.constant 0 : i32
        %dma_wait3A_157 = arith.constant 0 : i32
        %dma_wait3A_158 = tpu.memref_slice %arg14[%dma_wait3A_156, %dma_wait3A_157] : memref<10000x128xf32, #tpu.memory_space<vmem_shared>> -> memref<10000x128xf32, #tpu.memory_space<vmem_shared>>
        tpu.wait_indirect_dma semaphore(%run_scoped3A : memref<!tpu.dma_semaphore, #tpu.memory_space<semaphore_mem>>) src(%arg12 : memref<80x128xf32, #tpu.memory_space<vmem>>) dst(%dma_wait3A_158 : memref<10000x128xf32, #tpu.memory_space<vmem_shared>>)
        tpu.yield
      }) : () -> ()
      %add3A_146 = arith.constant 3 : i32
      %add3A_147 = arith.addi %add3A_132, %add3A_146 : i32
      %lt3A_148 = arith.constant 125 : i32
      %lt3A_149 = arith.cmpi slt, %add3A_147, %lt3A_148 : i32
      %convert_element_type3A_150 = arith.extui %lt3A_149 : i1 to i32
      %cond3A_151 = arith.constant 0 : i32
      %cond3A_152 = arith.cmpi ne, %convert_element_type3A_150, %cond3A_151 : i32
      scf.if %cond3A_152 {
        %add3A_153 = arith.constant 3 : i32
        %add3A_154 = arith.addi %add3A_132, %add3A_153 : i32
        %mul3A_155 = arith.constant 80 : i32
        %mul3A_156 = arith.muli %add3A_154, %mul3A_155 : i32
        %add3A_157 = arith.addi %mul3A_2, %mul3A_156 : i32
        %multiple_of3A_158 = tpu.assume_multiple %add3A_157, 8 : i32
        %dma_start3A_159 = tpu.memref_slice %arg4[%multiple_of3A_158] : memref<320000xi32, #tpu.memory_space<hbm>> -> memref<80xi32, #tpu.memory_space<hbm>>
        %dma_start3A_160 = tpu.memref_slice %arg4[%multiple_of3A_158] : memref<320000xi32, #tpu.memory_space<hbm>> -> memref<80xi32, #tpu.memory_space<hbm>>
        tpu.enqueue_dma source(%dma_start3A_160 : memref<80xi32, #tpu.memory_space<hbm>>) target(%arg9 : memref<80xi32, #tpu.memory_space<vmem>>) target_semaphore(%arg17 : memref<!tpu.dma_semaphore, #tpu.memory_space<semaphore_mem>>)
        %add3A_161 = arith.constant 3 : i32
        %add3A_162 = arith.addi %add3A_132, %add3A_161 : i32
        %mul3A_163 = arith.constant 80 : i32
        %mul3A_164 = arith.muli %add3A_162, %mul3A_163 : i32
        %multiple_of3A_165 = tpu.assume_multiple %mul3A_164, 8 : i32
        %dma_start3A_166 = tpu.memref_slice %arg6[%multiple_of3A_165] : memref<10000xi32, #tpu.memory_space<vmem>> -> memref<80xi32, #tpu.memory_space<vmem>>
        %dma_start3A_167 = arith.constant 0 : i32
        %dma_start3A_168 = arith.constant 0 : i32
        %dma_start3A_169 = tpu.memref_slice %arg2[%dma_start3A_167, %dma_start3A_168] : memref<10000x128xf32, #tpu.memory_space<hbm>> -> memref<10000x128xf32, #tpu.memory_space<hbm>>
        tpu.enqueue_indirect_dma source(%dma_start3A_169 : memref<10000x128xf32, #tpu.memory_space<hbm>>) target(%arg12 : memref<80x128xf32, #tpu.memory_space<vmem>>) offsets(%dma_start3A_166 : memref<80xi32, #tpu.memory_space<vmem>>) semaphore(%arg20 : memref<!tpu.dma_semaphore, #tpu.memory_space<semaphore_mem>>)
      } else {
      }
    }
    %scan3A_51 = arith.constant 41 : i32
    %add3A_52 = arith.constant 9840 : i32
    %add3A_53 = arith.addi %mul3A_2, %add3A_52 : i32
    %multiple_of3A_54 = tpu.assume_multiple %add3A_53, 8 : i32
    %dma_wait3A = tpu.memref_slice %arg4[%multiple_of3A_54] : memref<320000xi32, #tpu.memory_space<hbm>> -> memref<80xi32, #tpu.memory_space<hbm>>
    %dma_wait3A_55 = tpu.memref_slice %arg4[%multiple_of3A_54] : memref<320000xi32, #tpu.memory_space<hbm>> -> memref<80xi32, #tpu.memory_space<hbm>>
    tpu.wait_dma2 semaphore(%arg15 : memref<!tpu.dma_semaphore, #tpu.memory_space<semaphore_mem>>) src(%dma_wait3A_55 : memref<80xi32, #tpu.memory_space<hbm>>) dst(%arg7 : memref<80xi32, #tpu.memory_space<vmem>>)
    %multiple_of3A_56 = arith.constant 9840 : i32
    %multiple_of3A_57 = tpu.assume_multiple %multiple_of3A_56, 8 : i32
    %dma_wait3A_58 = tpu.memref_slice %arg6[%multiple_of3A_57] : memref<10000xi32, #tpu.memory_space<vmem>> -> memref<80xi32, #tpu.memory_space<vmem>>
    %dma_wait3A_59 = arith.constant 0 : i32
    %dma_wait3A_60 = arith.constant 0 : i32
    %dma_wait3A_61 = tpu.memref_slice %arg2[%dma_wait3A_59, %dma_wait3A_60] : memref<10000x128xf32, #tpu.memory_space<hbm>> -> memref<10000x128xf32, #tpu.memory_space<hbm>>
    tpu.wait_indirect_dma semaphore(%arg18 : memref<!tpu.dma_semaphore, #tpu.memory_space<semaphore_mem>>) src(%dma_wait3A_61 : memref<10000x128xf32, #tpu.memory_space<hbm>>) dst(%arg10 : memref<80x128xf32, #tpu.memory_space<vmem>>)
    "tpu.region"() ({
      %run_scoped3A = tpu.sem_alloc : memref<!tpu.dma_semaphore, #tpu.memory_space<semaphore_mem>>
      %dma_start3A_79 = arith.constant 0 : i32
      %dma_start3A_80 = arith.constant 0 : i32
      %dma_start3A_81 = tpu.memref_slice %arg14[%dma_start3A_79, %dma_start3A_80] : memref<10000x128xf32, #tpu.memory_space<vmem_shared>> -> memref<10000x128xf32, #tpu.memory_space<vmem_shared>>
      tpu.enqueue_indirect_dma source(%arg10 : memref<80x128xf32, #tpu.memory_space<vmem>>) target(%dma_start3A_81 : memref<10000x128xf32, #tpu.memory_space<vmem_shared>>) offsets(%arg7 : memref<80xi32, #tpu.memory_space<vmem>>) semaphore(%run_scoped3A : memref<!tpu.dma_semaphore, #tpu.memory_space<semaphore_mem>>) {add = true}
      %dma_wait3A_82 = arith.constant 0 : i32
      %dma_wait3A_83 = arith.constant 0 : i32
      %dma_wait3A_84 = tpu.memref_slice %arg14[%dma_wait3A_82, %dma_wait3A_83] : memref<10000x128xf32, #tpu.memory_space<vmem_shared>> -> memref<10000x128xf32, #tpu.memory_space<vmem_shared>>
      tpu.wait_indirect_dma semaphore(%run_scoped3A : memref<!tpu.dma_semaphore, #tpu.memory_space<semaphore_mem>>) src(%arg10 : memref<80x128xf32, #tpu.memory_space<vmem>>) dst(%dma_wait3A_84 : memref<10000x128xf32, #tpu.memory_space<vmem_shared>>)
      tpu.yield
    }) : () -> ()
    %add3A_62 = arith.constant 9920 : i32
    %add3A_63 = arith.addi %mul3A_2, %add3A_62 : i32
    %multiple_of3A_64 = tpu.assume_multiple %add3A_63, 8 : i32
    %dma_wait3A_65 = tpu.memref_slice %arg4[%multiple_of3A_64] : memref<320000xi32, #tpu.memory_space<hbm>> -> memref<80xi32, #tpu.memory_space<hbm>>
    %dma_wait3A_66 = tpu.memref_slice %arg4[%multiple_of3A_64] : memref<320000xi32, #tpu.memory_space<hbm>> -> memref<80xi32, #tpu.memory_space<hbm>>
    tpu.wait_dma2 semaphore(%arg16 : memref<!tpu.dma_semaphore, #tpu.memory_space<semaphore_mem>>) src(%dma_wait3A_66 : memref<80xi32, #tpu.memory_space<hbm>>) dst(%arg8 : memref<80xi32, #tpu.memory_space<vmem>>)
    %multiple_of3A_67 = arith.constant 9920 : i32
    %multiple_of3A_68 = tpu.assume_multiple %multiple_of3A_67, 8 : i32
    %dma_wait3A_69 = tpu.memref_slice %arg6[%multiple_of3A_68] : memref<10000xi32, #tpu.memory_space<vmem>> -> memref<80xi32, #tpu.memory_space<vmem>>
    %dma_wait3A_70 = arith.constant 0 : i32
    %dma_wait3A_71 = arith.constant 0 : i32
    %dma_wait3A_72 = tpu.memref_slice %arg2[%dma_wait3A_70, %dma_wait3A_71] : memref<10000x128xf32, #tpu.memory_space<hbm>> -> memref<10000x128xf32, #tpu.memory_space<hbm>>
    tpu.wait_indirect_dma semaphore(%arg19 : memref<!tpu.dma_semaphore, #tpu.memory_space<semaphore_mem>>) src(%dma_wait3A_72 : memref<10000x128xf32, #tpu.memory_space<hbm>>) dst(%arg11 : memref<80x128xf32, #tpu.memory_space<vmem>>)
    "tpu.region"() ({
      %run_scoped3A = tpu.sem_alloc : memref<!tpu.dma_semaphore, #tpu.memory_space<semaphore_mem>>
      %dma_start3A_79 = arith.constant 0 : i32
      %dma_start3A_80 = arith.constant 0 : i32
      %dma_start3A_81 = tpu.memref_slice %arg14[%dma_start3A_79, %dma_start3A_80] : memref<10000x128xf32, #tpu.memory_space<vmem_shared>> -> memref<10000x128xf32, #tpu.memory_space<vmem_shared>>
      tpu.enqueue_indirect_dma source(%arg11 : memref<80x128xf32, #tpu.memory_space<vmem>>) target(%dma_start3A_81 : memref<10000x128xf32, #tpu.memory_space<vmem_shared>>) offsets(%arg8 : memref<80xi32, #tpu.memory_space<vmem>>) semaphore(%run_scoped3A : memref<!tpu.dma_semaphore, #tpu.memory_space<semaphore_mem>>) {add = true}
      %dma_wait3A_82 = arith.constant 0 : i32
      %dma_wait3A_83 = arith.constant 0 : i32
      %dma_wait3A_84 = tpu.memref_slice %arg14[%dma_wait3A_82, %dma_wait3A_83] : memref<10000x128xf32, #tpu.memory_space<vmem_shared>> -> memref<10000x128xf32, #tpu.memory_space<vmem_shared>>
      tpu.wait_indirect_dma semaphore(%run_scoped3A : memref<!tpu.dma_semaphore, #tpu.memory_space<semaphore_mem>>) src(%arg11 : memref<80x128xf32, #tpu.memory_space<vmem>>) dst(%dma_wait3A_84 : memref<10000x128xf32, #tpu.memory_space<vmem_shared>>)
      tpu.yield
    }) : () -> ()
    %barrier3A_73 = arith.constant 0 : index
    tpu.barrier barrier_id(%barrier3A_73)
    %scan3A_74 = arith.constant 0 : i32
    %scan3A_75 = arith.constant 25 : i32
    %scan3A_76 = arith.addi %scan3A_74, %scan3A_75 : i32
    %scan3A_77 = arith.constant 1 : i32
    scf.for %scan3A_79 = %scan3A_74 to %scan3A_76 step %scan3A_77  : i32 {
      %mul3A_80 = arith.constant 1 : i32
      %mul3A_81 = arith.muli %scan3A_79, %mul3A_80 : i32
      %add3A_82 = arith.constant 0 : i32
      %add3A_83 = arith.addi %add3A_82, %mul3A_81 : i32
      %mul3A_84 = arith.constant 25 : i32
      %mul3A_85 = arith.muli %add3A_83, %mul3A_84 : i32
      %add3A_86 = arith.addi %mul3A_9, %mul3A_85 : i32
      "tpu.region"() ({
        %run_scoped3A = tpu.sem_alloc : memref<!tpu.dma_semaphore, #tpu.memory_space<semaphore_mem>>
        %dma_start3A_87 = arith.constant 0 : i32
        %dma_start3A_88 = tpu.memref_slice %arg5[%arg0, %add3A_86, %dma_start3A_87] : memref<2x10000x128xf32, #tpu.memory_space<hbm>> -> memref<1x25x128xf32, #tpu.memory_space<hbm>>
        %dma_start3A_89 = tpu.memref_squeeze %dma_start3A_88 : memref<1x25x128xf32, #tpu.memory_space<hbm>> -> memref<25x128xf32, #tpu.memory_space<hbm>>
        %dma_start3A_90 = arith.constant 0 : i32
        %dma_start3A_91 = tpu.memref_slice %arg14[%add3A_86, %dma_start3A_90] : memref<10000x128xf32, #tpu.memory_space<vmem_shared>> -> memref<25x128xf32, #tpu.memory_space<vmem_shared>>
        tpu.enqueue_dma source(%dma_start3A_91 : memref<25x128xf32, #tpu.memory_space<vmem_shared>>) target(%dma_start3A_89 : memref<25x128xf32, #tpu.memory_space<hbm>>) target_semaphore(%run_scoped3A : memref<!tpu.dma_semaphore, #tpu.memory_space<semaphore_mem>>)
        %dma_wait3A_92 = arith.constant 0 : i32
        %dma_wait3A_93 = tpu.memref_slice %arg5[%arg0, %add3A_86, %dma_wait3A_92] : memref<2x10000x128xf32, #tpu.memory_space<hbm>> -> memref<1x25x128xf32, #tpu.memory_space<hbm>>
        %dma_wait3A_94 = tpu.memref_squeeze %dma_wait3A_93 : memref<1x25x128xf32, #tpu.memory_space<hbm>> -> memref<25x128xf32, #tpu.memory_space<hbm>>
        %dma_wait3A_95 = arith.constant 0 : i32
        %dma_wait3A_96 = tpu.memref_slice %arg14[%add3A_86, %dma_wait3A_95] : memref<10000x128xf32, #tpu.memory_space<vmem_shared>> -> memref<25x128xf32, #tpu.memory_space<vmem_shared>>
        tpu.wait_dma2 semaphore(%run_scoped3A : memref<!tpu.dma_semaphore, #tpu.memory_space<semaphore_mem>>) src(%dma_wait3A_96 : memref<25x128xf32, #tpu.memory_space<vmem_shared>>) dst(%dma_wait3A_94 : memref<25x128xf32, #tpu.memory_space<hbm>>)
        tpu.yield
      }) : () -> ()
    }
    %scan3A_78 = arith.constant 25 : i32
    return
  }
}

#map = affine_map<(d0, d1) -> (0, 0)>
#map1 = affine_map<(d0, d1) -> (0)>
#map2 = affine_map<(d0, d1) -> (0, 0, 0)>
module attributes {stable_mosaic.version = 14 : i64} {
  func.func @k(%arg0: i32, %arg1: i32, %arg2: memref<10000x128xf32, #tpu.memory_space<hbm>>, %arg3: memref<320000xi32, #tpu.memory_space<hbm>>, %arg4: memref<320000xi32, #tpu.memory_space<hbm>>, %arg5: memref<2x10000x128xf32, #tpu.memory_space<hbm>>, %arg6: memref<10000xi32, #tpu.memory_space<vmem>>, %arg7: memref<80xi32, #tpu.memory_space<vmem>>, %arg8: memref<80xi32, #tpu.memory_space<vmem>>, %arg9: memref<80xi32, #tpu.memory_space<vmem>>, %arg10: memref<80x128xf32, #tpu.memory_space<vmem>>, %arg11: memref<80x128xf32, #tpu.memory_space<vmem>>, %arg12: memref<80x128xf32, #tpu.memory_space<vmem>>, %arg13: memref<25x128xf32, #tpu.memory_space<vmem>>, %arg14: memref<10000x128xf32, #tpu.memory_space<vmem_shared>>, %arg15: memref<!tpu.dma_semaphore, #tpu.memory_space<semaphore_mem>>, %arg16: memref<!tpu.dma_semaphore, #tpu.memory_space<semaphore_mem>>, %arg17: memref<!tpu.dma_semaphore, #tpu.memory_space<semaphore_mem>>, %arg18: memref<!tpu.dma_semaphore, #tpu.memory_space<semaphore_mem>>, %arg19: memref<!tpu.dma_semaphore, #tpu.memory_space<semaphore_mem>>, %arg20: memref<!tpu.dma_semaphore, #tpu.memory_space<semaphore_mem>>) attributes {dimension_semantics = [#tpu.dimension_semantics<core_parallel>, #tpu.dimension_semantics<subcore_parallel>], iteration_bounds = array<i64: 2, 16>, scalar_prefetch = 0 : i64, scratch_operands = 15 : i64, tpu.core_type = #tpu.core_type<sc_vector_subcore>, window_params = [{transform_indices = #map}, {transform_indices = #map1}, {transform_indices = #map1}, {transform_indices = #map2}]} {
    %mul3A = arith.constant 2 : i32
    %mul3A_0 = arith.muli %arg1, %mul3A : i32
    %add3A = arith.addi %mul3A_0, %arg0 : i32
    %mul3A_1 = arith.constant 10000 : i32
    %mul3A_2 = arith.muli %add3A, %mul3A_1 : i32
    %broadcast_in_dim3A = arith.constant 0.000000e+00 : f32
    %broadcast_in_dim3A_3 = vector.broadcast %broadcast_in_dim3A : f32 to vector<16xf32>
    %multiple_of3A = tpu.assume_multiple %mul3A_2, 8 : i32
    "tpu.region"() ({
      %run_scoped3A = tpu.sem_alloc : memref<!tpu.dma_semaphore, #tpu.memory_space<semaphore_mem>>
      %dma_start3A_79 = tpu.memref_slice %arg3[%multiple_of3A] : memref<320000xi32, #tpu.memory_space<hbm>> -> memref<10000xi32, #tpu.memory_space<hbm>>
      %dma_start3A_80 = tpu.memref_slice %arg3[%multiple_of3A] : memref<320000xi32, #tpu.memory_space<hbm>> -> memref<10000xi32, #tpu.memory_space<hbm>>
      tpu.enqueue_dma source(%dma_start3A_80 : memref<10000xi32, #tpu.memory_space<hbm>>) target(%arg6 : memref<10000xi32, #tpu.memory_space<vmem>>) target_semaphore(%run_scoped3A : memref<!tpu.dma_semaphore, #tpu.memory_space<semaphore_mem>>)
      %dma_wait3A_81 = tpu.memref_slice %arg3[%multiple_of3A] : memref<320000xi32, #tpu.memory_space<hbm>> -> memref<10000xi32, #tpu.memory_space<hbm>>
      %dma_wait3A_82 = tpu.memref_slice %arg3[%multiple_of3A] : memref<320000xi32, #tpu.memory_space<hbm>> -> memref<10000xi32, #tpu.memory_space<hbm>>
      tpu.wait_dma2 semaphore(%run_scoped3A : memref<!tpu.dma_semaphore, #tpu.memory_space<semaphore_mem>>) src(%dma_wait3A_82 : memref<10000xi32, #tpu.memory_space<hbm>>) dst(%arg6 : memref<10000xi32, #tpu.memory_space<vmem>>)
      tpu.yield
    }) : () -> ()
    %scan3A = arith.constant 0 : i32
    %scan3A_4 = arith.constant 25 : i32
    %scan3A_5 = arith.addi %scan3A, %scan3A_4 : i32
    %scan3A_6 = arith.constant 1 : i32
    scf.for %scan3A_79 = %scan3A to %scan3A_5 step %scan3A_6  : i32 {
      %mul3A_80 = arith.constant 1 : i32
      %mul3A_81 = arith.muli %scan3A_79, %mul3A_80 : i32
      %add3A_82 = arith.constant 0 : i32
      %add3A_83 = arith.addi %add3A_82, %mul3A_81 : i32
      %scan3A_84 = arith.constant 0 : i32
      %scan3A_85 = arith.constant 8 : i32
      %scan3A_86 = arith.addi %scan3A_84, %scan3A_85 : i32
      %scan3A_87 = arith.constant 1 : i32
      scf.for %scan3A_89 = %scan3A_84 to %scan3A_86 step %scan3A_87  : i32 {
        %mul3A_90 = arith.constant 1 : i32
        %mul3A_91 = arith.muli %scan3A_89, %mul3A_90 : i32
        %add3A_92 = arith.constant 0 : i32
        %add3A_93 = arith.addi %add3A_92, %mul3A_91 : i32
        %mul3A_94 = arith.constant 16 : i32
        %mul3A_95 = arith.muli %add3A_93, %mul3A_94 : i32
        %swap3A = arith.index_cast %add3A_83 : i32 to index
        %swap3A_96 = arith.index_cast %mul3A_95 : i32 to index
        %swap3A_97 = tpu.vector_load %arg13[%swap3A, %swap3A_96] {strides = array<i32>} : memref<25x128xf32, #tpu.memory_space<vmem>>, vector<1x16xf32>,
        %swap3A_98 = vector.shape_cast %swap3A_97 : vector<1x16xf32> to vector<16xf32>
        %swap3A_99 = vector.shape_cast %broadcast_in_dim3A_3 : vector<16xf32> to vector<1x16xf32>
        tpu.vector_store %arg13[%swap3A, %swap3A_96], %swap3A_99 {strides = array<i32>} : memref<25x128xf32, #tpu.memory_space<vmem>>, vector<1x16xf32>,
      }
      %scan3A_88 = arith.constant 8 : i32
    }
    %scan3A_7 = arith.constant 25 : i32
    %mul3A_8 = arith.constant 625 : i32
    %mul3A_9 = arith.muli %arg1, %mul3A_8 : i32
    %scan3A_10 = arith.constant 0 : i32
    %scan3A_11 = arith.constant 25 : i32
    %scan3A_12 = arith.addi %scan3A_10, %scan3A_11 : i32
    %scan3A_13 = arith.constant 1 : i32
    scf.for %scan3A_79 = %scan3A_10 to %scan3A_12 step %scan3A_13  : i32 {
      %mul3A_80 = arith.constant 1 : i32
      %mul3A_81 = arith.muli %scan3A_79, %mul3A_80 : i32
      %add3A_82 = arith.constant 0 : i32
      %add3A_83 = arith.addi %add3A_82, %mul3A_81 : i32
      %mul3A_84 = arith.constant 25 : i32
      %mul3A_85 = arith.muli %add3A_83, %mul3A_84 : i32
      %add3A_86 = arith.addi %mul3A_9, %mul3A_85 : i32
      "tpu.region"() ({
        %run_scoped3A = tpu.sem_alloc : memref<!tpu.dma_semaphore, #tpu.memory_space<semaphore_mem>>
        %dma_start3A_87 = arith.constant 0 : i32
        %dma_start3A_88 = tpu.memref_slice %arg14[%add3A_86, %dma_start3A_87] : memref<10000x128xf32, #tpu.memory_space<vmem_shared>> -> memref<25x128xf32, #tpu.memory_space<vmem_shared>>
        %dma_start3A_89 = arith.constant 0 : i32
        %dma_start3A_90 = tpu.memref_slice %arg14[%add3A_86, %dma_start3A_89] : memref<10000x128xf32, #tpu.memory_space<vmem_shared>> -> memref<25x128xf32, #tpu.memory_space<vmem_shared>>
        tpu.enqueue_dma source(%arg13 : memref<25x128xf32, #tpu.memory_space<vmem>>) target(%dma_start3A_90 : memref<25x128xf32, #tpu.memory_space<vmem_shared>>) target_semaphore(%run_scoped3A : memref<!tpu.dma_semaphore, #tpu.memory_space<semaphore_mem>>)
        %dma_wait3A_91 = arith.constant 0 : i32
        %dma_wait3A_92 = tpu.memref_slice %arg14[%add3A_86, %dma_wait3A_91] : memref<10000x128xf32, #tpu.memory_space<vmem_shared>> -> memref<25x128xf32, #tpu.memory_space<vmem_shared>>
        %dma_wait3A_93 = arith.constant 0 : i32
        %dma_wait3A_94 = tpu.memref_slice %arg14[%add3A_86, %dma_wait3A_93] : memref<10000x128xf32, #tpu.memory_space<vmem_shared>> -> memref<25x128xf32, #tpu.memory_space<vmem_shared>>
        tpu.wait_dma2 semaphore(%run_scoped3A : memref<!tpu.dma_semaphore, #tpu.memory_space<semaphore_mem>>) src(%arg13 : memref<25x128xf32, #tpu.memory_space<vmem>>) dst(%dma_wait3A_94 : memref<25x128xf32, #tpu.memory_space<vmem_shared>>)
        tpu.yield
      }) : () -> ()
    }
    %scan3A_14 = arith.constant 25 : i32
    %barrier3A = arith.constant 0 : index
    tpu.barrier barrier_id(%barrier3A)
    %add3A_15 = arith.constant 0 : i32
    %add3A_16 = arith.addi %mul3A_2, %add3A_15 : i32
    %multiple_of3A_17 = tpu.assume_multiple %add3A_16, 8 : i32
    %dma_start3A = tpu.memref_slice %arg4[%multiple_of3A_17] : memref<320000xi32, #tpu.memory_space<hbm>> -> memref<80xi32, #tpu.memory_space<hbm>>
    %dma_start3A_18 = tpu.memref_slice %arg4[%multiple_of3A_17] : memref<320000xi32, #tpu.memory_space<hbm>> -> memref<80xi32, #tpu.memory_space<hbm>>
    tpu.enqueue_dma source(%dma_start3A_18 : memref<80xi32, #tpu.memory_space<hbm>>) target(%arg7 : memref<80xi32, #tpu.memory_space<vmem>>) target_semaphore(%arg15 : memref<!tpu.dma_semaphore, #tpu.memory_space<semaphore_mem>>)
    %multiple_of3A_19 = arith.constant 0 : i32
    %multiple_of3A_20 = tpu.assume_multiple %multiple_of3A_19, 8 : i32
    %dma_start3A_21 = tpu.memref_slice %arg6[%multiple_of3A_20] : memref<10000xi32, #tpu.memory_space<vmem>> -> memref<80xi32, #tpu.memory_space<vmem>>
    %dma_start3A_22 = arith.constant 0 : i32
    %dma_start3A_23 = arith.constant 0 : i32
    %dma_start3A_24 = tpu.memref_slice %arg2[%dma_start3A_22, %dma_start3A_23] : memref<10000x128xf32, #tpu.memory_space<hbm>> -> memref<10000x128xf32, #tpu.memory_space<hbm>>
    tpu.enqueue_indirect_dma source(%dma_start3A_24 : memref<10000x128xf32, #tpu.memory_space<hbm>>) target(%arg10 : memref<80x128xf32, #tpu.memory_space<vmem>>) offsets(%dma_start3A_21 : memref<80xi32, #tpu.memory_space<vmem>>) semaphore(%arg18 : memref<!tpu.dma_semaphore, #tpu.memory_space<semaphore_mem>>)
    %add3A_25 = arith.constant 80 : i32
    %add3A_26 = arith.addi %mul3A_2, %add3A_25 : i32
    %multiple_of3A_27 = tpu.assume_multiple %add3A_26, 8 : i32
    %dma_start3A_28 = tpu.memref_slice %arg4[%multiple_of3A_27] : memref<320000xi32, #tpu.memory_space<hbm>> -> memref<80xi32, #tpu.memory_space<hbm>>
    %dma_start3A_29 = tpu.memref_slice %arg4[%multiple_of3A_27] : memref<320000xi32, #tpu.memory_space<hbm>> -> memref<80xi32, #tpu.memory_space<hbm>>
    tpu.enqueue_dma source(%dma_start3A_29 : memref<80xi32, #tpu.memory_space<hbm>>) target(%arg8 : memref<80xi32, #tpu.memory_space<vmem>>) target_semaphore(%arg16 : memref<!tpu.dma_semaphore, #tpu.memory_space<semaphore_mem>>)
    %multiple_of3A_30 = arith.constant 80 : i32
    %multiple_of3A_31 = tpu.assume_multiple %multiple_of3A_30, 8 : i32
    %dma_start3A_32 = tpu.memref_slice %arg6[%multiple_of3A_31] : memref<10000xi32, #tpu.memory_space<vmem>> -> memref<80xi32, #tpu.memory_space<vmem>>
    %dma_start3A_33 = arith.constant 0 : i32
    %dma_start3A_34 = arith.constant 0 : i32
    %dma_start3A_35 = tpu.memref_slice %arg2[%dma_start3A_33, %dma_start3A_34] : memref<10000x128xf32, #tpu.memory_space<hbm>> -> memref<10000x128xf32, #tpu.memory_space<hbm>>
    tpu.enqueue_indirect_dma source(%dma_start3A_35 : memref<10000x128xf32, #tpu.memory_space<hbm>>) target(%arg11 : memref<80x128xf32, #tpu.memory_space<vmem>>) offsets(%dma_start3A_32 : memref<80xi32, #tpu.memory_space<vmem>>) semaphore(%arg19 : memref<!tpu.dma_semaphore, #tpu.memory_space<semaphore_mem>>)
    %add3A_36 = arith.constant 160 : i32
    %add3A_37 = arith.addi %mul3A_2, %add3A_36 : i32
    %multiple_of3A_38 = tpu.assume_multiple %add3A_37, 8 : i32
    %dma_start3A_39 = tpu.memref_slice %arg4[%multiple_of3A_38] : memref<320000xi32, #tpu.memory_space<hbm>> -> memref<80xi32, #tpu.memory_space<hbm>>
    %dma_start3A_40 = tpu.memref_slice %arg4[%multiple_of3A_38] : memref<320000xi32, #tpu.memory_space<hbm>> -> memref<80xi32, #tpu.memory_space<hbm>>
    tpu.enqueue_dma source(%dma_start3A_40 : memref<80xi32, #tpu.memory_space<hbm>>) target(%arg9 : memref<80xi32, #tpu.memory_space<vmem>>) target_semaphore(%arg17 : memref<!tpu.dma_semaphore, #tpu.memory_space<semaphore_mem>>)
    %multiple_of3A_41 = arith.constant 160 : i32
    %multiple_of3A_42 = tpu.assume_multiple %multiple_of3A_41, 8 : i32
    %dma_start3A_43 = tpu.memref_slice %arg6[%multiple_of3A_42] : memref<10000xi32, #tpu.memory_space<vmem>> -> memref<80xi32, #tpu.memory_space<vmem>>
    %dma_start3A_44 = arith.constant 0 : i32
    %dma_start3A_45 = arith.constant 0 : i32
    %dma_start3A_46 = tpu.memref_slice %arg2[%dma_start3A_44, %dma_start3A_45] : memref<10000x128xf32, #tpu.memory_space<hbm>> -> memref<10000x128xf32, #tpu.memory_space<hbm>>
    tpu.enqueue_indirect_dma source(%dma_start3A_46 : memref<10000x128xf32, #tpu.memory_space<hbm>>) target(%arg12 : memref<80x128xf32, #tpu.memory_space<vmem>>) offsets(%dma_start3A_43 : memref<80xi32, #tpu.memory_space<vmem>>) semaphore(%arg20 : memref<!tpu.dma_semaphore, #tpu.memory_space<semaphore_mem>>)
    %scan3A_47 = arith.constant 0 : i32
    %scan3A_48 = arith.constant 41 : i32
    %scan3A_49 = arith.addi %scan3A_47, %scan3A_48 : i32
    %scan3A_50 = arith.constant 1 : i32
    scf.for %scan3A_79 = %scan3A_47 to %scan3A_49 step %scan3A_50  : i32 {
      %mul3A_80 = arith.constant 1 : i32
      %mul3A_81 = arith.muli %scan3A_79, %mul3A_80 : i32
      %add3A_82 = arith.constant 0 : i32
      %add3A_83 = arith.addi %add3A_82, %mul3A_81 : i32
      %mul3A_84 = arith.constant 3 : i32
      %mul3A_85 = arith.muli %add3A_83, %mul3A_84 : i32
      %add3A_86 = arith.constant 0 : i32
      %add3A_87 = arith.addi %mul3A_85, %add3A_86 : i32
      %mul3A_88 = arith.constant 80 : i32
      %mul3A_89 = arith.muli %add3A_87, %mul3A_88 : i32
      %add3A_90 = arith.addi %mul3A_2, %mul3A_89 : i32
      %multiple_of3A_91 = tpu.assume_multiple %add3A_90, 8 : i32
      %dma_wait3A_92 = tpu.memref_slice %arg4[%multiple_of3A_91] : memref<320000xi32, #tpu.memory_space<hbm>> -> memref<80xi32, #tpu.memory_space<hbm>>
      %dma_wait3A_93 = tpu.memref_slice %arg4[%multiple_of3A_91] : memref<320000xi32, #tpu.memory_space<hbm>> -> memref<80xi32, #tpu.memory_space<hbm>>
      tpu.wait_dma2 semaphore(%arg15 : memref<!tpu.dma_semaphore, #tpu.memory_space<semaphore_mem>>) src(%dma_wait3A_93 : memref<80xi32, #tpu.memory_space<hbm>>) dst(%arg7 : memref<80xi32, #tpu.memory_space<vmem>>)
      %mul3A_94 = arith.constant 80 : i32
      %mul3A_95 = arith.muli %add3A_87, %mul3A_94 : i32
      %multiple_of3A_96 = tpu.assume_multiple %mul3A_95, 8 : i32
      %dma_wait3A_97 = tpu.memref_slice %arg6[%multiple_of3A_96] : memref<10000xi32, #tpu.memory_space<vmem>> -> memref<80xi32, #tpu.memory_space<vmem>>
      %dma_wait3A_98 = arith.constant 0 : i32
      %dma_wait3A_99 = arith.constant 0 : i32
      %dma_wait3A_100 = tpu.memref_slice %arg2[%dma_wait3A_98, %dma_wait3A_99] : memref<10000x128xf32, #tpu.memory_space<hbm>> -> memref<10000x128xf32, #tpu.memory_space<hbm>>
      tpu.wait_indirect_dma semaphore(%arg18 : memref<!tpu.dma_semaphore, #tpu.memory_space<semaphore_mem>>) src(%dma_wait3A_100 : memref<10000x128xf32, #tpu.memory_space<hbm>>) dst(%arg10 : memref<80x128xf32, #tpu.memory_space<vmem>>)
      "tpu.region"() ({
        %run_scoped3A = tpu.sem_alloc : memref<!tpu.dma_semaphore, #tpu.memory_space<semaphore_mem>>
        %dma_start3A_153 = arith.constant 0 : i32
        %dma_start3A_154 = arith.constant 0 : i32
        %dma_start3A_155 = tpu.memref_slice %arg14[%dma_start3A_153, %dma_start3A_154] : memref<10000x128xf32, #tpu.memory_space<vmem_shared>> -> memref<10000x128xf32, #tpu.memory_space<vmem_shared>>
        tpu.enqueue_indirect_dma source(%arg10 : memref<80x128xf32, #tpu.memory_space<vmem>>) target(%dma_start3A_155 : memref<10000x128xf32, #tpu.memory_space<vmem_shared>>) offsets(%arg7 : memref<80xi32, #tpu.memory_space<vmem>>) semaphore(%run_scoped3A : memref<!tpu.dma_semaphore, #tpu.memory_space<semaphore_mem>>) {add = true}
        %dma_wait3A_156 = arith.constant 0 : i32
        %dma_wait3A_157 = arith.constant 0 : i32
        %dma_wait3A_158 = tpu.memref_slice %arg14[%dma_wait3A_156, %dma_wait3A_157] : memref<10000x128xf32, #tpu.memory_space<vmem_shared>> -> memref<10000x128xf32, #tpu.memory_space<vmem_shared>>
        tpu.wait_indirect_dma semaphore(%run_scoped3A : memref<!tpu.dma_semaphore, #tpu.memory_space<semaphore_mem>>) src(%arg10 : memref<80x128xf32, #tpu.memory_space<vmem>>) dst(%dma_wait3A_158 : memref<10000x128xf32, #tpu.memory_space<vmem_shared>>)
        tpu.yield
      }) : () -> ()
      %add3A_101 = arith.constant 3 : i32
      %add3A_102 = arith.addi %add3A_87, %add3A_101 : i32
      %lt3A = arith.constant 125 : i32
      %lt3A_103 = arith.cmpi slt, %add3A_102, %lt3A : i32
      %convert_element_type3A = arith.extui %lt3A_103 : i1 to i32
      %cond3A = arith.constant 0 : i32
      %cond3A_104 = arith.cmpi ne, %convert_element_type3A, %cond3A : i32
      scf.if %cond3A_104 {
        %add3A_153 = arith.constant 3 : i32
        %add3A_154 = arith.addi %add3A_87, %add3A_153 : i32
        %mul3A_155 = arith.constant 80 : i32
        %mul3A_156 = arith.muli %add3A_154, %mul3A_155 : i32
        %add3A_157 = arith.addi %mul3A_2, %mul3A_156 : i32
        %multiple_of3A_158 = tpu.assume_multiple %add3A_157, 8 : i32
        %dma_start3A_159 = tpu.memref_slice %arg4[%multiple_of3A_158] : memref<320000xi32, #tpu.memory_space<hbm>> -> memref<80xi32, #tpu.memory_space<hbm>>
        %dma_start3A_160 = tpu.memref_slice %arg4[%multiple_of3A_158] : memref<320000xi32, #tpu.memory_space<hbm>> -> memref<80xi32, #tpu.memory_space<hbm>>
        tpu.enqueue_dma source(%dma_start3A_160 : memref<80xi32, #tpu.memory_space<hbm>>) target(%arg7 : memref<80xi32, #tpu.memory_space<vmem>>) target_semaphore(%arg15 : memref<!tpu.dma_semaphore, #tpu.memory_space<semaphore_mem>>)
        %add3A_161 = arith.constant 3 : i32
        %add3A_162 = arith.addi %add3A_87, %add3A_161 : i32
        %mul3A_163 = arith.constant 80 : i32
        %mul3A_164 = arith.muli %add3A_162, %mul3A_163 : i32
        %multiple_of3A_165 = tpu.assume_multiple %mul3A_164, 8 : i32
        %dma_start3A_166 = tpu.memref_slice %arg6[%multiple_of3A_165] : memref<10000xi32, #tpu.memory_space<vmem>> -> memref<80xi32, #tpu.memory_space<vmem>>
        %dma_start3A_167 = arith.constant 0 : i32
        %dma_start3A_168 = arith.constant 0 : i32
        %dma_start3A_169 = tpu.memref_slice %arg2[%dma_start3A_167, %dma_start3A_168] : memref<10000x128xf32, #tpu.memory_space<hbm>> -> memref<10000x128xf32, #tpu.memory_space<hbm>>
        tpu.enqueue_indirect_dma source(%dma_start3A_169 : memref<10000x128xf32, #tpu.memory_space<hbm>>) target(%arg10 : memref<80x128xf32, #tpu.memory_space<vmem>>) offsets(%dma_start3A_166 : memref<80xi32, #tpu.memory_space<vmem>>) semaphore(%arg18 : memref<!tpu.dma_semaphore, #tpu.memory_space<semaphore_mem>>)
      } else {
      }
      %mul3A_105 = arith.constant 3 : i32
      %mul3A_106 = arith.muli %add3A_83, %mul3A_105 : i32
      %add3A_107 = arith.constant 1 : i32
      %add3A_108 = arith.addi %mul3A_106, %add3A_107 : i32
      %mul3A_109 = arith.constant 80 : i32
      %mul3A_110 = arith.muli %add3A_108, %mul3A_109 : i32
      %add3A_111 = arith.addi %mul3A_2, %mul3A_110 : i32
      %multiple_of3A_112 = tpu.assume_multiple %add3A_111, 8 : i32
      %dma_wait3A_113 = tpu.memref_slice %arg4[%multiple_of3A_112] : memref<320000xi32, #tpu.memory_space<hbm>> -> memref<80xi32, #tpu.memory_space<hbm>>
      %dma_wait3A_114 = tpu.memref_slice %arg4[%multiple_of3A_112] : memref<320000xi32, #tpu.memory_space<hbm>> -> memref<80xi32, #tpu.memory_space<hbm>>
      tpu.wait_dma2 semaphore(%arg16 : memref<!tpu.dma_semaphore, #tpu.memory_space<semaphore_mem>>) src(%dma_wait3A_114 : memref<80xi32, #tpu.memory_space<hbm>>) dst(%arg8 : memref<80xi32, #tpu.memory_space<vmem>>)
      %mul3A_115 = arith.constant 80 : i32
      %mul3A_116 = arith.muli %add3A_108, %mul3A_115 : i32
      %multiple_of3A_117 = tpu.assume_multiple %mul3A_116, 8 : i32
      %dma_wait3A_118 = tpu.memref_slice %arg6[%multiple_of3A_117] : memref<10000xi32, #tpu.memory_space<vmem>> -> memref<80xi32, #tpu.memory_space<vmem>>
      %dma_wait3A_119 = arith.constant 0 : i32
      %dma_wait3A_120 = arith.constant 0 : i32
      %dma_wait3A_121 = tpu.memref_slice %arg2[%dma_wait3A_119, %dma_wait3A_120] : memref<10000x128xf32, #tpu.memory_space<hbm>> -> memref<10000x128xf32, #tpu.memory_space<hbm>>
      tpu.wait_indirect_dma semaphore(%arg19 : memref<!tpu.dma_semaphore, #tpu.memory_space<semaphore_mem>>) src(%dma_wait3A_121 : memref<10000x128xf32, #tpu.memory_space<hbm>>) dst(%arg11 : memref<80x128xf32, #tpu.memory_space<vmem>>)
      "tpu.region"() ({
        %run_scoped3A = tpu.sem_alloc : memref<!tpu.dma_semaphore, #tpu.memory_space<semaphore_mem>>
        %dma_start3A_153 = arith.constant 0 : i32
        %dma_start3A_154 = arith.constant 0 : i32
        %dma_start3A_155 = tpu.memref_slice %arg14[%dma_start3A_153, %dma_start3A_154] : memref<10000x128xf32, #tpu.memory_space<vmem_shared>> -> memref<10000x128xf32, #tpu.memory_space<vmem_shared>>
        tpu.enqueue_indirect_dma source(%arg11 : memref<80x128xf32, #tpu.memory_space<vmem>>) target(%dma_start3A_155 : memref<10000x128xf32, #tpu.memory_space<vmem_shared>>) offsets(%arg8 : memref<80xi32, #tpu.memory_space<vmem>>) semaphore(%run_scoped3A : memref<!tpu.dma_semaphore, #tpu.memory_space<semaphore_mem>>) {add = true}
        %dma_wait3A_156 = arith.constant 0 : i32
        %dma_wait3A_157 = arith.constant 0 : i32
        %dma_wait3A_158 = tpu.memref_slice %arg14[%dma_wait3A_156, %dma_wait3A_157] : memref<10000x128xf32, #tpu.memory_space<vmem_shared>> -> memref<10000x128xf32, #tpu.memory_space<vmem_shared>>
        tpu.wait_indirect_dma semaphore(%run_scoped3A : memref<!tpu.dma_semaphore, #tpu.memory_space<semaphore_mem>>) src(%arg11 : memref<80x128xf32, #tpu.memory_space<vmem>>) dst(%dma_wait3A_158 : memref<10000x128xf32, #tpu.memory_space<vmem_shared>>)
        tpu.yield
      }) : () -> ()
      %add3A_122 = arith.constant 3 : i32
      %add3A_123 = arith.addi %add3A_108, %add3A_122 : i32
      %lt3A_124 = arith.constant 125 : i32
      %lt3A_125 = arith.cmpi slt, %add3A_123, %lt3A_124 : i32
      %convert_element_type3A_126 = arith.extui %lt3A_125 : i1 to i32
      %cond3A_127 = arith.constant 0 : i32
      %cond3A_128 = arith.cmpi ne, %convert_element_type3A_126, %cond3A_127 : i32
      scf.if %cond3A_128 {
        %add3A_153 = arith.constant 3 : i32
        %add3A_154 = arith.addi %add3A_108, %add3A_153 : i32
        %mul3A_155 = arith.constant 80 : i32
        %mul3A_156 = arith.muli %add3A_154, %mul3A_155 : i32
        %add3A_157 = arith.addi %mul3A_2, %mul3A_156 : i32
        %multiple_of3A_158 = tpu.assume_multiple %add3A_157, 8 : i32
        %dma_start3A_159 = tpu.memref_slice %arg4[%multiple_of3A_158] : memref<320000xi32, #tpu.memory_space<hbm>> -> memref<80xi32, #tpu.memory_space<hbm>>
        %dma_start3A_160 = tpu.memref_slice %arg4[%multiple_of3A_158] : memref<320000xi32, #tpu.memory_space<hbm>> -> memref<80xi32, #tpu.memory_space<hbm>>
        tpu.enqueue_dma source(%dma_start3A_160 : memref<80xi32, #tpu.memory_space<hbm>>) target(%arg8 : memref<80xi32, #tpu.memory_space<vmem>>) target_semaphore(%arg16 : memref<!tpu.dma_semaphore, #tpu.memory_space<semaphore_mem>>)
        %add3A_161 = arith.constant 3 : i32
        %add3A_162 = arith.addi %add3A_108, %add3A_161 : i32
        %mul3A_163 = arith.constant 80 : i32
        %mul3A_164 = arith.muli %add3A_162, %mul3A_163 : i32
        %multiple_of3A_165 = tpu.assume_multiple %mul3A_164, 8 : i32
        %dma_start3A_166 = tpu.memref_slice %arg6[%multiple_of3A_165] : memref<10000xi32, #tpu.memory_space<vmem>> -> memref<80xi32, #tpu.memory_space<vmem>>
        %dma_start3A_167 = arith.constant 0 : i32
        %dma_start3A_168 = arith.constant 0 : i32
        %dma_start3A_169 = tpu.memref_slice %arg2[%dma_start3A_167, %dma_start3A_168] : memref<10000x128xf32, #tpu.memory_space<hbm>> -> memref<10000x128xf32, #tpu.memory_space<hbm>>
        tpu.enqueue_indirect_dma source(%dma_start3A_169 : memref<10000x128xf32, #tpu.memory_space<hbm>>) target(%arg11 : memref<80x128xf32, #tpu.memory_space<vmem>>) offsets(%dma_start3A_166 : memref<80xi32, #tpu.memory_space<vmem>>) semaphore(%arg19 : memref<!tpu.dma_semaphore, #tpu.memory_space<semaphore_mem>>)
      } else {
      }
      %mul3A_129 = arith.constant 3 : i32
      %mul3A_130 = arith.muli %add3A_83, %mul3A_129 : i32
      %add3A_131 = arith.constant 2 : i32
      %add3A_132 = arith.addi %mul3A_130, %add3A_131 : i32
      %mul3A_133 = arith.constant 80 : i32
      %mul3A_134 = arith.muli %add3A_132, %mul3A_133 : i32
      %add3A_135 = arith.addi %mul3A_2, %mul3A_134 : i32
      %multiple_of3A_136 = tpu.assume_multiple %add3A_135, 8 : i32
      %dma_wait3A_137 = tpu.memref_slice %arg4[%multiple_of3A_136] : memref<320000xi32, #tpu.memory_space<hbm>> -> memref<80xi32, #tpu.memory_space<hbm>>
      %dma_wait3A_138 = tpu.memref_slice %arg4[%multiple_of3A_136] : memref<320000xi32, #tpu.memory_space<hbm>> -> memref<80xi32, #tpu.memory_space<hbm>>
      tpu.wait_dma2 semaphore(%arg17 : memref<!tpu.dma_semaphore, #tpu.memory_space<semaphore_mem>>) src(%dma_wait3A_138 : memref<80xi32, #tpu.memory_space<hbm>>) dst(%arg9 : memref<80xi32, #tpu.memory_space<vmem>>)
      %mul3A_139 = arith.constant 80 : i32
      %mul3A_140 = arith.muli %add3A_132, %mul3A_139 : i32
      %multiple_of3A_141 = tpu.assume_multiple %mul3A_140, 8 : i32
      %dma_wait3A_142 = tpu.memref_slice %arg6[%multiple_of3A_141] : memref<10000xi32, #tpu.memory_space<vmem>> -> memref<80xi32, #tpu.memory_space<vmem>>
      %dma_wait3A_143 = arith.constant 0 : i32
      %dma_wait3A_144 = arith.constant 0 : i32
      %dma_wait3A_145 = tpu.memref_slice %arg2[%dma_wait3A_143, %dma_wait3A_144] : memref<10000x128xf32, #tpu.memory_space<hbm>> -> memref<10000x128xf32, #tpu.memory_space<hbm>>
      tpu.wait_indirect_dma semaphore(%arg20 : memref<!tpu.dma_semaphore, #tpu.memory_space<semaphore_mem>>) src(%dma_wait3A_145 : memref<10000x128xf32, #tpu.memory_space<hbm>>) dst(%arg12 : memref<80x128xf32, #tpu.memory_space<vmem>>)
      "tpu.region"() ({
        %run_scoped3A = tpu.sem_alloc : memref<!tpu.dma_semaphore, #tpu.memory_space<semaphore_mem>>
        %dma_start3A_153 = arith.constant 0 : i32
        %dma_start3A_154 = arith.constant 0 : i32
        %dma_start3A_155 = tpu.memref_slice %arg14[%dma_start3A_153, %dma_start3A_154] : memref<10000x128xf32, #tpu.memory_space<vmem_shared>> -> memref<10000x128xf32, #tpu.memory_space<vmem_shared>>
        tpu.enqueue_indirect_dma source(%arg12 : memref<80x128xf32, #tpu.memory_space<vmem>>) target(%dma_start3A_155 : memref<10000x128xf32, #tpu.memory_space<vmem_shared>>) offsets(%arg9 : memref<80xi32, #tpu.memory_space<vmem>>) semaphore(%run_scoped3A : memref<!tpu.dma_semaphore, #tpu.memory_space<semaphore_mem>>) {add = true}
        %dma_wait3A_156 = arith.constant 0 : i32
        %dma_wait3A_157 = arith.constant 0 : i32
        %dma_wait3A_158 = tpu.memref_slice %arg14[%dma_wait3A_156, %dma_wait3A_157] : memref<10000x128xf32, #tpu.memory_space<vmem_shared>> -> memref<10000x128xf32, #tpu.memory_space<vmem_shared>>
        tpu.wait_indirect_dma semaphore(%run_scoped3A : memref<!tpu.dma_semaphore, #tpu.memory_space<semaphore_mem>>) src(%arg12 : memref<80x128xf32, #tpu.memory_space<vmem>>) dst(%dma_wait3A_158 : memref<10000x128xf32, #tpu.memory_space<vmem_shared>>)
        tpu.yield
      }) : () -> ()
      %add3A_146 = arith.constant 3 : i32
      %add3A_147 = arith.addi %add3A_132, %add3A_146 : i32
      %lt3A_148 = arith.constant 125 : i32
      %lt3A_149 = arith.cmpi slt, %add3A_147, %lt3A_148 : i32
      %convert_element_type3A_150 = arith.extui %lt3A_149 : i1 to i32
      %cond3A_151 = arith.constant 0 : i32
      %cond3A_152 = arith.cmpi ne, %convert_element_type3A_150, %cond3A_151 : i32
      scf.if %cond3A_152 {
        %add3A_153 = arith.constant 3 : i32
        %add3A_154 = arith.addi %add3A_132, %add3A_153 : i32
        %mul3A_155 = arith.constant 80 : i32
        %mul3A_156 = arith.muli %add3A_154, %mul3A_155 : i32
        %add3A_157 = arith.addi %mul3A_2, %mul3A_156 : i32
        %multiple_of3A_158 = tpu.assume_multiple %add3A_157, 8 : i32
        %dma_start3A_159 = tpu.memref_slice %arg4[%multiple_of3A_158] : memref<320000xi32, #tpu.memory_space<hbm>> -> memref<80xi32, #tpu.memory_space<hbm>>
        %dma_start3A_160 = tpu.memref_slice %arg4[%multiple_of3A_158] : memref<320000xi32, #tpu.memory_space<hbm>> -> memref<80xi32, #tpu.memory_space<hbm>>
        tpu.enqueue_dma source(%dma_start3A_160 : memref<80xi32, #tpu.memory_space<hbm>>) target(%arg9 : memref<80xi32, #tpu.memory_space<vmem>>) target_semaphore(%arg17 : memref<!tpu.dma_semaphore, #tpu.memory_space<semaphore_mem>>)
        %add3A_161 = arith.constant 3 : i32
        %add3A_162 = arith.addi %add3A_132, %add3A_161 : i32
        %mul3A_163 = arith.constant 80 : i32
        %mul3A_164 = arith.muli %add3A_162, %mul3A_163 : i32
        %multiple_of3A_165 = tpu.assume_multiple %mul3A_164, 8 : i32
        %dma_start3A_166 = tpu.memref_slice %arg6[%multiple_of3A_165] : memref<10000xi32, #tpu.memory_space<vmem>> -> memref<80xi32, #tpu.memory_space<vmem>>
        %dma_start3A_167 = arith.constant 0 : i32
        %dma_start3A_168 = arith.constant 0 : i32
        %dma_start3A_169 = tpu.memref_slice %arg2[%dma_start3A_167, %dma_start3A_168] : memref<10000x128xf32, #tpu.memory_space<hbm>> -> memref<10000x128xf32, #tpu.memory_space<hbm>>
        tpu.enqueue_indirect_dma source(%dma_start3A_169 : memref<10000x128xf32, #tpu.memory_space<hbm>>) target(%arg12 : memref<80x128xf32, #tpu.memory_space<vmem>>) offsets(%dma_start3A_166 : memref<80xi32, #tpu.memory_space<vmem>>) semaphore(%arg20 : memref<!tpu.dma_semaphore, #tpu.memory_space<semaphore_mem>>)
      } else {
      }
    }
    %scan3A_51 = arith.constant 41 : i32
    %add3A_52 = arith.constant 9840 : i32
    %add3A_53 = arith.addi %mul3A_2, %add3A_52 : i32
    %multiple_of3A_54 = tpu.assume_multiple %add3A_53, 8 : i32
    %dma_wait3A = tpu.memref_slice %arg4[%multiple_of3A_54] : memref<320000xi32, #tpu.memory_space<hbm>> -> memref<80xi32, #tpu.memory_space<hbm>>
    %dma_wait3A_55 = tpu.memref_slice %arg4[%multiple_of3A_54] : memref<320000xi32, #tpu.memory_space<hbm>> -> memref<80xi32, #tpu.memory_space<hbm>>
    tpu.wait_dma2 semaphore(%arg15 : memref<!tpu.dma_semaphore, #tpu.memory_space<semaphore_mem>>) src(%dma_wait3A_55 : memref<80xi32, #tpu.memory_space<hbm>>) dst(%arg7 : memref<80xi32, #tpu.memory_space<vmem>>)
    %multiple_of3A_56 = arith.constant 9840 : i32
    %multiple_of3A_57 = tpu.assume_multiple %multiple_of3A_56, 8 : i32
    %dma_wait3A_58 = tpu.memref_slice %arg6[%multiple_of3A_57] : memref<10000xi32, #tpu.memory_space<vmem>> -> memref<80xi32, #tpu.memory_space<vmem>>
    %dma_wait3A_59 = arith.constant 0 : i32
    %dma_wait3A_60 = arith.constant 0 : i32
    %dma_wait3A_61 = tpu.memref_slice %arg2[%dma_wait3A_59, %dma_wait3A_60] : memref<10000x128xf32, #tpu.memory_space<hbm>> -> memref<10000x128xf32, #tpu.memory_space<hbm>>
    tpu.wait_indirect_dma semaphore(%arg18 : memref<!tpu.dma_semaphore, #tpu.memory_space<semaphore_mem>>) src(%dma_wait3A_61 : memref<10000x128xf32, #tpu.memory_space<hbm>>) dst(%arg10 : memref<80x128xf32, #tpu.memory_space<vmem>>)
    "tpu.region"() ({
      %run_scoped3A = tpu.sem_alloc : memref<!tpu.dma_semaphore, #tpu.memory_space<semaphore_mem>>
      %dma_start3A_79 = arith.constant 0 : i32
      %dma_start3A_80 = arith.constant 0 : i32
      %dma_start3A_81 = tpu.memref_slice %arg14[%dma_start3A_79, %dma_start3A_80] : memref<10000x128xf32, #tpu.memory_space<vmem_shared>> -> memref<10000x128xf32, #tpu.memory_space<vmem_shared>>
      tpu.enqueue_indirect_dma source(%arg10 : memref<80x128xf32, #tpu.memory_space<vmem>>) target(%dma_start3A_81 : memref<10000x128xf32, #tpu.memory_space<vmem_shared>>) offsets(%arg7 : memref<80xi32, #tpu.memory_space<vmem>>) semaphore(%run_scoped3A : memref<!tpu.dma_semaphore, #tpu.memory_space<semaphore_mem>>) {add = true}
      %dma_wait3A_82 = arith.constant 0 : i32
      %dma_wait3A_83 = arith.constant 0 : i32
      %dma_wait3A_84 = tpu.memref_slice %arg14[%dma_wait3A_82, %dma_wait3A_83] : memref<10000x128xf32, #tpu.memory_space<vmem_shared>> -> memref<10000x128xf32, #tpu.memory_space<vmem_shared>>
      tpu.wait_indirect_dma semaphore(%run_scoped3A : memref<!tpu.dma_semaphore, #tpu.memory_space<semaphore_mem>>) src(%arg10 : memref<80x128xf32, #tpu.memory_space<vmem>>) dst(%dma_wait3A_84 : memref<10000x128xf32, #tpu.memory_space<vmem_shared>>)
      tpu.yield
    }) : () -> ()
    %add3A_62 = arith.constant 9920 : i32
    %add3A_63 = arith.addi %mul3A_2, %add3A_62 : i32
    %multiple_of3A_64 = tpu.assume_multiple %add3A_63, 8 : i32
    %dma_wait3A_65 = tpu.memref_slice %arg4[%multiple_of3A_64] : memref<320000xi32, #tpu.memory_space<hbm>> -> memref<80xi32, #tpu.memory_space<hbm>>
    %dma_wait3A_66 = tpu.memref_slice %arg4[%multiple_of3A_64] : memref<320000xi32, #tpu.memory_space<hbm>> -> memref<80xi32, #tpu.memory_space<hbm>>
    tpu.wait_dma2 semaphore(%arg16 : memref<!tpu.dma_semaphore, #tpu.memory_space<semaphore_mem>>) src(%dma_wait3A_66 : memref<80xi32, #tpu.memory_space<hbm>>) dst(%arg8 : memref<80xi32, #tpu.memory_space<vmem>>)
    %multiple_of3A_67 = arith.constant 9920 : i32
    %multiple_of3A_68 = tpu.assume_multiple %multiple_of3A_67, 8 : i32
    %dma_wait3A_69 = tpu.memref_slice %arg6[%multiple_of3A_68] : memref<10000xi32, #tpu.memory_space<vmem>> -> memref<80xi32, #tpu.memory_space<vmem>>
    %dma_wait3A_70 = arith.constant 0 : i32
    %dma_wait3A_71 = arith.constant 0 : i32
    %dma_wait3A_72 = tpu.memref_slice %arg2[%dma_wait3A_70, %dma_wait3A_71] : memref<10000x128xf32, #tpu.memory_space<hbm>> -> memref<10000x128xf32, #tpu.memory_space<hbm>>
    tpu.wait_indirect_dma semaphore(%arg19 : memref<!tpu.dma_semaphore, #tpu.memory_space<semaphore_mem>>) src(%dma_wait3A_72 : memref<10000x128xf32, #tpu.memory_space<hbm>>) dst(%arg11 : memref<80x128xf32, #tpu.memory_space<vmem>>)
    "tpu.region"() ({
      %run_scoped3A = tpu.sem_alloc : memref<!tpu.dma_semaphore, #tpu.memory_space<semaphore_mem>>
      %dma_start3A_79 = arith.constant 0 : i32
      %dma_start3A_80 = arith.constant 0 : i32
      %dma_start3A_81 = tpu.memref_slice %arg14[%dma_start3A_79, %dma_start3A_80] : memref<10000x128xf32, #tpu.memory_space<vmem_shared>> -> memref<10000x128xf32, #tpu.memory_space<vmem_shared>>
      tpu.enqueue_indirect_dma source(%arg11 : memref<80x128xf32, #tpu.memory_space<vmem>>) target(%dma_start3A_81 : memref<10000x128xf32, #tpu.memory_space<vmem_shared>>) offsets(%arg8 : memref<80xi32, #tpu.memory_space<vmem>>) semaphore(%run_scoped3A : memref<!tpu.dma_semaphore, #tpu.memory_space<semaphore_mem>>) {add = true}
      %dma_wait3A_82 = arith.constant 0 : i32
      %dma_wait3A_83 = arith.constant 0 : i32
      %dma_wait3A_84 = tpu.memref_slice %arg14[%dma_wait3A_82, %dma_wait3A_83] : memref<10000x128xf32, #tpu.memory_space<vmem_shared>> -> memref<10000x128xf32, #tpu.memory_space<vmem_shared>>
      tpu.wait_indirect_dma semaphore(%run_scoped3A : memref<!tpu.dma_semaphore, #tpu.memory_space<semaphore_mem>>) src(%arg11 : memref<80x128xf32, #tpu.memory_space<vmem>>) dst(%dma_wait3A_84 : memref<10000x128xf32, #tpu.memory_space<vmem_shared>>)
      tpu.yield
    }) : () -> ()
    %barrier3A_73 = arith.constant 0 : index
    tpu.barrier barrier_id(%barrier3A_73)
    %scan3A_74 = arith.constant 0 : i32
    %scan3A_75 = arith.constant 25 : i32
    %scan3A_76 = arith.addi %scan3A_74, %scan3A_75 : i32
    %scan3A_77 = arith.constant 1 : i32
    scf.for %scan3A_79 = %scan3A_74 to %scan3A_76 step %scan3A_77  : i32 {
      %mul3A_80 = arith.constant 1 : i32
      %mul3A_81 = arith.muli %scan3A_79, %mul3A_80 : i32
      %add3A_82 = arith.constant 0 : i32
      %add3A_83 = arith.addi %add3A_82, %mul3A_81 : i32
      %mul3A_84 = arith.constant 25 : i32
      %mul3A_85 = arith.muli %add3A_83, %mul3A_84 : i32
      %add3A_86 = arith.addi %mul3A_9, %mul3A_85 : i32
      "tpu.region"() ({
        %run_scoped3A = tpu.sem_alloc : memref<!tpu.dma_semaphore, #tpu.memory_space<semaphore_mem>>
        %dma_start3A_87 = arith.constant 0 : i32
        %dma_start3A_88 = tpu.memref_slice %arg5[%arg0, %add3A_86, %dma_start3A_87] : memref<2x10000x128xf32, #tpu.memory_space<hbm>> -> memref<1x25x128xf32, #tpu.memory_space<hbm>>
        %dma_start3A_89 = tpu.memref_squeeze %dma_start3A_88 : memref<1x25x128xf32, #tpu.memory_space<hbm>> -> memref<25x128xf32, #tpu.memory_space<hbm>>
        %dma_start3A_90 = arith.constant 0 : i32
        %dma_start3A_91 = tpu.memref_slice %arg14[%add3A_86, %dma_start3A_90] : memref<10000x128xf32, #tpu.memory_space<vmem_shared>> -> memref<25x128xf32, #tpu.memory_space<vmem_shared>>
        tpu.enqueue_dma source(%dma_start3A_91 : memref<25x128xf32, #tpu.memory_space<vmem_shared>>) target(%dma_start3A_89 : memref<25x128xf32, #tpu.memory_space<hbm>>) target_semaphore(%run_scoped3A : memref<!tpu.dma_semaphore, #tpu.memory_space<semaphore_mem>>)
        %dma_wait3A_92 = arith.constant 0 : i32
        %dma_wait3A_93 = tpu.memref_slice %arg5[%arg0, %add3A_86, %dma_wait3A_92] : memref<2x10000x128xf32, #tpu.memory_space<hbm>> -> memref<1x25x128xf32, #tpu.memory_space<hbm>>
        %dma_wait3A_94 = tpu.memref_squeeze %dma_wait3A_93 : memref<1x25x128xf32, #tpu.memory_space<hbm>> -> memref<25x128xf32, #tpu.memory_space<hbm>>
        %dma_wait3A_95 = arith.constant 0 : i32
        %dma_wait3A_96 = tpu.memref_slice %arg14[%add3A_86, %dma_wait3A_95] : memref<10000x128xf32, #tpu.memory_space<vmem_shared>> -> memref<25x128xf32, #tpu.memory_space<vmem_shared>>
        tpu.wait_dma2 semaphore(%run_scoped3A : memref<!tpu.dma_semaphore, #tpu.memory_space<semaphore_mem>>) src(%dma_wait3A_96 : memref<25x128xf32, #tpu.memory_space<vmem_shared>>) dst(%dma_wait3A_94 : memref<25x128xf32, #tpu.memory_space<hbm>>)
        tpu.yield
      }) : () -> ()
    }
    %scan3A_78 = arith.constant 25 : i32
    return
  }
}

module attributes {stable_mosaic.version = 14 : i64} {
  func.func @body(%arg0: i32, %arg1: memref<2000x128xf32, #tpu.memory_space<vmem>>, %arg2: memref<128x128xf32, #tpu.memory_space<vmem>>, %arg3: memref<2000x2xf32, #tpu.memory_space<vmem>>, %arg4: memref<2000x128xf32, #tpu.memory_space<vmem>>, %arg5: memref<2000x1xf32, #tpu.memory_space<vmem>>) attributes {dimension_semantics = [#tpu.dimension_semantics<arbitrary>], iteration_bounds = array<i64: 5>, scalar_prefetch = 0 : i64, scratch_operands = 0 : i64, tpu.core_type = #tpu.core_type<tc>, window_params = [{transform_indices = @transform_0, window_bounds = array<i64: 2000, 128>}, {pipeline_mode = #tpu.pipeline_mode<synchronous>, transform_indices = @transform_1, window_bounds = array<i64: 128, 128>}, {transform_indices = @transform_2, window_bounds = array<i64: 2000, 2>}, {transform_indices = @transform_3, window_bounds = array<i64: 2000, 128>}, {transform_indices = @transform_4, window_bounds = array<i64: 2000, 1>}]} {
    %get3A = arith.constant 0 : index
    %get3A_0 = arith.constant 0 : index
    %get3A_1 = vector.load %arg3[%get3A, %get3A_0] : memref<2000x2xf32, #tpu.memory_space<vmem>>, vector<2000x1xf32>
    %get3A_2 = arith.constant 0 : index
    %get3A_3 = arith.constant 1 : index
    %get3A_4 = vector.load %arg3[%get3A_2, %get3A_3] : memref<2000x2xf32, #tpu.memory_space<vmem>>, vector<2000x1xf32>
    %add3A = arith.addf %get3A_1, %get3A_4 : vector<2000x1xf32>
    %add3A_5 = arith.constant 1.000000e+00 : f32
    %add3A_6 = vector.broadcast %add3A_5 : f32 to vector<2000x1xf32>
    %add3A_7 = arith.addf %add3A, %add3A_6 : vector<2000x1xf32>
    %rsqrt3A = math.rsqrt %add3A_7 : vector<2000x1xf32>
    %get3A_8 = arith.constant 0 : index
    %get3A_9 = arith.constant 0 : index
    %get3A_10 = vector.load %arg1[%get3A_8, %get3A_9] : memref<2000x128xf32, #tpu.memory_space<vmem>>, vector<2000x128xf32>
    %get3A_11 = arith.constant 0 : index
    %get3A_12 = arith.constant 0 : index
    %get3A_13 = vector.load %arg2[%get3A_11, %get3A_12] : memref<128x128xf32, #tpu.memory_space<vmem>>, vector<128x128xf32>
    %dot_general3A = arith.constant dense<0.000000e+00> : vector<2000x128xf32>
    %dot_general3A_14 = tpu.matmul %get3A_10, %get3A_13, %dot_general3A {dimension_numbers = #tpu.dot_dimension_numbers<[1], [0], [0], [1], [0, 0, 1, 1], [], []>, transpose_lhs_hint = false} : vector<2000x128xf32>, vector<128x128xf32>, vector<2000x128xf32> -> vector<2000x128xf32>
    %mul3A = vector.broadcast %rsqrt3A : vector<2000x1xf32> to vector<2000x128xf32>
    %mul3A_15 = arith.mulf %dot_general3A_14, %mul3A : vector<2000x128xf32>
    %swap3A = arith.constant 0 : index
    %swap3A_16 = arith.constant 0 : index
    %swap3A_17 = vector.load %arg4[%swap3A, %swap3A_16] : memref<2000x128xf32, #tpu.memory_space<vmem>>, vector<2000x128xf32>
    tpu.vector_store %arg4[%swap3A, %swap3A_16], %mul3A_15 {strides = array<i32>} : memref<2000x128xf32, #tpu.memory_space<vmem>>, vector<2000x128xf32>,
    %swap3A_18 = arith.constant 0 : index
    %swap3A_19 = arith.constant 0 : index
    %swap3A_20 = vector.load %arg5[%swap3A_18, %swap3A_19] : memref<2000x1xf32, #tpu.memory_space<vmem>>, vector<2000x1xf32>
    tpu.vector_store %arg5[%swap3A_18, %swap3A_19], %rsqrt3A {strides = array<i32>} : memref<2000x1xf32, #tpu.memory_space<vmem>>, vector<2000x1xf32>,
    return
  }
  func.func @transform_0(%arg0: i32) -> (i32, i32) {
    %c0_i32 = arith.constant 0 : i32
    %c0_i32_0 = arith.constant 0 : i32
    return %arg0, %c0_i32 : i32, i32
  }
  func.func @transform_1(%arg0: i32) -> (i32, i32) {
    %c0_i32 = arith.constant 0 : i32
    %c0_i32_0 = arith.constant 0 : i32
    %c0_i32_1 = arith.constant 0 : i32
    return %c0_i32, %c0_i32_0 : i32, i32
  }
  func.func @transform_2(%arg0: i32) -> (i32, i32) {
    %c0_i32 = arith.constant 0 : i32
    %c0_i32_0 = arith.constant 0 : i32
    return %arg0, %c0_i32 : i32, i32
  }
  func.func @transform_3(%arg0: i32) -> (i32, i32) {
    %c0_i32 = arith.constant 0 : i32
    %c0_i32_0 = arith.constant 0 : i32
    return %arg0, %c0_i32 : i32, i32
  }
  func.func @transform_4(%arg0: i32) -> (i32, i32) {
    %c0_i32 = arith.constant 0 : i32
    %c0_i32_0 = arith.constant 0 : i32
    return %arg0, %c0_i32 : i32, i32
  }
}

module attributes {stable_mosaic.version = 14 : i64} {
  func.func @body(%arg0: i32, %arg1: memref<2x2000x128xf32, #tpu.memory_space<vmem>>, %arg2: memref<2000x128xf32, #tpu.memory_space<vmem>>, %arg3: memref<2000x1xf32, #tpu.memory_space<vmem>>, %arg4: memref<1x128xf32, #tpu.memory_space<vmem>>, %arg5: memref<128x128xf32, #tpu.memory_space<vmem>>, %arg6: memref<2000x128xf32, #tpu.memory_space<vmem>>) attributes {dimension_semantics = [#tpu.dimension_semantics<arbitrary>], iteration_bounds = array<i64: 5>, scalar_prefetch = 0 : i64, scratch_operands = 0 : i64, tpu.core_type = #tpu.core_type<tc>, window_params = [{transform_indices = @transform_0, window_bounds = array<i64: 2, 2000, 128>}, {transform_indices = @transform_1, window_bounds = array<i64: 2000, 128>}, {transform_indices = @transform_2, window_bounds = array<i64: 2000, 1>}, {pipeline_mode = #tpu.pipeline_mode<synchronous>, transform_indices = @transform_3, window_bounds = array<i64: 1, 128>}, {pipeline_mode = #tpu.pipeline_mode<synchronous>, transform_indices = @transform_4, window_bounds = array<i64: 128, 128>}, {transform_indices = @transform_5, window_bounds = array<i64: 2000, 128>}]} {
    %get3A = arith.constant 0 : index
    %get3A_0 = arith.constant 0 : index
    %get3A_1 = arith.constant 0 : index
    %get3A_2 = vector.load %arg1[%get3A, %get3A_0, %get3A_1] : memref<2x2000x128xf32, #tpu.memory_space<vmem>>, vector<1x2000x128xf32>
    %get3A_3 = vector.shape_cast %get3A_2 : vector<1x2000x128xf32> to vector<2000x128xf32>
    %get3A_4 = arith.constant 1 : index
    %get3A_5 = arith.constant 0 : index
    %get3A_6 = arith.constant 0 : index
    %get3A_7 = vector.load %arg1[%get3A_4, %get3A_5, %get3A_6] : memref<2x2000x128xf32, #tpu.memory_space<vmem>>, vector<1x2000x128xf32>
    %get3A_8 = vector.shape_cast %get3A_7 : vector<1x2000x128xf32> to vector<2000x128xf32>
    %add3A = arith.addf %get3A_3, %get3A_8 : vector<2000x128xf32>
    %get3A_9 = arith.constant 0 : index
    %get3A_10 = arith.constant 0 : index
    %get3A_11 = vector.load %arg2[%get3A_9, %get3A_10] : memref<2000x128xf32, #tpu.memory_space<vmem>>, vector<2000x128xf32>
    %add3A_12 = arith.addf %add3A, %get3A_11 : vector<2000x128xf32>
    %get3A_13 = arith.constant 0 : index
    %get3A_14 = arith.constant 0 : index
    %get3A_15 = vector.load %arg3[%get3A_13, %get3A_14] : memref<2000x1xf32, #tpu.memory_space<vmem>>, vector<2000x1xf32>
    %mul3A = vector.broadcast %get3A_15 : vector<2000x1xf32> to vector<2000x128xf32>
    %mul3A_16 = arith.mulf %mul3A, %add3A_12 : vector<2000x128xf32>
    %get3A_17 = arith.constant 0 : index
    %get3A_18 = arith.constant 0 : index
    %get3A_19 = vector.load %arg4[%get3A_17, %get3A_18] : memref<1x128xf32, #tpu.memory_space<vmem>>, vector<1x128xf32>
    %add3A_20 = vector.broadcast %get3A_19 : vector<1x128xf32> to vector<2000x128xf32>
    %add3A_21 = arith.addf %mul3A_16, %add3A_20 : vector<2000x128xf32>
    %max3A = arith.constant 0.000000e+00 : f32
    %max3A_22 = vector.broadcast %max3A : f32 to vector<2000x128xf32>
    %max3A_23 = arith.maximumf %add3A_21, %max3A_22 : vector<2000x128xf32>
    %get3A_24 = arith.constant 0 : index
    %get3A_25 = arith.constant 0 : index
    %get3A_26 = vector.load %arg5[%get3A_24, %get3A_25] : memref<128x128xf32, #tpu.memory_space<vmem>>, vector<128x128xf32>
    %dot_general3A = arith.constant dense<0.000000e+00> : vector<2000x128xf32>
    %dot_general3A_27 = tpu.matmul %max3A_23, %get3A_26, %dot_general3A {dimension_numbers = #tpu.dot_dimension_numbers<[1], [0], [0], [1], [0, 0, 1, 1], [], []>, transpose_lhs_hint = false} : vector<2000x128xf32>, vector<128x128xf32>, vector<2000x128xf32> -> vector<2000x128xf32>
    %get3A_28 = arith.constant 0 : index
    %get3A_29 = arith.constant 0 : index
    %get3A_30 = vector.load %arg3[%get3A_28, %get3A_29] : memref<2000x1xf32, #tpu.memory_space<vmem>>, vector<2000x1xf32>
    %mul3A_31 = vector.broadcast %get3A_30 : vector<2000x1xf32> to vector<2000x128xf32>
    %mul3A_32 = arith.mulf %dot_general3A_27, %mul3A_31 : vector<2000x128xf32>
    %swap3A = arith.constant 0 : index
    %swap3A_33 = arith.constant 0 : index
    %swap3A_34 = vector.load %arg6[%swap3A, %swap3A_33] : memref<2000x128xf32, #tpu.memory_space<vmem>>, vector<2000x128xf32>
    tpu.vector_store %arg6[%swap3A, %swap3A_33], %mul3A_32 {strides = array<i32>} : memref<2000x128xf32, #tpu.memory_space<vmem>>, vector<2000x128xf32>,
    return
  }
  func.func @transform_0(%arg0: i32) -> (i32, i32, i32) {
    %c0_i32 = arith.constant 0 : i32
    %c0_i32_0 = arith.constant 0 : i32
    %c0_i32_1 = arith.constant 0 : i32
    return %c0_i32, %arg0, %c0_i32_0 : i32, i32, i32
  }
  func.func @transform_1(%arg0: i32) -> (i32, i32) {
    %c0_i32 = arith.constant 0 : i32
    %c0_i32_0 = arith.constant 0 : i32
    return %arg0, %c0_i32 : i32, i32
  }
  func.func @transform_2(%arg0: i32) -> (i32, i32) {
    %c0_i32 = arith.constant 0 : i32
    %c0_i32_0 = arith.constant 0 : i32
    return %arg0, %c0_i32 : i32, i32
  }
  func.func @transform_3(%arg0: i32) -> (i32, i32) {
    %c0_i32 = arith.constant 0 : i32
    %c0_i32_0 = arith.constant 0 : i32
    %c0_i32_1 = arith.constant 0 : i32
    return %c0_i32, %c0_i32_0 : i32, i32
  }
  func.func @transform_4(%arg0: i32) -> (i32, i32) {
    %c0_i32 = arith.constant 0 : i32
    %c0_i32_0 = arith.constant 0 : i32
    %c0_i32_1 = arith.constant 0 : i32
    return %c0_i32, %c0_i32_0 : i32, i32
  }
  func.func @transform_5(%arg0: i32) -> (i32, i32) {
    %c0_i32 = arith.constant 0 : i32
    %c0_i32_0 = arith.constant 0 : i32
    return %arg0, %c0_i32 : i32, i32
  }
}

module attributes {stable_mosaic.version = 14 : i64} {
  func.func @body(%arg0: i32, %arg1: memref<2x2000x128xf32, #tpu.memory_space<vmem>>, %arg2: memref<2000x128xf32, #tpu.memory_space<vmem>>, %arg3: memref<2000x1xf32, #tpu.memory_space<vmem>>, %arg4: memref<1x128xf32, #tpu.memory_space<vmem>>, %arg5: memref<2000x128xf32, #tpu.memory_space<vmem>>) attributes {dimension_semantics = [#tpu.dimension_semantics<arbitrary>], iteration_bounds = array<i64: 5>, scalar_prefetch = 0 : i64, scratch_operands = 0 : i64, tpu.core_type = #tpu.core_type<tc>, window_params = [{transform_indices = @transform_0, window_bounds = array<i64: 2, 2000, 128>}, {transform_indices = @transform_1, window_bounds = array<i64: 2000, 128>}, {transform_indices = @transform_2, window_bounds = array<i64: 2000, 1>}, {pipeline_mode = #tpu.pipeline_mode<synchronous>, transform_indices = @transform_3, window_bounds = array<i64: 1, 128>}, {transform_indices = @transform_4, window_bounds = array<i64: 2000, 128>}]} {
    %get3A = arith.constant 0 : index
    %get3A_0 = arith.constant 0 : index
    %get3A_1 = arith.constant 0 : index
    %get3A_2 = vector.load %arg1[%get3A, %get3A_0, %get3A_1] : memref<2x2000x128xf32, #tpu.memory_space<vmem>>, vector<1x2000x128xf32>
    %get3A_3 = vector.shape_cast %get3A_2 : vector<1x2000x128xf32> to vector<2000x128xf32>
    %get3A_4 = arith.constant 1 : index
    %get3A_5 = arith.constant 0 : index
    %get3A_6 = arith.constant 0 : index
    %get3A_7 = vector.load %arg1[%get3A_4, %get3A_5, %get3A_6] : memref<2x2000x128xf32, #tpu.memory_space<vmem>>, vector<1x2000x128xf32>
    %get3A_8 = vector.shape_cast %get3A_7 : vector<1x2000x128xf32> to vector<2000x128xf32>
    %add3A = arith.addf %get3A_3, %get3A_8 : vector<2000x128xf32>
    %get3A_9 = arith.constant 0 : index
    %get3A_10 = arith.constant 0 : index
    %get3A_11 = vector.load %arg2[%get3A_9, %get3A_10] : memref<2000x128xf32, #tpu.memory_space<vmem>>, vector<2000x128xf32>
    %add3A_12 = arith.addf %add3A, %get3A_11 : vector<2000x128xf32>
    %get3A_13 = arith.constant 0 : index
    %get3A_14 = arith.constant 0 : index
    %get3A_15 = vector.load %arg3[%get3A_13, %get3A_14] : memref<2000x1xf32, #tpu.memory_space<vmem>>, vector<2000x1xf32>
    %mul3A = vector.broadcast %get3A_15 : vector<2000x1xf32> to vector<2000x128xf32>
    %mul3A_16 = arith.mulf %mul3A, %add3A_12 : vector<2000x128xf32>
    %get3A_17 = arith.constant 0 : index
    %get3A_18 = arith.constant 0 : index
    %get3A_19 = vector.load %arg4[%get3A_17, %get3A_18] : memref<1x128xf32, #tpu.memory_space<vmem>>, vector<1x128xf32>
    %add3A_20 = vector.broadcast %get3A_19 : vector<1x128xf32> to vector<2000x128xf32>
    %add3A_21 = arith.addf %mul3A_16, %add3A_20 : vector<2000x128xf32>
    %swap3A = arith.constant 0 : index
    %swap3A_22 = arith.constant 0 : index
    %swap3A_23 = vector.load %arg5[%swap3A, %swap3A_22] : memref<2000x128xf32, #tpu.memory_space<vmem>>, vector<2000x128xf32>
    tpu.vector_store %arg5[%swap3A, %swap3A_22], %add3A_21 {strides = array<i32>} : memref<2000x128xf32, #tpu.memory_space<vmem>>, vector<2000x128xf32>,
    return
  }
  func.func @transform_0(%arg0: i32) -> (i32, i32, i32) {
    %c0_i32 = arith.constant 0 : i32
    %c0_i32_0 = arith.constant 0 : i32
    %c0_i32_1 = arith.constant 0 : i32
    return %c0_i32, %arg0, %c0_i32_0 : i32, i32, i32
  }
  func.func @transform_1(%arg0: i32) -> (i32, i32) {
    %c0_i32 = arith.constant 0 : i32
    %c0_i32_0 = arith.constant 0 : i32
    return %arg0, %c0_i32 : i32, i32
  }
  func.func @transform_2(%arg0: i32) -> (i32, i32) {
    %c0_i32 = arith.constant 0 : i32
    %c0_i32_0 = arith.constant 0 : i32
    return %arg0, %c0_i32 : i32, i32
  }
  func.func @transform_3(%arg0: i32) -> (i32, i32) {
    %c0_i32 = arith.constant 0 : i32
    %c0_i32_0 = arith.constant 0 : i32
    %c0_i32_1 = arith.constant 0 : i32
    return %c0_i32, %c0_i32_0 : i32, i32
  }
  func.func @transform_4(%arg0: i32) -> (i32, i32) {
    %c0_i32 = arith.constant 0 : i32
    %c0_i32_0 = arith.constant 0 : i32
    return %arg0, %c0_i32 : i32, i32
  }
}

</mosaic_0001>

<sc_bundles>
// kernel: kernel.11.cloned.1.call-start
scs
__scs_entry_jumppad:
0x0: {  	(pc) =	sbr.rel $0x88, $3  }
0x1: {  	(tag) =	ssettag $0x0;
	lr =	simm.s32 $0x1  }
0x2: {  	[smem:$0x3F9B] =	sst lr;
	_ =	strace $0xD0000000  }
0x3: {  	_ = 	snop  }
0x4: {  	_ = 	snop  }
0x5: {  	_ = 	snop  }
0x6: {  	_ = 	snop  }
0x7: {  	_ = 	snop  }
__scs_overlays_trampoline_lowered:
0x8: {  	[smem:$0x3FAA] =	sst s0  }
0x9: {  	[smem:$0x3FAB] =	sst s1  }
0xa: {  	[smem:$0x3FAC] =	sst s2  }
0xb: {  	[smem:$0x3FAD] =	sst s3  }
0xc: {  	[smem:$0x3FAE] =	sst s4  }
0xd: {  	[smem:$0x3FAF] =	sst s5  }
0xe: {  	[smem:$0x3FB0] =	sst s6  }
0xf: {  	[smem:$0x3FB1] =	sst s7  }
0x10: {  	[smem:$0x3FB2] =	sst s8  }
0x11: {  	[smem:$0x3FB3] =	sst s9;
	s0 =	simm.s32 @!p0 $0x0  }
0x12: {  	s1 =	sld [smem:$0x3F99];
	s0 =	simm.s32 @p0 $0x1  }
0x13: {  	[smem:$0x3FB4] =	sst s0;
	s0 =	simm.s32 @!p1 $0x0  }
0x14: {  	s2 =	sld [smem:$0x3F98];
	s0 =	simm.s32 @p1 $0x1  }
0x15: {  	[smem:$0x3FB5] =	sst s0;
	s0 =	simm.s32 @!p2 $0x0  }
0x16: {  	s3 =	sld [smem:$0x3FDB];
	s0 =	simm.s32 @p2 $0x1  }
0x17: {  	s4 =	simm.s32 $0x1BF5;
	[smem:$0x3FB7] =	sst s0  }
0x18: {  	s0 =	sld [smem:$0x3F9A];
	_ =	swait.ge [sflag:s4], $0x0  }
0x19: {  	s7 =	sld [smem:$0x3F9B]  }
0x1a: {  	s8 =	sadd.s32 $0xFFFFE003, lr  }
0x1b: {  	s9 =	sadd.s32 $0xFFFFFEF7, lr;
	s5 =	simm.s32 $0xFFFFFFFF;
	p2 =	slt.u32 s8, $0xFFFFF086  }
0x1c: {  	p1 =	slt.u32 s9, $0xF7A;
	s5 =	simm.s32 @!p2 $0x0  }
0x1d: {  	s5 =	simm.s32 @p1 $0x1;
	p0 =	seq.s32 s7, s2  }
0x1e: {  	s7 =	smul.u32 @!p0 $0xF7A, s2;
	p2 =	seq.s32 @!p0 s5, $0x0  }
0x1f: {  	s9 =	smul.u32 $0xF7A, s1;
	s8 =	simm.s32 @!p0 $0x1BF5;
	p2 =	por !p2, p0  }
0x20: {  	[sflag:s8] =	ssyncset.s32 @!p0 $0xFFFFF086;
	s6 =	sadd.s32 @!p0 s3, s7;
	s7 =	simm.s32 @!p0 $0x108  }
0x21: {  	s3 =	sadd.s32 s3, s9;
	s6 =	sadd.s32 @!p0 $0x88, s6;
	s7 =	simm.s32 @p2 $0x1082  }
0x22: {  	[simem:s7], [sflag:s8] =	dma.local @!p0 [hbm:s6], $0xF7A  }
0x23: {  	s9 =	sor.u32 $0xD0000000, s2;
	s6 =	simm.s32 $0x108;
	_ =	swait.ge @!p0 [sflag:s8], $0x0  }
0x24: {  	s3 =	sadd.s32 $0x88, s3;
	s6 =	simm.s32 @!p1 $0x1082;
	[sflag:s4] =	ssyncset.s32 $0xFFFFF086  }
0x25: {  	[simem:s6], [sflag:s4] =	dma.local [hbm:s3], $0xF7A  }
0x26: {  	[smem:$0x3F9B] =	sst s1;
	(tag) =	ssettag s2;
	_ =	strace s9  }
0x27: {  	s1 =	sld [smem:$0x3FAB]  }
0x28: {  	s2 =	sld [smem:$0x3FAC]  }
0x29: {  	s4 =	sld [smem:$0x3FAE]  }
0x2a: {  	p0 =	seq.s32 s5, $0x0;
	s5 =	sld [smem:$0x3FAF]  }
0x2b: {  	s6 =	sld [smem:$0x3FB0]  }
0x2c: {  	s7 =	sld [smem:$0x3FB1]  }
0x2d: {  	s3 =	simm.s32 $0x108;
	s8 =	sld [smem:$0x3FB2]  }
0x2e: {  	s3 =	simm.s32 @!p0 $0x1082;
	s9 =	sld [smem:$0x3FB3]  }
0x2f: {  	lr =	sadd.s32 s0, s3;
	s0 =	sld [smem:$0x3FAA]  }
0x30: {  	s3 =	sld [smem:$0x3FAD]  }
0x31: {  	[smem:$0x3FB6] =	sst s10  }
0x32: {  	s10 =	sld [smem:$0x3FB4];
	_ =	sdelay $0x3  }
0x33: {  	p0 =	seq.s32 s10, $0x1;
	s10 =	sld [smem:$0x3FB6];
	_ =	sdelay $0x3  }
0x34: {  	[smem:$0x3FB6] =	sst s10  }
0x35: {  	s10 =	sld [smem:$0x3FB5];
	_ =	sdelay $0x3  }
0x36: {  	p1 =	seq.s32 s10, $0x1;
	s10 =	sld [smem:$0x3FB6];
	_ =	sdelay $0x3  }
0x37: {  	[smem:$0x3FB6] =	sst s10  }
0x38: {  	s10 =	sld [smem:$0x3FB7]  }
0x39: {  	_ = 	snop;
	(pc) =	sbr.ind lr, $3  }
0x3a: {  	_ = 	snop  }
0x3b: {  	_ = 	snop  }
0x3c: {  	p2 =	seq.s32 s10, $0x1;
	s10 =	sld [smem:$0x3FB6]  }
0x3d: {  	_ =	shalt  }
0x3e: {  	_ =	shalt  }
0x3f: {  	_ =	shalt  }
0x40: {  	_ =	shalt  }
0x41: {  	_ =	shalt  }
0x42: {  	_ =	shalt  }
0x43: {  	_ =	shalt  }
0x44: {  	_ =	shalt  }
0x45: {  	_ =	shalt  }
0x46: {  	_ =	shalt  }
0x47: {  	_ =	shalt  }
0x48: {  	_ =	shalt  }
0x49: {  	_ =	shalt  }
0x4a: {  	_ =	shalt  }
0x4b: {  	_ =	shalt  }
0x4c: {  	_ =	shalt  }
0x4d: {  	_ =	shalt  }
0x4e: {  	_ =	shalt  }
0x4f: {  	_ =	shalt  }
0x50: {  	_ =	shalt  }
0x51: {  	_ =	shalt  }
0x52: {  	_ =	shalt  }
0x53: {  	_ =	shalt  }
0x54: {  	_ =	shalt  }
0x55: {  	_ =	shalt  }
0x56: {  	_ =	shalt  }
0x57: {  	_ =	shalt  }
0x58: {  	_ =	shalt  }
0x59: {  	_ =	shalt  }
0x5a: {  	_ =	shalt  }
0x5b: {  	_ =	shalt  }
0x5c: {  	_ =	shalt  }
0x5d: {  	_ =	shalt  }
0x5e: {  	_ =	shalt  }
0x5f: {  	_ =	shalt  }
0x60: {  	_ =	shalt  }
0x61: {  	_ =	shalt  }
0x62: {  	_ =	shalt  }
0x63: {  	_ =	shalt  }
0x64: {  	_ =	shalt  }
0x65: {  	_ =	shalt  }
0x66: {  	_ =	shalt  }
0x67: {  	_ =	shalt  }
0x68: {  	_ =	shalt  }
0x69: {  	_ =	shalt  }
0x6a: {  	_ =	shalt  }
0x6b: {  	_ =	shalt  }
0x6c: {  	_ =	shalt  }
0x6d: {  	_ =	shalt  }
0x6e: {  	_ =	shalt  }
0x6f: {  	_ =	shalt  }
0x70: {  	_ =	shalt  }
0x71: {  	_ =	shalt  }
0x72: {  	_ =	shalt  }
0x73: {  	_ =	shalt  }
0x74: {  	_ =	shalt  }
0x75: {  	_ =	shalt  }
0x76: {  	_ =	shalt  }
0x77: {  	_ =	shalt  }
0x78: {  	_ =	shalt  }
0x79: {  	_ =	shalt  }
0x7a: {  	_ =	shalt  }
0x7b: {  	_ =	shalt  }
0x7c: {  	_ =	shalt  }
0x7d: {  	_ =	shalt  }
0x7e: {  	_ =	shalt  }
0x7f: {  	_ =	shalt  }
0x80: {  	_ =	shalt  }
0x81: {  	_ =	shalt  }
0x82: {  	_ =	shalt  }
0x83: {  	_ =	shalt  }
0x84: {  	_ =	shalt  }
0x85: {  	_ =	shalt  }
0x86: {  	_ =	shalt  }
0x87: {  	_ =	shalt  }
.Lfunc_end0:
.L_simem_size_0:
called_computation.1_lowered:
.L_overlay_start_0:
0x88: {  	s2 =	sld [smem:$0x3FD9]  }
0x89: {  	s3 =	sld [smem:$0x3FFE];
	_ =	sdelay $0x1  }
0x8a: {  	s1 =	srdreg.scid  }
0x8b: {  	s0 =	sand.u32 $0x1, s1  }
0x8c: {  	s17 =	sshll.u32 s0, $0xA;
	s2 =	sadd.s32 s3, s2  }
0x8d: {  	s2 =	sadd.s32 s2, s17  }
0x8e: {  	[smem:$0x3FC2] =	sst s2  }
0x8f: {  	_ = 	snop  }
0x90: {  	s2 =	sld [smem:$0x3FD0];
	(tm) =	ssettm $0x1  }
0x91: {  	s18 =	sld [smem:$0x3FFB];
	_ =	sdelay $0x3  }
0x92: {  	_ =	strace s18  }
0x93: {  	s3 =	sld [smem:$0x3FFC];
	_ =	sdelay $0x3  }
0x94: {  	_ =	strace s3  }
0x95: {  	s3 =	sld [smem:$0x3FFD];
	_ =	sdelay $0x3  }
0x96: {  	_ =	strace s3  }
0x97: {  	_ =	strace $0x8FFFFFFF  }
0x98: {  	s19 =	sld [smem:$0x3FDB];
	_ =	sdelay $0x1  }
0x99: {  	s4 =	simm.s32 $_scs_section_size  }
0x9a: {  	s5 =	simm.s32 $_size__tile_overlayer_lowered;
	s6 =	simm.s32 $_tile_overlayer_lowered  }
0x9b: {  	s22 =	simm.s32 $0x1BFF;
	s21 =	sshll.u32 s6, $0x1;
	s3 =	sadd.s32 s4, s19  }
0x9c: {  	s7 =	simm.s32 $0x0;
	s20 =	sshll.u32 s5, $0x1;
	s5 =	sadd.s32 s21, s3  }
0x9d: {  	[timem:s7], [sflag:s22] =	dma.local [hbm:s5], s20  }
0x9e: {  	_ =	swait.ge [sflag:s22], s20  }
0x9f: {  	s4 =	ssub.s32 $0x0, s20;
	[sflag:s22] =	ssyncset.done $0x0  }
0xa0: {  	[sflag:s22] =	ssyncadd.s32 s4;
	_ =	sdelay $0x1  }
0xa1: {  	s23 =	simm.s32 $0x1B8B  }
0xa2: {  	_ =	swait.ge [sflag:s23], $0x1  }
0xa3: {  	[sflag:s23] =	ssyncset.done $0x0  }
0xa4: {  	s25 =	simm.s32 $0x1B8E;
	s24 =	sld [smem:$0x3FFE];
	[sflag:s23] =	ssyncadd.s32 $0xFFFFFFFF  }
0xa5: {  	s26 =	simm.s32 $execute0_lowered;
	[smem:$0x3FD2] =	sst s25  }
0xa6: {  	s5 =	sshll.u32 s26, $0x1;
	_ =	strace $0x80000049;
	[dreg:$0x1] =	wrdreg $0xFFFFFFFF  }
0xa7: {  	s28 =	simm.s32 $_size_execute0_lowered;
	s3 =	sadd.s32 s3, s5;
	[dreg:$0x0] =	wrdreg $0x0  }
0xa8: {  	s5 =	sshll.u32 s28, $0x1;
	[dreg:$0x2] =	wrdreg s3  }
0xa9: {  	[dreg:$0x3] =	wrdreg s5  }
0xaa: {  	[dreg:$0x4] =	wrdreg $0xC0  }
0xab: {  	_ =	task [dreg:s7], $0x5FFFF  }
0xac: {  	[dreg:$0x1] =	wrdreg $0xFFFFFFFF  }
0xad: {  	[dreg:$0x0] =	wrdreg $0x60  }
0xae: {  	[dreg:$0x2] =	wrdreg s2  }
0xaf: {  	[dreg:$0x3] =	wrdreg s24  }
0xb0: {  	[dreg:$0x4] =	wrdreg $0xAC800  }
0xb1: {  	[dreg:$0x5] =	wrdreg $0x9  }
0xb2: {  	_ =	task.clear_ibuf [dreg:s7], $0x6FFFF;
	_ =	strace $0x90000049  }
0xb3: {  	s29 =	simm.s32 $0x9;
	_ =	strace $0x8000004B  }
0xb4: {  	_ =	swait.ge [sflag:s29], $0x1  }
0xb5: {  	[sflag:s29] =	ssyncadd.s32 $0xFFFFFFFF  }
0xb6: {  	_ =	strace $0x9000004B  }
0xb7: {  	_ =	sfence  }
0xb8: {  	s30 =	sld [smem:$0x0];
	_ =	sdelay $0x2  }
0xb9: {  	s31 =	sshll.u32 s1, $0xD;
	s1 =	sshrl.u32 s1, $0x2  }
0xba: {  	s3 =	sand.u32 $0x4000, s31;
	s1 =	sadd.s32 s1, s30  }
0xbb: {  	s0 =	sor.u32 s3, s0;
	s1 =	sshll.u32 s1, $0x11  }
0xbc: {  	s0 =	sor.u32 s1, s0  }
0xbd: {  	s0 =	sadd.s32 $0x8F2B, s0  }
0xbe: {  	[sflag:s0] =	ssyncadd.remote.s32 $0x1  }
0xbf: {  	_ =	sfence.sel $0xFFFF  }
0xc0: {  	[dreg:$0x0] =	wrdreg $0xFFFFFFFF;
	(pc) =	sbr.abs _section_cstart, $3  }
0xc1: {  	[dreg:$0x1] =	wrdreg $0xFFFFFFFF  }
0xc2: {  	_ =	task.clear_ibuf [dreg:s7], $0x2FFFF;
	_ =	strace $0x9FFFFFFF  }
0xc3: {  	(tm) =	ssettm $0x7FFFFFFF  }
tec
execute0_lowered:
.L_overlay_start_1:
0x0: {  	(tag) =	ssettag $0x1  }
0x1: {  	s0 =	srdreg.scid;
	s1 =	rddreg [dreg:$0x0]  }
0x2: {  	s11 =	stileid.u32;
	s6 =	rddreg [dreg:$0x1]  }
0x3: {  	s3 =	rddreg [dreg:$0x2];
	s4 =	simm.s32 $0x0;
	s7 =	smul.u32 $0x13880, s11  }
0x4: {  	s28 =	simm.s32 $0x7800;
	s29 =	simm.s32 $0x1;
	s18 =	smul.u32 $0x4E20, s11  }
0x5: {  	s30 =	simm.s32 $0x4;
	s0 =	sand.u32 $0x1, s0;
	s24 =	smul.u32 $0x4E200, s11  }
0x6: {  	s2 =	sshll.u32 s11, $0x1;
	[smem:$0x7FF] =	sst s4;
	s5 =	smul.u32 $0x138800, s0  }
0x7: {  	s2 =	sor.u32 s0, s2;
	s9 =	ssub.s32 $0x2, s0;
	s0 =	smul.u32 $0x2710, s0  }
0x8: {  	s31 =	simm.s32 $0x2;
	_ =	strace $0x8000004A;
	s2 =	smul.u32 $0x2710, s2  }
0x9: {  	s10 =	sshrl.u32 s9, $0x1;
	s7 =	sadd.s32 s7, s5;
	s5 =	sadd.s32 $0xBE00, s6  }
0xa: {  	s9 =	ssub.s32 s9, s10;
	s0 =	sadd.s32 s0, s18;
	s18 =	simm.s32 $0x7  }
0xb: {  	s2 =	sshrl.u32 s2, $0x3;
	s7 =	sshrl.u32 s7, $0x3;
	s22 =	smax.u32 s9, $0x1  }
0xc: {  	s25 =	sadd.s32 $0x190, s0;
	s26 =	sadd.s32 $0x140, s0;
	s16 =	sadd.s32 $0xF0, s0  }
0xd: {  	s0 =	simm.s32 $0x3;
	s8 =	sadd.s32 s2, s6;
	s6 =	sadd.s32 s7, s6  }
0xe: {  	s20 =	sadd.s32 s5, s2;
	[dreg:$0x8] =	wrdreg s22;
	s9 =	sshrl.u32 s26, $0x3  }
0xf: {  	s22 =	simm.s32 $0x2800;
	s26 =	simm.s32 $0x6;
	s19 =	sadd.s32 $0x2000, s8  }
0x10: {  	s2 =	sadd.s32 $0xA, s20;
	s21 =	sadd.s32 $0x14, s20;
	[dreg:$0x5] =	wrdreg s20  }
0x11: {  	s23 =	sadd.s32 $0x4CE, s20;
	s7 =	sadd.s32 $0x4D8, s20;
	[dreg:$0x4] =	wrdreg s19  }
0x12: {  	s8 =	sshrl.u32 s25, $0x3;
	s15 =	sadd.s32 s9, s5;
	[dreg:$0x6] =	wrdreg s2  }
0x13: {  	s17 =	sadd.s32 $0x15C00, s6;
	s20 =	simm.s32 $0x2710;
	[dreg:$0x7] =	wrdreg s21  }
0x14: {  	s25 =	simm.s32 $0x27B0;
	s6 =	simm.s32 $0x0;
	[dreg:$0x9] =	wrdreg s23  }
0x15: {  	[dreg:$0xa] =	wrdreg s7;
	s2 =	sshrl.u32 s24, $0x2;
	s14 =	sadd.s32 s8, s5  }
0x16: {  	s19 =	simm.s32 $0xA000;
	s21 =	simm.s32 $0x50;
	s23 =	simm.s32 $0x2760  }
0x17: {  	v0 =	vimm.f32 $0.0e+00;
	s24 =	simm.s32 $0x5000;
	s13 =	sadd.s32 s2, s3;
	s2 =	simm.s32 $0x5  }
.LBB2_1:
0x18: {  	s7 =	rddreg [dreg:$0x4]  }
0x19: {  	[tilespmem:s4], [sflag:$0x7] =	stream.linear.gather [hbm4b:s7+s4], $0x2710, $0x38;
	[tilespmem:$0x1E500] =	vst v63  }
0x1a: {  	_ =	swait.ge [sflag:s18], $0x2710  }
0x1b: {  	[sflag:s18] =	ssyncset.done $0x0  }
0x1c: {  	s8 =	simm.s32 $0x70;
	s9 =	simm.s32 $0x3C0;
	[sflag:s18] =	ssyncadd.s32 $0xFFFFD8F0  }
.LBB2_2:
0x1d: {  	p0 =	sne.s32 s9, $0x31C0;
	[tilespmem:s8+$0xA000] =	vst v0  }
0x1e: {  	[tilespmem:s8+$0x9F90] =	vst v0  }
0x1f: {  	[tilespmem:s8+$0x9FA0] =	vst v0  }
.Ltmp0:
0x20: {  	[tilespmem:s8+$0x9FB0] =	vst v0;
	(pc) =	sbr.rel @p0 .LBB2_2-.Ltmp0, $4  }
0x21: {  	[tilespmem:s8+$0x9FC0] =	vst v0  }
0x22: {  	[tilespmem:s8+$0x9FD0] =	vst v0  }
0x23: {  	[tilespmem:s8+$0x9FE0] =	vst v0  }
0x24: {  	[tilespmem:s8+$0x9FF0] =	vst v0;
	s8 =	sshra.s32 s9, $0x2;
	s9 =	sadd.s32 $0x200, s9  }
0x25: {  	[tilespmem:s8+$0xA000] =	vst v0  }
0x26: {  	[tilespmem:s8+$0x9F90] =	vst v0  }
0x27: {  	[tilespmem:s8+$0x9FA0] =	vst v0  }
0x28: {  	[tilespmem:s8+$0x9FB0] =	vst v0  }
0x29: {  	[tilespmem:s8+$0x9FC0] =	vst v0  }
0x2a: {  	[tilespmem:s8+$0x9FD0] =	vst v0  }
0x2b: {  	[tilespmem:s8+$0x9FE0] =	vst v0  }
0x2c: {  	[tilespmem:s8+$0x9FF0] =	vst v0;
	s12 =	sadd.s32 $0x0, s13  }
0x2d: {  	[spmem:s12] =	stream.linear.scatter [tilespmem:s19], [sflag:$0x7], $0xC80, $0x38;
	[tilespmem:$0x1E500] =	vst v63  }
0x2e: {  	s8 =	simm.s32 $0x3200;
	_ =	swait.ge [sflag:s18], $0xC80  }
.LBB2_4:
0x2f: {  	s9 =	sshra.s32 s8, $0x2;
	[sflag:s18] =	ssyncset.done $0x0;
	p0 =	sne.s32 s8, $0x4B000  }
.Ltmp1:
0x30: {  	s9 =	sadd.s32 s9, s13;
	[sflag:s18] =	ssyncadd.s32 $0xFFFFF380;
	(pc) =	sbr.rel @p0 .LBB2_4-.Ltmp1, $3  }
0x31: {  	[spmem:s9] =	stream.linear.scatter [tilespmem:s19], [sflag:$0x7], $0xC80, $0x38;
	[tilespmem:$0x1E500] =	vst v63  }
0x32: {  	s8 =	sadd.s32 $0x3200, s8;
	_ =	sdelay $0x1  }
0x33: {  	_ =	swait.ge [sflag:s18], $0xC80  }
0x34: {  	[sflag:s18] =	ssyncset.done $0x0  }
0x35: {  	[sflag:s18] =	ssyncadd.s32 $0xFFFFF380  }
0x36: {  	[bflag:$0x0] =	sbarrier.arrive $0xFFFF  }
0x37: {  	s8 =	simm.s32 $0x0;
	s7 =	rddreg [dreg:$0x5]  }
0x38: {  	[tilespmem:s20], [sflag:$0x1] =	stream.linear.gather [hbm4b:s7+s8], $0x50, $0x38;
	[tilespmem:$0x1E500] =	vst v63  }
0x39: {  	_ = 	snop  }
0x3a: {  	[tilespmem:s22], [sflag:$0x4] =	stream.indirect.gather [hbm4b:s1+s21], $0x80, s8, s21, $0xb8;
	[tilespmem:$0x1E500] =	vst v63  }
0x3b: {  	s11 =	rddreg [dreg:$0x6]  }
0x3c: {  	[tilespmem:s23], [sflag:$0x2] =	stream.linear.gather [hbm4b:s11+s8], $0x50, $0x38;
	[tilespmem:$0x1E500] =	vst v63  }
0x3d: {  	_ = 	snop  }
0x3e: {  	[tilespmem:s24], [sflag:$0x5] =	stream.indirect.gather [hbm4b:s1+s21], $0x80, s21, s21, $0xb8;
	[tilespmem:$0x1E500] =	vst v63  }
0x3f: {  	s12 =	rddreg [dreg:$0x7]  }
0x40: {  	[tilespmem:s25], [sflag:$0x3] =	stream.linear.gather [hbm4b:s12+s8], $0x50, $0x38;
	[tilespmem:$0x1E500] =	vst v63  }
0x41: {  	s9 =	simm.s32 $0xA0  }
0x42: {  	[tilespmem:s28], [sflag:$0x6] =	stream.indirect.gather [hbm4b:s1+s21], $0x80, s9, s21, $0xb8;
	[tilespmem:$0x1E500] =	vst v63  }
0x43: {  	_ =	swait.ge [sflag:s29], $0x50  }
0x44: {  	[sflag:s29] =	ssyncset.done $0x0  }
0x45: {  	[sflag:s29] =	ssyncadd.s32 $0xFFFFFFB0  }
0x46: {  	_ =	swait.ge [sflag:s30], $0x2800  }
0x47: {  	[sflag:s30] =	ssyncset.done $0x0  }
0x48: {  	[sflag:s30] =	ssyncadd.s32 $0xFFFFD800  }
0x49: {  	[spmem:s3] =	stream.indirect.scatter.add.f32 [tilespmem:s22], [sflag:$0x7], $0x80, s20, s21, $0xb8;
	[tilespmem:$0x1E500] =	vst v63  }
0x4a: {  	_ =	swait.ge [sflag:s18], $0x2800  }
0x4b: {  	s10 =	sshrl.u32 s16, $0x3;
	[sflag:s18] =	ssyncset.done $0x0  }
0x4c: {  	s8 =	sadd.s32 s5, s10;
	[sflag:s18] =	ssyncadd.s32 $0xFFFFD800  }
0x4d: {  	[tilespmem:s20], [sflag:$0x1] =	stream.linear.gather [hbm4b:s8+s4], $0x50, $0x38;
	[tilespmem:$0x1E500] =	vst v63  }
0x4e: {  	s11 =	simm.s32 $0xF0  }
0x4f: {  	[tilespmem:s22], [sflag:$0x4] =	stream.indirect.gather [hbm4b:s1+s21], $0x80, s11, s21, $0xb8;
	[tilespmem:$0x1E500] =	vst v63  }
0x50: {  	_ =	swait.ge [sflag:s31], $0x50  }
0x51: {  	[sflag:s31] =	ssyncset.done $0x0  }
0x52: {  	[sflag:s31] =	ssyncadd.s32 $0xFFFFFFB0  }
0x53: {  	_ =	swait.ge [sflag:s2], $0x2800  }
0x54: {  	[sflag:s2] =	ssyncset.done $0x0  }
0x55: {  	[sflag:s2] =	ssyncadd.s32 $0xFFFFD800  }
0x56: {  	[spmem:s3] =	stream.indirect.scatter.add.f32 [tilespmem:s24], [sflag:$0x7], $0x80, s23, s21, $0xb8;
	[tilespmem:$0x1E500] =	vst v63  }
0x57: {  	_ =	swait.ge [sflag:s18], $0x2800  }
0x58: {  	[sflag:s18] =	ssyncset.done $0x0  }
0x59: {  	[sflag:s18] =	ssyncadd.s32 $0xFFFFD800  }
0x5a: {  	[tilespmem:s23], [sflag:$0x2] =	stream.linear.gather [hbm4b:s15+s4], $0x50, $0x38;
	[tilespmem:$0x1E500] =	vst v63  }
0x5b: {  	s12 =	simm.s32 $0x140  }
0x5c: {  	[tilespmem:s24], [sflag:$0x5] =	stream.indirect.gather [hbm4b:s1+s21], $0x80, s12, s21, $0xb8;
	[tilespmem:$0x1E500] =	vst v63  }
0x5d: {  	_ =	swait.ge [sflag:s0], $0x50  }
0x5e: {  	[sflag:s0] =	ssyncset.done $0x0  }
0x5f: {  	[sflag:s0] =	ssyncadd.s32 $0xFFFFFFB0  }
0x60: {  	_ =	swait.ge [sflag:s26], $0x2800  }
0x61: {  	[sflag:s26] =	ssyncset.done $0x0  }
0x62: {  	[sflag:s26] =	ssyncadd.s32 $0xFFFFD800  }
0x63: {  	[spmem:s3] =	stream.indirect.scatter.add.f32 [tilespmem:s28], [sflag:$0x7], $0x80, s25, s21, $0xb8;
	[tilespmem:$0x1E500] =	vst v63  }
0x64: {  	s10 =	sadd.s32 $0x1E, s14;
	_ =	swait.ge [sflag:s18], $0x2800  }
0x65: {  	s9 =	sadd.s32 $0xF0, s16;
	s8 =	simm.s32 $0x3C0;
	[sflag:s18] =	ssyncset.done $0x0  }
0x66: {  	s11 =	sadd.s32 $0x1E, s15;
	s12 =	simm.s32 $0x190;
	[sflag:s18] =	ssyncadd.s32 $0xFFFFD800  }
0x67: {  	[tilespmem:s25], [sflag:$0x3] =	stream.linear.gather [hbm4b:s14+s4], $0x50, $0x38;
	[tilespmem:$0x1E500] =	vst v63  }
.LBB2_6:
0x68: {  	[tilespmem:s28], [sflag:$0x6] =	stream.indirect.gather [hbm4b:s1+s21], $0x80, s12, s21, $0xb8;
	[tilespmem:$0x1E500] =	vst v63  }
0x69: {  	s12 =	smov.u32 s8  }
0x6a: {  	p0 =	sne.s32 s8, $0x9240;
	s8 =	sadd.s32 $0x3C0, s8;
	_ =	swait.ge [sflag:s29], $0x50  }
0x6b: {  	[sflag:s29] =	ssyncset.done $0x0  }
0x6c: {  	[sflag:s29] =	ssyncadd.s32 $0xFFFFFFB0  }
0x6d: {  	_ =	swait.ge [sflag:s30], $0x2800  }
0x6e: {  	[sflag:s30] =	ssyncset.done $0x0  }
0x6f: {  	[sflag:s30] =	ssyncadd.s32 $0xFFFFD800  }
0x70: {  	[spmem:s3] =	stream.indirect.scatter.add.f32 [tilespmem:s22], [sflag:$0x7], $0x80, s20, s21, $0xb8;
	[tilespmem:$0x1E500] =	vst v63  }
0x71: {  	_ =	swait.ge [sflag:s18], $0x2800  }
0x72: {  	s7 =	sshrl.u32 s9, $0x3;
	[sflag:s18] =	ssyncset.done $0x0  }
0x73: {  	s7 =	sadd.s32 s5, s7;
	s12 =	sshra.s32 s12, $0x2;
	[sflag:s18] =	ssyncadd.s32 $0xFFFFD800  }
0x74: {  	[tilespmem:s20], [sflag:$0x1] =	stream.linear.gather [hbm4b:s7+s4], $0x50, $0x38;
	[tilespmem:$0x1E500] =	vst v63  }
0x75: {  	s7 =	sadd.s32 $0xF0, s12  }
0x76: {  	[tilespmem:s22], [sflag:$0x4] =	stream.indirect.gather [hbm4b:s1+s21], $0x80, s7, s21, $0xb8;
	[tilespmem:$0x1E500] =	vst v63  }
0x77: {  	_ =	swait.ge [sflag:s31], $0x50  }
0x78: {  	[sflag:s31] =	ssyncset.done $0x0  }
0x79: {  	[sflag:s31] =	ssyncadd.s32 $0xFFFFFFB0  }
0x7a: {  	_ =	swait.ge [sflag:s2], $0x2800  }
0x7b: {  	[sflag:s2] =	ssyncset.done $0x0  }
0x7c: {  	[sflag:s2] =	ssyncadd.s32 $0xFFFFD800  }
0x7d: {  	[spmem:s3] =	stream.indirect.scatter.add.f32 [tilespmem:s24], [sflag:$0x7], $0x80, s23, s21, $0xb8;
	[tilespmem:$0x1E500] =	vst v63  }
0x7e: {  	_ =	swait.ge [sflag:s18], $0x2800  }
0x7f: {  	[sflag:s18] =	ssyncset.done $0x0  }
0x80: {  	[sflag:s18] =	ssyncadd.s32 $0xFFFFD800  }
0x81: {  	[tilespmem:s23], [sflag:$0x2] =	stream.linear.gather [hbm4b:s11+s4], $0x50, $0x38;
	[tilespmem:$0x1E500] =	vst v63  }
0x82: {  	s7 =	sadd.s32 $0x140, s12  }
0x83: {  	[tilespmem:s24], [sflag:$0x5] =	stream.indirect.gather [hbm4b:s1+s21], $0x80, s7, s21, $0xb8;
	[tilespmem:$0x1E500] =	vst v63  }
0x84: {  	_ =	swait.ge [sflag:s0], $0x50  }
0x85: {  	[sflag:s0] =	ssyncset.done $0x0  }
0x86: {  	[sflag:s0] =	ssyncadd.s32 $0xFFFFFFB0  }
0x87: {  	_ =	swait.ge [sflag:s26], $0x2800  }
0x88: {  	[sflag:s26] =	ssyncset.done $0x0  }
0x89: {  	[sflag:s26] =	ssyncadd.s32 $0xFFFFD800  }
0x8a: {  	[spmem:s3] =	stream.indirect.scatter.add.f32 [tilespmem:s28], [sflag:$0x7], $0x80, s25, s21, $0xb8;
	[tilespmem:$0x1E500] =	vst v63  }
.Ltmp2:
0x8b: {  	_ =	swait.ge [sflag:s18], $0x2800;
	(pc) =	sbr.rel @p0 .LBB2_6-.Ltmp2, $4  }
0x8c: {  	[sflag:s18] =	ssyncset.done $0x0  }
0x8d: {  	s9 =	sadd.s32 $0xF0, s9;
	[sflag:s18] =	ssyncadd.s32 $0xFFFFD800  }
0x8e: {  	[tilespmem:s25], [sflag:$0x3] =	stream.linear.gather [hbm4b:s10+s4], $0x50, $0x38;
	[tilespmem:$0x1E500] =	vst v63  }
0x8f: {  	s12 =	sadd.s32 $0x190, s12;
	s11 =	sadd.s32 $0x1E, s11;
	s10 =	sadd.s32 $0x1E, s10  }
0x90: {  	[tilespmem:s28], [sflag:$0x6] =	stream.indirect.gather [hbm4b:s1+s21], $0x80, s12, s21, $0xb8;
	[tilespmem:$0x1E500] =	vst v63  }
0x91: {  	_ =	swait.ge [sflag:s29], $0x50  }
0x92: {  	[sflag:s29] =	ssyncset.done $0x0  }
0x93: {  	[sflag:s29] =	ssyncadd.s32 $0xFFFFFFB0  }
0x94: {  	_ =	swait.ge [sflag:s30], $0x2800  }
0x95: {  	[sflag:s30] =	ssyncset.done $0x0  }
0x96: {  	[sflag:s30] =	ssyncadd.s32 $0xFFFFD800  }
0x97: {  	[spmem:s3] =	stream.indirect.scatter.add.f32 [tilespmem:s22], [sflag:$0x7], $0x80, s20, s21, $0xb8;
	[tilespmem:$0x1E500] =	vst v63  }
0x98: {  	_ =	swait.ge [sflag:s18], $0x2800  }
0x99: {  	[sflag:s18] =	ssyncset.done $0x0  }
0x9a: {  	s7 =	simm.s32 $0x0;
	s8 =	rddreg [dreg:$0x9];
	[sflag:s18] =	ssyncadd.s32 $0xFFFFD800  }
0x9b: {  	[tilespmem:s20], [sflag:$0x1] =	stream.linear.gather [hbm4b:s8+s7], $0x50, $0x38;
	[tilespmem:$0x1E500] =	vst v63  }
0x9c: {  	s12 =	simm.s32 $0x2670  }
0x9d: {  	[tilespmem:s22], [sflag:$0x4] =	stream.indirect.gather [hbm4b:s1+s21], $0x80, s12, s21, $0xb8;
	[tilespmem:$0x1E500] =	vst v63  }
0x9e: {  	_ =	swait.ge [sflag:s31], $0x50  }
0x9f: {  	[sflag:s31] =	ssyncset.done $0x0  }
0xa0: {  	[sflag:s31] =	ssyncadd.s32 $0xFFFFFFB0  }
0xa1: {  	_ =	swait.ge [sflag:s2], $0x2800  }
0xa2: {  	[sflag:s2] =	ssyncset.done $0x0  }
0xa3: {  	[sflag:s2] =	ssyncadd.s32 $0xFFFFD800  }
0xa4: {  	[spmem:s3] =	stream.indirect.scatter.add.f32 [tilespmem:s24], [sflag:$0x7], $0x80, s23, s21, $0xb8;
	[tilespmem:$0x1E500] =	vst v63  }
0xa5: {  	_ =	swait.ge [sflag:s18], $0x2800  }
0xa6: {  	[sflag:s18] =	ssyncset.done $0x0  }
0xa7: {  	s9 =	rddreg [dreg:$0xa];
	[sflag:s18] =	ssyncadd.s32 $0xFFFFD800  }
0xa8: {  	[tilespmem:s23], [sflag:$0x2] =	stream.linear.gather [hbm4b:s9+s7], $0x50, $0x38;
	[tilespmem:$0x1E500] =	vst v63  }
0xa9: {  	s10 =	simm.s32 $0x26C0  }
0xaa: {  	[tilespmem:s24], [sflag:$0x5] =	stream.indirect.gather [hbm4b:s1+s21], $0x80, s10, s21, $0xb8;
	[tilespmem:$0x1E500] =	vst v63  }
0xab: {  	_ =	swait.ge [sflag:s0], $0x50  }
0xac: {  	[sflag:s0] =	ssyncset.done $0x0  }
0xad: {  	[sflag:s0] =	ssyncadd.s32 $0xFFFFFFB0  }
0xae: {  	_ =	swait.ge [sflag:s26], $0x2800  }
0xaf: {  	[sflag:s26] =	ssyncset.done $0x0  }
0xb0: {  	[sflag:s26] =	ssyncadd.s32 $0xFFFFD800  }
0xb1: {  	[spmem:s3] =	stream.indirect.scatter.add.f32 [tilespmem:s28], [sflag:$0x7], $0x80, s25, s21, $0xb8;
	[tilespmem:$0x1E500] =	vst v63  }
0xb2: {  	_ =	swait.ge [sflag:s18], $0x2800  }
0xb3: {  	[sflag:s18] =	ssyncset.done $0x0  }
0xb4: {  	[sflag:s18] =	ssyncadd.s32 $0xFFFFD800  }
0xb5: {  	_ =	swait.ge [sflag:s29], $0x50  }
0xb6: {  	[sflag:s29] =	ssyncset.done $0x0  }
0xb7: {  	[sflag:s29] =	ssyncadd.s32 $0xFFFFFFB0  }
0xb8: {  	_ =	swait.ge [sflag:s30], $0x2800  }
0xb9: {  	[sflag:s30] =	ssyncset.done $0x0  }
0xba: {  	[sflag:s30] =	ssyncadd.s32 $0xFFFFD800  }
0xbb: {  	[spmem:s3] =	stream.indirect.scatter.add.f32 [tilespmem:s22], [sflag:$0x7], $0x80, s20, s21, $0xb8;
	[tilespmem:$0x1E500] =	vst v63  }
0xbc: {  	_ =	swait.ge [sflag:s18], $0x2800  }
0xbd: {  	[sflag:s18] =	ssyncset.done $0x0  }
0xbe: {  	[sflag:s18] =	ssyncadd.s32 $0xFFFFD800  }
0xbf: {  	_ =	swait.ge [sflag:s31], $0x50  }
0xc0: {  	[sflag:s31] =	ssyncset.done $0x0  }
0xc1: {  	[sflag:s31] =	ssyncadd.s32 $0xFFFFFFB0  }
0xc2: {  	_ =	swait.ge [sflag:s2], $0x2800  }
0xc3: {  	[sflag:s2] =	ssyncset.done $0x0  }
0xc4: {  	[sflag:s2] =	ssyncadd.s32 $0xFFFFD800  }
0xc5: {  	[spmem:s3] =	stream.indirect.scatter.add.f32 [tilespmem:s24], [sflag:$0x7], $0x80, s23, s21, $0xb8;
	[tilespmem:$0x1E500] =	vst v63  }
0xc6: {  	_ =	swait.ge [sflag:s18], $0x2800  }
0xc7: {  	s11 =	stileid.u32;
	[sflag:s18] =	ssyncset.done $0x0  }
0xc8: {  	s12 =	sshrl.u32 s13, $0x3;
	s7 =	sshll.u32 s11, $0x6;
	[sflag:s18] =	ssyncadd.s32 $0xFFFFD800  }
0xc9: {  	s9 =	sadd.s32 $0x0, s17;
	s8 =	sor.u32 $0x1C07, s7;
	[bflag:$0x0] =	sbarrier.arrive $0xFFFF  }
0xca: {  	[hbm:s9], [sflag:s8] =	dma.local [spmem:s12], $0x190  }
0xcb: {  	s10 =	sadd.s32 $0xC80, s13;
	s9 =	simm.s32 $0x190;
	_ =	swait.ge [sflag:s18], $0x190  }
.LBB2_8:
0xcc: {  	s7 =	sadd.s32 s9, s17;
	[sflag:s18] =	ssyncset.done $0x0;
	p0 =	sne.s32 s9, $0x2580  }
.Ltmp3:
0xcd: {  	s11 =	sshrl.u32 s10, $0x3;
	[sflag:s18] =	ssyncadd.s32 $0xFFFFFE70;
	(pc) =	sbr.rel @p0 .LBB2_8-.Ltmp3, $3  }
0xce: {  	[hbm:s7], [sflag:s8] =	dma.local [spmem:s11], $0x190  }
0xcf: {  	s9 =	sadd.s32 $0x190, s9;
	_ =	sdelay $0x1  }
0xd0: {  	s10 =	sadd.s32 $0xC80, s10;
	_ =	swait.ge [sflag:s18], $0x190  }
0xd1: {  	s6 =	sadd.s32 $0x1, s6;
	s7 =	rddreg [dreg:$0x8]  }
0xd2: {  	p0 =	sne.s32 s6, s7  }
.Ltmp4:
0xd3: {  	_ = 	snop;
	(pc) =	sbr.rel @p0 .LBB2_1-.Ltmp4, $3  }
0xd4: {  	_ =	sdelay $0x1  }
0xd5: {  	[sflag:s18] =	ssyncset.done $0x0  }
0xd6: {  	[sflag:s18] =	ssyncadd.s32 $0xFFFFFE70  }
0xd7: {  	_ =	sfence.sel $0x180000  }
0xd8: {  	[bflag:$0x0] =	sbarrier.arrive $0xFFFF  }
0xd9: {  	_ =	strace $0x9000004A  }
0xda: {  	s0 =	stileid.u32;
	[bflag:$0x2] =	sbarrier.arrive $0xFFFF  }
0xdb: {  	p0 =	sne.s32 s0, $0x0;
	s0 =	rddreg [dreg:$0x3]  }
0xdc: {  	s0 =	sadd.s32 @!p0 $0x100000, s0  }
0xdd: {  	[sflag:s0] =	ssyncadd.tile.s32 @!p0 $0x1;
	_ =	shalt  }
.Lfunc_end2:
_tile_overlayer_lowered:
.L_overlay_start_2:
0xde: {  	(tag) =	ssettag $0x2  }
0xdf: {  	s0 =	rddreg [dreg:$0x0];
	s2 =	stileid.u32  }
0xe0: {  	s1 =	rddreg [dreg:$0x1];
	p0 =	sne.s32 s2, $0x0  }
0xe1: {  	s3 =	rddreg [dreg:$0x2];
	[bflag:$0x3] =	sbarrier.arrive $0xFFFF;
	s2 =	simm.s32 @!p0 $0x1C07  }
0xe2: {  	[timem:s3], [sflag:s2] =	dma.local @!p0 [hbm:s0], s1  }
0xe3: {  	s0 =	simm.s32 @!p0 $0x7  }
0xe4: {  	_ =	swait.ge @!p0 [sflag:s0], s1  }
0xe5: {  	s1 =	ssub.s32 @!p0 $0x0, s1;
	[sflag:s0] =	ssyncset.done @!p0 $0x0  }
0xe6: {  	[sflag:s0] =	ssyncadd.s32 @!p0 s1  }
0xe7: {  	[bflag:$0x3] =	sbarrier.arrive $0xFFFF  }
0xe8: {  	_ =	shalt  }

// kernel: kernel.14.cloned.1.call-start
scs
__scs_entry_jumppad:
0x0: {  	(pc) =	sbr.rel $0x88, $3  }
0x1: {  	(tag) =	ssettag $0x0;
	lr =	simm.s32 $0x1  }
0x2: {  	[smem:$0x3F9B] =	sst lr;
	_ =	strace $0xD0000000  }
0x3: {  	_ = 	snop  }
0x4: {  	_ = 	snop  }
0x5: {  	_ = 	snop  }
0x6: {  	_ = 	snop  }
0x7: {  	_ = 	snop  }
__scs_overlays_trampoline_lowered:
0x8: {  	[smem:$0x3FAA] =	sst s0  }
0x9: {  	[smem:$0x3FAB] =	sst s1  }
0xa: {  	[smem:$0x3FAC] =	sst s2  }
0xb: {  	[smem:$0x3FAD] =	sst s3  }
0xc: {  	[smem:$0x3FAE] =	sst s4  }
0xd: {  	[smem:$0x3FAF] =	sst s5  }
0xe: {  	[smem:$0x3FB0] =	sst s6  }
0xf: {  	[smem:$0x3FB1] =	sst s7  }
0x10: {  	[smem:$0x3FB2] =	sst s8  }
0x11: {  	[smem:$0x3FB3] =	sst s9;
	s0 =	simm.s32 @!p0 $0x0  }
0x12: {  	s1 =	sld [smem:$0x3F99];
	s0 =	simm.s32 @p0 $0x1  }
0x13: {  	[smem:$0x3FB4] =	sst s0;
	s0 =	simm.s32 @!p1 $0x0  }
0x14: {  	s2 =	sld [smem:$0x3F98];
	s0 =	simm.s32 @p1 $0x1  }
0x15: {  	[smem:$0x3FB5] =	sst s0;
	s0 =	simm.s32 @!p2 $0x0  }
0x16: {  	s3 =	sld [smem:$0x3FDB];
	s0 =	simm.s32 @p2 $0x1  }
0x17: {  	s4 =	simm.s32 $0x1BF5;
	[smem:$0x3FB7] =	sst s0  }
0x18: {  	s0 =	sld [smem:$0x3F9A];
	_ =	swait.ge [sflag:s4], $0x0  }
0x19: {  	s7 =	sld [smem:$0x3F9B]  }
0x1a: {  	s8 =	sadd.s32 $0xFFFFE003, lr  }
0x1b: {  	s9 =	sadd.s32 $0xFFFFFEF7, lr;
	s5 =	simm.s32 $0xFFFFFFFF;
	p2 =	slt.u32 s8, $0xFFFFF086  }
0x1c: {  	p1 =	slt.u32 s9, $0xF7A;
	s5 =	simm.s32 @!p2 $0x0  }
0x1d: {  	s5 =	simm.s32 @p1 $0x1;
	p0 =	seq.s32 s7, s2  }
0x1e: {  	s7 =	smul.u32 @!p0 $0xF7A, s2;
	p2 =	seq.s32 @!p0 s5, $0x0  }
0x1f: {  	s9 =	smul.u32 $0xF7A, s1;
	s8 =	simm.s32 @!p0 $0x1BF5;
	p2 =	por !p2, p0  }
0x20: {  	[sflag:s8] =	ssyncset.s32 @!p0 $0xFFFFF086;
	s6 =	sadd.s32 @!p0 s3, s7;
	s7 =	simm.s32 @!p0 $0x108  }
0x21: {  	s3 =	sadd.s32 s3, s9;
	s6 =	sadd.s32 @!p0 $0x88, s6;
	s7 =	simm.s32 @p2 $0x1082  }
0x22: {  	[simem:s7], [sflag:s8] =	dma.local @!p0 [hbm:s6], $0xF7A  }
0x23: {  	s9 =	sor.u32 $0xD0000000, s2;
	s6 =	simm.s32 $0x108;
	_ =	swait.ge @!p0 [sflag:s8], $0x0  }
0x24: {  	s3 =	sadd.s32 $0x88, s3;
	s6 =	simm.s32 @!p1 $0x1082;
	[sflag:s4] =	ssyncset.s32 $0xFFFFF086  }
0x25: {  	[simem:s6], [sflag:s4] =	dma.local [hbm:s3], $0xF7A  }
0x26: {  	[smem:$0x3F9B] =	sst s1;
	(tag) =	ssettag s2;
	_ =	strace s9  }
0x27: {  	s1 =	sld [smem:$0x3FAB]  }
0x28: {  	s2 =	sld [smem:$0x3FAC]  }
0x29: {  	s4 =	sld [smem:$0x3FAE]  }
0x2a: {  	p0 =	seq.s32 s5, $0x0;
	s5 =	sld [smem:$0x3FAF]  }
0x2b: {  	s6 =	sld [smem:$0x3FB0]  }
0x2c: {  	s7 =	sld [smem:$0x3FB1]  }
0x2d: {  	s3 =	simm.s32 $0x108;
	s8 =	sld [smem:$0x3FB2]  }
0x2e: {  	s3 =	simm.s32 @!p0 $0x1082;
	s9 =	sld [smem:$0x3FB3]  }
0x2f: {  	lr =	sadd.s32 s0, s3;
	s0 =	sld [smem:$0x3FAA]  }
0x30: {  	s3 =	sld [smem:$0x3FAD]  }
0x31: {  	[smem:$0x3FB6] =	sst s10  }
0x32: {  	s10 =	sld [smem:$0x3FB4];
	_ =	sdelay $0x3  }
0x33: {  	p0 =	seq.s32 s10, $0x1;
	s10 =	sld [smem:$0x3FB6];
	_ =	sdelay $0x3  }
0x34: {  	[smem:$0x3FB6] =	sst s10  }
0x35: {  	s10 =	sld [smem:$0x3FB5];
	_ =	sdelay $0x3  }
0x36: {  	p1 =	seq.s32 s10, $0x1;
	s10 =	sld [smem:$0x3FB6];
	_ =	sdelay $0x3  }
0x37: {  	[smem:$0x3FB6] =	sst s10  }
0x38: {  	s10 =	sld [smem:$0x3FB7]  }
0x39: {  	_ = 	snop;
	(pc) =	sbr.ind lr, $3  }
0x3a: {  	_ = 	snop  }
0x3b: {  	_ = 	snop  }
0x3c: {  	p2 =	seq.s32 s10, $0x1;
	s10 =	sld [smem:$0x3FB6]  }
0x3d: {  	_ =	shalt  }
0x3e: {  	_ =	shalt  }
0x3f: {  	_ =	shalt  }
0x40: {  	_ =	shalt  }
0x41: {  	_ =	shalt  }
0x42: {  	_ =	shalt  }
0x43: {  	_ =	shalt  }
0x44: {  	_ =	shalt  }
0x45: {  	_ =	shalt  }
0x46: {  	_ =	shalt  }
0x47: {  	_ =	shalt  }
0x48: {  	_ =	shalt  }
0x49: {  	_ =	shalt  }
0x4a: {  	_ =	shalt  }
0x4b: {  	_ =	shalt  }
0x4c: {  	_ =	shalt  }
0x4d: {  	_ =	shalt  }
0x4e: {  	_ =	shalt  }
0x4f: {  	_ =	shalt  }
0x50: {  	_ =	shalt  }
0x51: {  	_ =	shalt  }
0x52: {  	_ =	shalt  }
0x53: {  	_ =	shalt  }
0x54: {  	_ =	shalt  }
0x55: {  	_ =	shalt  }
0x56: {  	_ =	shalt  }
0x57: {  	_ =	shalt  }
0x58: {  	_ =	shalt  }
0x59: {  	_ =	shalt  }
0x5a: {  	_ =	shalt  }
0x5b: {  	_ =	shalt  }
0x5c: {  	_ =	shalt  }
0x5d: {  	_ =	shalt  }
0x5e: {  	_ =	shalt  }
0x5f: {  	_ =	shalt  }
0x60: {  	_ =	shalt  }
0x61: {  	_ =	shalt  }
0x62: {  	_ =	shalt  }
0x63: {  	_ =	shalt  }
0x64: {  	_ =	shalt  }
0x65: {  	_ =	shalt  }
0x66: {  	_ =	shalt  }
0x67: {  	_ =	shalt  }
0x68: {  	_ =	shalt  }
0x69: {  	_ =	shalt  }
0x6a: {  	_ =	shalt  }
0x6b: {  	_ =	shalt  }
0x6c: {  	_ =	shalt  }
0x6d: {  	_ =	shalt  }
0x6e: {  	_ =	shalt  }
0x6f: {  	_ =	shalt  }
0x70: {  	_ =	shalt  }
0x71: {  	_ =	shalt  }
0x72: {  	_ =	shalt  }
0x73: {  	_ =	shalt  }
0x74: {  	_ =	shalt  }
0x75: {  	_ =	shalt  }
0x76: {  	_ =	shalt  }
0x77: {  	_ =	shalt  }
0x78: {  	_ =	shalt  }
0x79: {  	_ =	shalt  }
0x7a: {  	_ =	shalt  }
0x7b: {  	_ =	shalt  }
0x7c: {  	_ =	shalt  }
0x7d: {  	_ =	shalt  }
0x7e: {  	_ =	shalt  }
0x7f: {  	_ =	shalt  }
0x80: {  	_ =	shalt  }
0x81: {  	_ =	shalt  }
0x82: {  	_ =	shalt  }
0x83: {  	_ =	shalt  }
0x84: {  	_ =	shalt  }
0x85: {  	_ =	shalt  }
0x86: {  	_ =	shalt  }
0x87: {  	_ =	shalt  }
.Lfunc_end0:
.L_simem_size_0:
called_computation.2_lowered:
.L_overlay_start_0:
0x88: {  	s2 =	sld [smem:$0x3FD9]  }
0x89: {  	s3 =	sld [smem:$0x3FFE];
	_ =	sdelay $0x1  }
0x8a: {  	s1 =	srdreg.scid  }
0x8b: {  	s0 =	sand.u32 $0x1, s1  }
0x8c: {  	s17 =	sshll.u32 s0, $0xA;
	s2 =	sadd.s32 s3, s2  }
0x8d: {  	s2 =	sadd.s32 s2, s17  }
0x8e: {  	[smem:$0x3FC2] =	sst s2  }
0x8f: {  	_ = 	snop  }
0x90: {  	s2 =	sld [smem:$0x3FD0];
	(tm) =	ssettm $0x1  }
0x91: {  	s18 =	sld [smem:$0x3FFB];
	_ =	sdelay $0x3  }
0x92: {  	_ =	strace s18  }
0x93: {  	s3 =	sld [smem:$0x3FFC];
	_ =	sdelay $0x3  }
0x94: {  	_ =	strace s3  }
0x95: {  	s3 =	sld [smem:$0x3FFD];
	_ =	sdelay $0x3  }
0x96: {  	_ =	strace s3  }
0x97: {  	_ =	strace $0x8FFFFFFF  }
0x98: {  	s19 =	sld [smem:$0x3FDB];
	_ =	sdelay $0x1  }
0x99: {  	s4 =	simm.s32 $_scs_section_size  }
0x9a: {  	s5 =	simm.s32 $_size__tile_overlayer_lowered;
	s6 =	simm.s32 $_tile_overlayer_lowered  }
0x9b: {  	s22 =	simm.s32 $0x1BFF;
	s21 =	sshll.u32 s6, $0x1;
	s3 =	sadd.s32 s4, s19  }
0x9c: {  	s7 =	simm.s32 $0x0;
	s20 =	sshll.u32 s5, $0x1;
	s5 =	sadd.s32 s21, s3  }
0x9d: {  	[timem:s7], [sflag:s22] =	dma.local [hbm:s5], s20  }
0x9e: {  	_ =	swait.ge [sflag:s22], s20  }
0x9f: {  	s4 =	ssub.s32 $0x0, s20;
	[sflag:s22] =	ssyncset.done $0x0  }
0xa0: {  	[sflag:s22] =	ssyncadd.s32 s4;
	_ =	sdelay $0x1  }
0xa1: {  	s23 =	simm.s32 $0x1B8B  }
0xa2: {  	_ =	swait.ge [sflag:s23], $0x1  }
0xa3: {  	[sflag:s23] =	ssyncset.done $0x0  }
0xa4: {  	s25 =	simm.s32 $0x1B8E;
	s24 =	sld [smem:$0x3FFE];
	[sflag:s23] =	ssyncadd.s32 $0xFFFFFFFF  }
0xa5: {  	s26 =	simm.s32 $execute0_lowered;
	[smem:$0x3FD2] =	sst s25  }
0xa6: {  	s5 =	sshll.u32 s26, $0x1;
	_ =	strace $0x8000004C;
	[dreg:$0x1] =	wrdreg $0xFFFFFFFF  }
0xa7: {  	s28 =	simm.s32 $_size_execute0_lowered;
	s3 =	sadd.s32 s3, s5;
	[dreg:$0x0] =	wrdreg $0x0  }
0xa8: {  	s5 =	sshll.u32 s28, $0x1;
	[dreg:$0x2] =	wrdreg s3  }
0xa9: {  	[dreg:$0x3] =	wrdreg s5  }
0xaa: {  	[dreg:$0x4] =	wrdreg $0xC0  }
0xab: {  	_ =	task [dreg:s7], $0x5FFFF  }
0xac: {  	[dreg:$0x1] =	wrdreg $0xFFFFFFFF  }
0xad: {  	[dreg:$0x0] =	wrdreg $0x60  }
0xae: {  	[dreg:$0x2] =	wrdreg s2  }
0xaf: {  	[dreg:$0x3] =	wrdreg s24  }
0xb0: {  	[dreg:$0x4] =	wrdreg $0xAC800  }
0xb1: {  	[dreg:$0x5] =	wrdreg $0x9  }
0xb2: {  	_ =	task.clear_ibuf [dreg:s7], $0x6FFFF;
	_ =	strace $0x9000004C  }
0xb3: {  	s29 =	simm.s32 $0x9;
	_ =	strace $0x8000004E  }
0xb4: {  	_ =	swait.ge [sflag:s29], $0x1  }
0xb5: {  	[sflag:s29] =	ssyncadd.s32 $0xFFFFFFFF  }
0xb6: {  	_ =	strace $0x9000004E  }
0xb7: {  	_ =	sfence  }
0xb8: {  	s30 =	sld [smem:$0x0];
	_ =	sdelay $0x2  }
0xb9: {  	s31 =	sshll.u32 s1, $0xD;
	s1 =	sshrl.u32 s1, $0x2  }
0xba: {  	s3 =	sand.u32 $0x4000, s31;
	s1 =	sadd.s32 s1, s30  }
0xbb: {  	s0 =	sor.u32 s3, s0;
	s1 =	sshll.u32 s1, $0x11  }
0xbc: {  	s0 =	sor.u32 s1, s0  }
0xbd: {  	s0 =	sadd.s32 $0x8F2B, s0  }
0xbe: {  	[sflag:s0] =	ssyncadd.remote.s32 $0x1  }
0xbf: {  	_ =	sfence.sel $0xFFFF  }
0xc0: {  	[dreg:$0x0] =	wrdreg $0xFFFFFFFF;
	(pc) =	sbr.abs _section_cstart, $3  }
0xc1: {  	[dreg:$0x1] =	wrdreg $0xFFFFFFFF  }
0xc2: {  	_ =	task.clear_ibuf [dreg:s7], $0x2FFFF;
	_ =	strace $0x9FFFFFFF  }
0xc3: {  	(tm) =	ssettm $0x7FFFFFFF  }
tec
execute0_lowered:
.L_overlay_start_1:
0x0: {  	(tag) =	ssettag $0x1  }
0x1: {  	s0 =	srdreg.scid;
	s1 =	rddreg [dreg:$0x0]  }
0x2: {  	s11 =	stileid.u32;
	s6 =	rddreg [dreg:$0x1]  }
0x3: {  	s3 =	rddreg [dreg:$0x2];
	s4 =	simm.s32 $0x0;
	s7 =	smul.u32 $0x13880, s11  }
0x4: {  	s28 =	simm.s32 $0x7800;
	s29 =	simm.s32 $0x1;
	s18 =	smul.u32 $0x4E20, s11  }
0x5: {  	s30 =	simm.s32 $0x4;
	s0 =	sand.u32 $0x1, s0;
	s24 =	smul.u32 $0x4E200, s11  }
0x6: {  	s2 =	sshll.u32 s11, $0x1;
	[smem:$0x7FF] =	sst s4;
	s5 =	smul.u32 $0x138800, s0  }
0x7: {  	s2 =	sor.u32 s0, s2;
	s9 =	ssub.s32 $0x2, s0;
	s0 =	smul.u32 $0x2710, s0  }
0x8: {  	s31 =	simm.s32 $0x2;
	_ =	strace $0x8000004D;
	s2 =	smul.u32 $0x2710, s2  }
0x9: {  	s10 =	sshrl.u32 s9, $0x1;
	s7 =	sadd.s32 s7, s5;
	s5 =	sadd.s32 $0xBE00, s6  }
0xa: {  	s9 =	ssub.s32 s9, s10;
	s0 =	sadd.s32 s0, s18;
	s18 =	simm.s32 $0x7  }
0xb: {  	s2 =	sshrl.u32 s2, $0x3;
	s7 =	sshrl.u32 s7, $0x3;
	s22 =	smax.u32 s9, $0x1  }
0xc: {  	s25 =	sadd.s32 $0x190, s0;
	s26 =	sadd.s32 $0x140, s0;
	s16 =	sadd.s32 $0xF0, s0  }
0xd: {  	s0 =	simm.s32 $0x3;
	s8 =	sadd.s32 s2, s6;
	s6 =	sadd.s32 s7, s6  }
0xe: {  	s20 =	sadd.s32 s5, s2;
	[dreg:$0x8] =	wrdreg s22;
	s9 =	sshrl.u32 s26, $0x3  }
0xf: {  	s22 =	simm.s32 $0x2800;
	s26 =	simm.s32 $0x6;
	s19 =	sadd.s32 $0x2000, s8  }
0x10: {  	s2 =	sadd.s32 $0xA, s20;
	s21 =	sadd.s32 $0x14, s20;
	[dreg:$0x5] =	wrdreg s20  }
0x11: {  	s23 =	sadd.s32 $0x4CE, s20;
	s7 =	sadd.s32 $0x4D8, s20;
	[dreg:$0x4] =	wrdreg s19  }
0x12: {  	s8 =	sshrl.u32 s25, $0x3;
	s15 =	sadd.s32 s9, s5;
	[dreg:$0x6] =	wrdreg s2  }
0x13: {  	s17 =	sadd.s32 $0x15C00, s6;
	s20 =	simm.s32 $0x2710;
	[dreg:$0x7] =	wrdreg s21  }
0x14: {  	s25 =	simm.s32 $0x27B0;
	s6 =	simm.s32 $0x0;
	[dreg:$0x9] =	wrdreg s23  }
0x15: {  	[dreg:$0xa] =	wrdreg s7;
	s2 =	sshrl.u32 s24, $0x2;
	s14 =	sadd.s32 s8, s5  }
0x16: {  	s19 =	simm.s32 $0xA000;
	s21 =	simm.s32 $0x50;
	s23 =	simm.s32 $0x2760  }
0x17: {  	v0 =	vimm.f32 $0.0e+00;
	s24 =	simm.s32 $0x5000;
	s13 =	sadd.s32 s2, s3;
	s2 =	simm.s32 $0x5  }
.LBB2_1:
0x18: {  	s7 =	rddreg [dreg:$0x4]  }
0x19: {  	[tilespmem:s4], [sflag:$0x7] =	stream.linear.gather [hbm4b:s7+s4], $0x2710, $0x38;
	[tilespmem:$0x1E500] =	vst v63  }
0x1a: {  	_ =	swait.ge [sflag:s18], $0x2710  }
0x1b: {  	[sflag:s18] =	ssyncset.done $0x0  }
0x1c: {  	s8 =	simm.s32 $0x70;
	s9 =	simm.s32 $0x3C0;
	[sflag:s18] =	ssyncadd.s32 $0xFFFFD8F0  }
.LBB2_2:
0x1d: {  	p0 =	sne.s32 s9, $0x31C0;
	[tilespmem:s8+$0xA000] =	vst v0  }
0x1e: {  	[tilespmem:s8+$0x9F90] =	vst v0  }
0x1f: {  	[tilespmem:s8+$0x9FA0] =	vst v0  }
.Ltmp0:
0x20: {  	[tilespmem:s8+$0x9FB0] =	vst v0;
	(pc) =	sbr.rel @p0 .LBB2_2-.Ltmp0, $4  }
0x21: {  	[tilespmem:s8+$0x9FC0] =	vst v0  }
0x22: {  	[tilespmem:s8+$0x9FD0] =	vst v0  }
0x23: {  	[tilespmem:s8+$0x9FE0] =	vst v0  }
0x24: {  	[tilespmem:s8+$0x9FF0] =	vst v0;
	s8 =	sshra.s32 s9, $0x2;
	s9 =	sadd.s32 $0x200, s9  }
0x25: {  	[tilespmem:s8+$0xA000] =	vst v0  }
0x26: {  	[tilespmem:s8+$0x9F90] =	vst v0  }
0x27: {  	[tilespmem:s8+$0x9FA0] =	vst v0  }
0x28: {  	[tilespmem:s8+$0x9FB0] =	vst v0  }
0x29: {  	[tilespmem:s8+$0x9FC0] =	vst v0  }
0x2a: {  	[tilespmem:s8+$0x9FD0] =	vst v0  }
0x2b: {  	[tilespmem:s8+$0x9FE0] =	vst v0  }
0x2c: {  	[tilespmem:s8+$0x9FF0] =	vst v0;
	s12 =	sadd.s32 $0x0, s13  }
0x2d: {  	[spmem:s12] =	stream.linear.scatter [tilespmem:s19], [sflag:$0x7], $0xC80, $0x38;
	[tilespmem:$0x1E500] =	vst v63  }
0x2e: {  	s8 =	simm.s32 $0x3200;
	_ =	swait.ge [sflag:s18], $0xC80  }
.LBB2_4:
0x2f: {  	s9 =	sshra.s32 s8, $0x2;
	[sflag:s18] =	ssyncset.done $0x0;
	p0 =	sne.s32 s8, $0x4B000  }
.Ltmp1:
0x30: {  	s9 =	sadd.s32 s9, s13;
	[sflag:s18] =	ssyncadd.s32 $0xFFFFF380;
	(pc) =	sbr.rel @p0 .LBB2_4-.Ltmp1, $3  }
0x31: {  	[spmem:s9] =	stream.linear.scatter [tilespmem:s19], [sflag:$0x7], $0xC80, $0x38;
	[tilespmem:$0x1E500] =	vst v63  }
0x32: {  	s8 =	sadd.s32 $0x3200, s8;
	_ =	sdelay $0x1  }
0x33: {  	_ =	swait.ge [sflag:s18], $0xC80  }
0x34: {  	[sflag:s18] =	ssyncset.done $0x0  }
0x35: {  	[sflag:s18] =	ssyncadd.s32 $0xFFFFF380  }
0x36: {  	[bflag:$0x0] =	sbarrier.arrive $0xFFFF  }
0x37: {  	s8 =	simm.s32 $0x0;
	s7 =	rddreg [dreg:$0x5]  }
0x38: {  	[tilespmem:s20], [sflag:$0x1] =	stream.linear.gather [hbm4b:s7+s8], $0x50, $0x38;
	[tilespmem:$0x1E500] =	vst v63  }
0x39: {  	_ = 	snop  }
0x3a: {  	[tilespmem:s22], [sflag:$0x4] =	stream.indirect.gather [hbm4b:s1+s21], $0x80, s8, s21, $0xb8;
	[tilespmem:$0x1E500] =	vst v63  }
0x3b: {  	s11 =	rddreg [dreg:$0x6]  }
0x3c: {  	[tilespmem:s23], [sflag:$0x2] =	stream.linear.gather [hbm4b:s11+s8], $0x50, $0x38;
	[tilespmem:$0x1E500] =	vst v63  }
0x3d: {  	_ = 	snop  }
0x3e: {  	[tilespmem:s24], [sflag:$0x5] =	stream.indirect.gather [hbm4b:s1+s21], $0x80, s21, s21, $0xb8;
	[tilespmem:$0x1E500] =	vst v63  }
0x3f: {  	s12 =	rddreg [dreg:$0x7]  }
0x40: {  	[tilespmem:s25], [sflag:$0x3] =	stream.linear.gather [hbm4b:s12+s8], $0x50, $0x38;
	[tilespmem:$0x1E500] =	vst v63  }
0x41: {  	s9 =	simm.s32 $0xA0  }
0x42: {  	[tilespmem:s28], [sflag:$0x6] =	stream.indirect.gather [hbm4b:s1+s21], $0x80, s9, s21, $0xb8;
	[tilespmem:$0x1E500] =	vst v63  }
0x43: {  	_ =	swait.ge [sflag:s29], $0x50  }
0x44: {  	[sflag:s29] =	ssyncset.done $0x0  }
0x45: {  	[sflag:s29] =	ssyncadd.s32 $0xFFFFFFB0  }
0x46: {  	_ =	swait.ge [sflag:s30], $0x2800  }
0x47: {  	[sflag:s30] =	ssyncset.done $0x0  }
0x48: {  	[sflag:s30] =	ssyncadd.s32 $0xFFFFD800  }
0x49: {  	[spmem:s3] =	stream.indirect.scatter.add.f32 [tilespmem:s22], [sflag:$0x7], $0x80, s20, s21, $0xb8;
	[tilespmem:$0x1E500] =	vst v63  }
0x4a: {  	_ =	swait.ge [sflag:s18], $0x2800  }
0x4b: {  	s10 =	sshrl.u32 s16, $0x3;
	[sflag:s18] =	ssyncset.done $0x0  }
0x4c: {  	s8 =	sadd.s32 s5, s10;
	[sflag:s18] =	ssyncadd.s32 $0xFFFFD800  }
0x4d: {  	[tilespmem:s20], [sflag:$0x1] =	stream.linear.gather [hbm4b:s8+s4], $0x50, $0x38;
	[tilespmem:$0x1E500] =	vst v63  }
0x4e: {  	s11 =	simm.s32 $0xF0  }
0x4f: {  	[tilespmem:s22], [sflag:$0x4] =	stream.indirect.gather [hbm4b:s1+s21], $0x80, s11, s21, $0xb8;
	[tilespmem:$0x1E500] =	vst v63  }
0x50: {  	_ =	swait.ge [sflag:s31], $0x50  }
0x51: {  	[sflag:s31] =	ssyncset.done $0x0  }
0x52: {  	[sflag:s31] =	ssyncadd.s32 $0xFFFFFFB0  }
0x53: {  	_ =	swait.ge [sflag:s2], $0x2800  }
0x54: {  	[sflag:s2] =	ssyncset.done $0x0  }
0x55: {  	[sflag:s2] =	ssyncadd.s32 $0xFFFFD800  }
0x56: {  	[spmem:s3] =	stream.indirect.scatter.add.f32 [tilespmem:s24], [sflag:$0x7], $0x80, s23, s21, $0xb8;
	[tilespmem:$0x1E500] =	vst v63  }
0x57: {  	_ =	swait.ge [sflag:s18], $0x2800  }
0x58: {  	[sflag:s18] =	ssyncset.done $0x0  }
0x59: {  	[sflag:s18] =	ssyncadd.s32 $0xFFFFD800  }
0x5a: {  	[tilespmem:s23], [sflag:$0x2] =	stream.linear.gather [hbm4b:s15+s4], $0x50, $0x38;
	[tilespmem:$0x1E500] =	vst v63  }
0x5b: {  	s12 =	simm.s32 $0x140  }
0x5c: {  	[tilespmem:s24], [sflag:$0x5] =	stream.indirect.gather [hbm4b:s1+s21], $0x80, s12, s21, $0xb8;
	[tilespmem:$0x1E500] =	vst v63  }
0x5d: {  	_ =	swait.ge [sflag:s0], $0x50  }
0x5e: {  	[sflag:s0] =	ssyncset.done $0x0  }
0x5f: {  	[sflag:s0] =	ssyncadd.s32 $0xFFFFFFB0  }
0x60: {  	_ =	swait.ge [sflag:s26], $0x2800  }
0x61: {  	[sflag:s26] =	ssyncset.done $0x0  }
0x62: {  	[sflag:s26] =	ssyncadd.s32 $0xFFFFD800  }
0x63: {  	[spmem:s3] =	stream.indirect.scatter.add.f32 [tilespmem:s28], [sflag:$0x7], $0x80, s25, s21, $0xb8;
	[tilespmem:$0x1E500] =	vst v63  }
0x64: {  	s10 =	sadd.s32 $0x1E, s14;
	_ =	swait.ge [sflag:s18], $0x2800  }
0x65: {  	s9 =	sadd.s32 $0xF0, s16;
	s8 =	simm.s32 $0x3C0;
	[sflag:s18] =	ssyncset.done $0x0  }
0x66: {  	s11 =	sadd.s32 $0x1E, s15;
	s12 =	simm.s32 $0x190;
	[sflag:s18] =	ssyncadd.s32 $0xFFFFD800  }
0x67: {  	[tilespmem:s25], [sflag:$0x3] =	stream.linear.gather [hbm4b:s14+s4], $0x50, $0x38;
	[tilespmem:$0x1E500] =	vst v63  }
.LBB2_6:
0x68: {  	[tilespmem:s28], [sflag:$0x6] =	stream.indirect.gather [hbm4b:s1+s21], $0x80, s12, s21, $0xb8;
	[tilespmem:$0x1E500] =	vst v63  }
0x69: {  	s12 =	smov.u32 s8  }
0x6a: {  	p0 =	sne.s32 s8, $0x9240;
	s8 =	sadd.s32 $0x3C0, s8;
	_ =	swait.ge [sflag:s29], $0x50  }
0x6b: {  	[sflag:s29] =	ssyncset.done $0x0  }
0x6c: {  	[sflag:s29] =	ssyncadd.s32 $0xFFFFFFB0  }
0x6d: {  	_ =	swait.ge [sflag:s30], $0x2800  }
0x6e: {  	[sflag:s30] =	ssyncset.done $0x0  }
0x6f: {  	[sflag:s30] =	ssyncadd.s32 $0xFFFFD800  }
0x70: {  	[spmem:s3] =	stream.indirect.scatter.add.f32 [tilespmem:s22], [sflag:$0x7], $0x80, s20, s21, $0xb8;
	[tilespmem:$0x1E500] =	vst v63  }
0x71: {  	_ =	swait.ge [sflag:s18], $0x2800  }
0x72: {  	s7 =	sshrl.u32 s9, $0x3;
	[sflag:s18] =	ssyncset.done $0x0  }
0x73: {  	s7 =	sadd.s32 s5, s7;
	s12 =	sshra.s32 s12, $0x2;
	[sflag:s18] =	ssyncadd.s32 $0xFFFFD800  }
0x74: {  	[tilespmem:s20], [sflag:$0x1] =	stream.linear.gather [hbm4b:s7+s4], $0x50, $0x38;
	[tilespmem:$0x1E500] =	vst v63  }
0x75: {  	s7 =	sadd.s32 $0xF0, s12  }
0x76: {  	[tilespmem:s22], [sflag:$0x4] =	stream.indirect.gather [hbm4b:s1+s21], $0x80, s7, s21, $0xb8;
	[tilespmem:$0x1E500] =	vst v63  }
0x77: {  	_ =	swait.ge [sflag:s31], $0x50  }
0x78: {  	[sflag:s31] =	ssyncset.done $0x0  }
0x79: {  	[sflag:s31] =	ssyncadd.s32 $0xFFFFFFB0  }
0x7a: {  	_ =	swait.ge [sflag:s2], $0x2800  }
0x7b: {  	[sflag:s2] =	ssyncset.done $0x0  }
0x7c: {  	[sflag:s2] =	ssyncadd.s32 $0xFFFFD800  }
0x7d: {  	[spmem:s3] =	stream.indirect.scatter.add.f32 [tilespmem:s24], [sflag:$0x7], $0x80, s23, s21, $0xb8;
	[tilespmem:$0x1E500] =	vst v63  }
0x7e: {  	_ =	swait.ge [sflag:s18], $0x2800  }
0x7f: {  	[sflag:s18] =	ssyncset.done $0x0  }
0x80: {  	[sflag:s18] =	ssyncadd.s32 $0xFFFFD800  }
0x81: {  	[tilespmem:s23], [sflag:$0x2] =	stream.linear.gather [hbm4b:s11+s4], $0x50, $0x38;
	[tilespmem:$0x1E500] =	vst v63  }
0x82: {  	s7 =	sadd.s32 $0x140, s12  }
0x83: {  	[tilespmem:s24], [sflag:$0x5] =	stream.indirect.gather [hbm4b:s1+s21], $0x80, s7, s21, $0xb8;
	[tilespmem:$0x1E500] =	vst v63  }
0x84: {  	_ =	swait.ge [sflag:s0], $0x50  }
0x85: {  	[sflag:s0] =	ssyncset.done $0x0  }
0x86: {  	[sflag:s0] =	ssyncadd.s32 $0xFFFFFFB0  }
0x87: {  	_ =	swait.ge [sflag:s26], $0x2800  }
0x88: {  	[sflag:s26] =	ssyncset.done $0x0  }
0x89: {  	[sflag:s26] =	ssyncadd.s32 $0xFFFFD800  }
0x8a: {  	[spmem:s3] =	stream.indirect.scatter.add.f32 [tilespmem:s28], [sflag:$0x7], $0x80, s25, s21, $0xb8;
	[tilespmem:$0x1E500] =	vst v63  }
.Ltmp2:
0x8b: {  	_ =	swait.ge [sflag:s18], $0x2800;
	(pc) =	sbr.rel @p0 .LBB2_6-.Ltmp2, $4  }
0x8c: {  	[sflag:s18] =	ssyncset.done $0x0  }
0x8d: {  	s9 =	sadd.s32 $0xF0, s9;
	[sflag:s18] =	ssyncadd.s32 $0xFFFFD800  }
0x8e: {  	[tilespmem:s25], [sflag:$0x3] =	stream.linear.gather [hbm4b:s10+s4], $0x50, $0x38;
	[tilespmem:$0x1E500] =	vst v63  }
0x8f: {  	s12 =	sadd.s32 $0x190, s12;
	s11 =	sadd.s32 $0x1E, s11;
	s10 =	sadd.s32 $0x1E, s10  }
0x90: {  	[tilespmem:s28], [sflag:$0x6] =	stream.indirect.gather [hbm4b:s1+s21], $0x80, s12, s21, $0xb8;
	[tilespmem:$0x1E500] =	vst v63  }
0x91: {  	_ =	swait.ge [sflag:s29], $0x50  }
0x92: {  	[sflag:s29] =	ssyncset.done $0x0  }
0x93: {  	[sflag:s29] =	ssyncadd.s32 $0xFFFFFFB0  }
0x94: {  	_ =	swait.ge [sflag:s30], $0x2800  }
0x95: {  	[sflag:s30] =	ssyncset.done $0x0  }
0x96: {  	[sflag:s30] =	ssyncadd.s32 $0xFFFFD800  }
0x97: {  	[spmem:s3] =	stream.indirect.scatter.add.f32 [tilespmem:s22], [sflag:$0x7], $0x80, s20, s21, $0xb8;
	[tilespmem:$0x1E500] =	vst v63  }
0x98: {  	_ =	swait.ge [sflag:s18], $0x2800  }
0x99: {  	[sflag:s18] =	ssyncset.done $0x0  }
0x9a: {  	s7 =	simm.s32 $0x0;
	s8 =	rddreg [dreg:$0x9];
	[sflag:s18] =	ssyncadd.s32 $0xFFFFD800  }
0x9b: {  	[tilespmem:s20], [sflag:$0x1] =	stream.linear.gather [hbm4b:s8+s7], $0x50, $0x38;
	[tilespmem:$0x1E500] =	vst v63  }
0x9c: {  	s12 =	simm.s32 $0x2670  }
0x9d: {  	[tilespmem:s22], [sflag:$0x4] =	stream.indirect.gather [hbm4b:s1+s21], $0x80, s12, s21, $0xb8;
	[tilespmem:$0x1E500] =	vst v63  }
0x9e: {  	_ =	swait.ge [sflag:s31], $0x50  }
0x9f: {  	[sflag:s31] =	ssyncset.done $0x0  }
0xa0: {  	[sflag:s31] =	ssyncadd.s32 $0xFFFFFFB0  }
0xa1: {  	_ =	swait.ge [sflag:s2], $0x2800  }
0xa2: {  	[sflag:s2] =	ssyncset.done $0x0  }
0xa3: {  	[sflag:s2] =	ssyncadd.s32 $0xFFFFD800  }
0xa4: {  	[spmem:s3] =	stream.indirect.scatter.add.f32 [tilespmem:s24], [sflag:$0x7], $0x80, s23, s21, $0xb8;
	[tilespmem:$0x1E500] =	vst v63  }
0xa5: {  	_ =	swait.ge [sflag:s18], $0x2800  }
0xa6: {  	[sflag:s18] =	ssyncset.done $0x0  }
0xa7: {  	s9 =	rddreg [dreg:$0xa];
	[sflag:s18] =	ssyncadd.s32 $0xFFFFD800  }
0xa8: {  	[tilespmem:s23], [sflag:$0x2] =	stream.linear.gather [hbm4b:s9+s7], $0x50, $0x38;
	[tilespmem:$0x1E500] =	vst v63  }
0xa9: {  	s10 =	simm.s32 $0x26C0  }
0xaa: {  	[tilespmem:s24], [sflag:$0x5] =	stream.indirect.gather [hbm4b:s1+s21], $0x80, s10, s21, $0xb8;
	[tilespmem:$0x1E500] =	vst v63  }
0xab: {  	_ =	swait.ge [sflag:s0], $0x50  }
0xac: {  	[sflag:s0] =	ssyncset.done $0x0  }
0xad: {  	[sflag:s0] =	ssyncadd.s32 $0xFFFFFFB0  }
0xae: {  	_ =	swait.ge [sflag:s26], $0x2800  }
0xaf: {  	[sflag:s26] =	ssyncset.done $0x0  }
0xb0: {  	[sflag:s26] =	ssyncadd.s32 $0xFFFFD800  }
0xb1: {  	[spmem:s3] =	stream.indirect.scatter.add.f32 [tilespmem:s28], [sflag:$0x7], $0x80, s25, s21, $0xb8;
	[tilespmem:$0x1E500] =	vst v63  }
0xb2: {  	_ =	swait.ge [sflag:s18], $0x2800  }
0xb3: {  	[sflag:s18] =	ssyncset.done $0x0  }
0xb4: {  	[sflag:s18] =	ssyncadd.s32 $0xFFFFD800  }
0xb5: {  	_ =	swait.ge [sflag:s29], $0x50  }
0xb6: {  	[sflag:s29] =	ssyncset.done $0x0  }
0xb7: {  	[sflag:s29] =	ssyncadd.s32 $0xFFFFFFB0  }
0xb8: {  	_ =	swait.ge [sflag:s30], $0x2800  }
0xb9: {  	[sflag:s30] =	ssyncset.done $0x0  }
0xba: {  	[sflag:s30] =	ssyncadd.s32 $0xFFFFD800  }
0xbb: {  	[spmem:s3] =	stream.indirect.scatter.add.f32 [tilespmem:s22], [sflag:$0x7], $0x80, s20, s21, $0xb8;
	[tilespmem:$0x1E500] =	vst v63  }
0xbc: {  	_ =	swait.ge [sflag:s18], $0x2800  }
0xbd: {  	[sflag:s18] =	ssyncset.done $0x0  }
0xbe: {  	[sflag:s18] =	ssyncadd.s32 $0xFFFFD800  }
0xbf: {  	_ =	swait.ge [sflag:s31], $0x50  }
0xc0: {  	[sflag:s31] =	ssyncset.done $0x0  }
0xc1: {  	[sflag:s31] =	ssyncadd.s32 $0xFFFFFFB0  }
0xc2: {  	_ =	swait.ge [sflag:s2], $0x2800  }
0xc3: {  	[sflag:s2] =	ssyncset.done $0x0  }
0xc4: {  	[sflag:s2] =	ssyncadd.s32 $0xFFFFD800  }
0xc5: {  	[spmem:s3] =	stream.indirect.scatter.add.f32 [tilespmem:s24], [sflag:$0x7], $0x80, s23, s21, $0xb8;
	[tilespmem:$0x1E500] =	vst v63  }
0xc6: {  	_ =	swait.ge [sflag:s18], $0x2800  }
0xc7: {  	s11 =	stileid.u32;
	[sflag:s18] =	ssyncset.done $0x0  }
0xc8: {  	s12 =	sshrl.u32 s13, $0x3;
	s7 =	sshll.u32 s11, $0x6;
	[sflag:s18] =	ssyncadd.s32 $0xFFFFD800  }
0xc9: {  	s9 =	sadd.s32 $0x0, s17;
	s8 =	sor.u32 $0x1C07, s7;
	[bflag:$0x0] =	sbarrier.arrive $0xFFFF  }
0xca: {  	[hbm:s9], [sflag:s8] =	dma.local [spmem:s12], $0x190  }
0xcb: {  	s10 =	sadd.s32 $0xC80, s13;
	s9 =	simm.s32 $0x190;
	_ =	swait.ge [sflag:s18], $0x190  }
.LBB2_8:
0xcc: {  	s7 =	sadd.s32 s9, s17;
	[sflag:s18] =	ssyncset.done $0x0;
	p0 =	sne.s32 s9, $0x2580  }
.Ltmp3:
0xcd: {  	s11 =	sshrl.u32 s10, $0x3;
	[sflag:s18] =	ssyncadd.s32 $0xFFFFFE70;
	(pc) =	sbr.rel @p0 .LBB2_8-.Ltmp3, $3  }
0xce: {  	[hbm:s7], [sflag:s8] =	dma.local [spmem:s11], $0x190  }
0xcf: {  	s9 =	sadd.s32 $0x190, s9;
	_ =	sdelay $0x1  }
0xd0: {  	s10 =	sadd.s32 $0xC80, s10;
	_ =	swait.ge [sflag:s18], $0x190  }
0xd1: {  	s6 =	sadd.s32 $0x1, s6;
	s7 =	rddreg [dreg:$0x8]  }
0xd2: {  	p0 =	sne.s32 s6, s7  }
.Ltmp4:
0xd3: {  	_ = 	snop;
	(pc) =	sbr.rel @p0 .LBB2_1-.Ltmp4, $3  }
0xd4: {  	_ =	sdelay $0x1  }
0xd5: {  	[sflag:s18] =	ssyncset.done $0x0  }
0xd6: {  	[sflag:s18] =	ssyncadd.s32 $0xFFFFFE70  }
0xd7: {  	_ =	sfence.sel $0x180000  }
0xd8: {  	[bflag:$0x0] =	sbarrier.arrive $0xFFFF  }
0xd9: {  	_ =	strace $0x9000004D  }
0xda: {  	s0 =	stileid.u32;
	[bflag:$0x2] =	sbarrier.arrive $0xFFFF  }
0xdb: {  	p0 =	sne.s32 s0, $0x0;
	s0 =	rddreg [dreg:$0x3]  }
0xdc: {  	s0 =	sadd.s32 @!p0 $0x100000, s0  }
0xdd: {  	[sflag:s0] =	ssyncadd.tile.s32 @!p0 $0x1;
	_ =	shalt  }
.Lfunc_end2:
_tile_overlayer_lowered:
.L_overlay_start_2:
0xde: {  	(tag) =	ssettag $0x2  }
0xdf: {  	s0 =	rddreg [dreg:$0x0];
	s2 =	stileid.u32  }
0xe0: {  	s1 =	rddreg [dreg:$0x1];
	p0 =	sne.s32 s2, $0x0  }
0xe1: {  	s3 =	rddreg [dreg:$0x2];
	[bflag:$0x3] =	sbarrier.arrive $0xFFFF;
	s2 =	simm.s32 @!p0 $0x1C07  }
0xe2: {  	[timem:s3], [sflag:s2] =	dma.local @!p0 [hbm:s0], s1  }
0xe3: {  	s0 =	simm.s32 @!p0 $0x7  }
0xe4: {  	_ =	swait.ge @!p0 [sflag:s0], s1  }
0xe5: {  	s1 =	ssub.s32 @!p0 $0x0, s1;
	[sflag:s0] =	ssyncset.done @!p0 $0x0  }
0xe6: {  	[sflag:s0] =	ssyncadd.s32 @!p0 s1  }
0xe7: {  	[bflag:$0x3] =	sbarrier.arrive $0xFFFF  }
0xe8: {  	_ =	shalt  }

// kernel: kernel.8.cloned.1.call-start
scs
__scs_entry_jumppad:
0x0: {  	(pc) =	sbr.rel $0x88, $3  }
0x1: {  	(tag) =	ssettag $0x0;
	lr =	simm.s32 $0x1  }
0x2: {  	[smem:$0x3F9B] =	sst lr;
	_ =	strace $0xD0000000  }
0x3: {  	_ = 	snop  }
0x4: {  	_ = 	snop  }
0x5: {  	_ = 	snop  }
0x6: {  	_ = 	snop  }
0x7: {  	_ = 	snop  }
__scs_overlays_trampoline_lowered:
0x8: {  	[smem:$0x3FAA] =	sst s0  }
0x9: {  	[smem:$0x3FAB] =	sst s1  }
0xa: {  	[smem:$0x3FAC] =	sst s2  }
0xb: {  	[smem:$0x3FAD] =	sst s3  }
0xc: {  	[smem:$0x3FAE] =	sst s4  }
0xd: {  	[smem:$0x3FAF] =	sst s5  }
0xe: {  	[smem:$0x3FB0] =	sst s6  }
0xf: {  	[smem:$0x3FB1] =	sst s7  }
0x10: {  	[smem:$0x3FB2] =	sst s8  }
0x11: {  	[smem:$0x3FB3] =	sst s9;
	s0 =	simm.s32 @!p0 $0x0  }
0x12: {  	s1 =	sld [smem:$0x3F99];
	s0 =	simm.s32 @p0 $0x1  }
0x13: {  	[smem:$0x3FB4] =	sst s0;
	s0 =	simm.s32 @!p1 $0x0  }
0x14: {  	s2 =	sld [smem:$0x3F98];
	s0 =	simm.s32 @p1 $0x1  }
0x15: {  	[smem:$0x3FB5] =	sst s0;
	s0 =	simm.s32 @!p2 $0x0  }
0x16: {  	s3 =	sld [smem:$0x3FDB];
	s0 =	simm.s32 @p2 $0x1  }
0x17: {  	s4 =	simm.s32 $0x1BF5;
	[smem:$0x3FB7] =	sst s0  }
0x18: {  	s0 =	sld [smem:$0x3F9A];
	_ =	swait.ge [sflag:s4], $0x0  }
0x19: {  	s7 =	sld [smem:$0x3F9B]  }
0x1a: {  	s8 =	sadd.s32 $0xFFFFE003, lr  }
0x1b: {  	s9 =	sadd.s32 $0xFFFFFEF7, lr;
	s5 =	simm.s32 $0xFFFFFFFF;
	p2 =	slt.u32 s8, $0xFFFFF086  }
0x1c: {  	p1 =	slt.u32 s9, $0xF7A;
	s5 =	simm.s32 @!p2 $0x0  }
0x1d: {  	s5 =	simm.s32 @p1 $0x1;
	p0 =	seq.s32 s7, s2  }
0x1e: {  	s7 =	smul.u32 @!p0 $0xF7A, s2;
	p2 =	seq.s32 @!p0 s5, $0x0  }
0x1f: {  	s9 =	smul.u32 $0xF7A, s1;
	s8 =	simm.s32 @!p0 $0x1BF5;
	p2 =	por !p2, p0  }
0x20: {  	[sflag:s8] =	ssyncset.s32 @!p0 $0xFFFFF086;
	s6 =	sadd.s32 @!p0 s3, s7;
	s7 =	simm.s32 @!p0 $0x108  }
0x21: {  	s3 =	sadd.s32 s3, s9;
	s6 =	sadd.s32 @!p0 $0x88, s6;
	s7 =	simm.s32 @p2 $0x1082  }
0x22: {  	[simem:s7], [sflag:s8] =	dma.local @!p0 [hbm:s6], $0xF7A  }
0x23: {  	s9 =	sor.u32 $0xD0000000, s2;
	s6 =	simm.s32 $0x108;
	_ =	swait.ge @!p0 [sflag:s8], $0x0  }
0x24: {  	s3 =	sadd.s32 $0x88, s3;
	s6 =	simm.s32 @!p1 $0x1082;
	[sflag:s4] =	ssyncset.s32 $0xFFFFF086  }
0x25: {  	[simem:s6], [sflag:s4] =	dma.local [hbm:s3], $0xF7A  }
0x26: {  	[smem:$0x3F9B] =	sst s1;
	(tag) =	ssettag s2;
	_ =	strace s9  }
0x27: {  	s1 =	sld [smem:$0x3FAB]  }
0x28: {  	s2 =	sld [smem:$0x3FAC]  }
0x29: {  	s4 =	sld [smem:$0x3FAE]  }
0x2a: {  	p0 =	seq.s32 s5, $0x0;
	s5 =	sld [smem:$0x3FAF]  }
0x2b: {  	s6 =	sld [smem:$0x3FB0]  }
0x2c: {  	s7 =	sld [smem:$0x3FB1]  }
0x2d: {  	s3 =	simm.s32 $0x108;
	s8 =	sld [smem:$0x3FB2]  }
0x2e: {  	s3 =	simm.s32 @!p0 $0x1082;
	s9 =	sld [smem:$0x3FB3]  }
0x2f: {  	lr =	sadd.s32 s0, s3;
	s0 =	sld [smem:$0x3FAA]  }
0x30: {  	s3 =	sld [smem:$0x3FAD]  }
0x31: {  	[smem:$0x3FB6] =	sst s10  }
0x32: {  	s10 =	sld [smem:$0x3FB4];
	_ =	sdelay $0x3  }
0x33: {  	p0 =	seq.s32 s10, $0x1;
	s10 =	sld [smem:$0x3FB6];
	_ =	sdelay $0x3  }
0x34: {  	[smem:$0x3FB6] =	sst s10  }
0x35: {  	s10 =	sld [smem:$0x3FB5];
	_ =	sdelay $0x3  }
0x36: {  	p1 =	seq.s32 s10, $0x1;
	s10 =	sld [smem:$0x3FB6];
	_ =	sdelay $0x3  }
0x37: {  	[smem:$0x3FB6] =	sst s10  }
0x38: {  	s10 =	sld [smem:$0x3FB7]  }
0x39: {  	_ = 	snop;
	(pc) =	sbr.ind lr, $3  }
0x3a: {  	_ = 	snop  }
0x3b: {  	_ = 	snop  }
0x3c: {  	p2 =	seq.s32 s10, $0x1;
	s10 =	sld [smem:$0x3FB6]  }
0x3d: {  	_ =	shalt  }
0x3e: {  	_ =	shalt  }
0x3f: {  	_ =	shalt  }
0x40: {  	_ =	shalt  }
0x41: {  	_ =	shalt  }
0x42: {  	_ =	shalt  }
0x43: {  	_ =	shalt  }
0x44: {  	_ =	shalt  }
0x45: {  	_ =	shalt  }
0x46: {  	_ =	shalt  }
0x47: {  	_ =	shalt  }
0x48: {  	_ =	shalt  }
0x49: {  	_ =	shalt  }
0x4a: {  	_ =	shalt  }
0x4b: {  	_ =	shalt  }
0x4c: {  	_ =	shalt  }
0x4d: {  	_ =	shalt  }
0x4e: {  	_ =	shalt  }
0x4f: {  	_ =	shalt  }
0x50: {  	_ =	shalt  }
0x51: {  	_ =	shalt  }
0x52: {  	_ =	shalt  }
0x53: {  	_ =	shalt  }
0x54: {  	_ =	shalt  }
0x55: {  	_ =	shalt  }
0x56: {  	_ =	shalt  }
0x57: {  	_ =	shalt  }
0x58: {  	_ =	shalt  }
0x59: {  	_ =	shalt  }
0x5a: {  	_ =	shalt  }
0x5b: {  	_ =	shalt  }
0x5c: {  	_ =	shalt  }
0x5d: {  	_ =	shalt  }
0x5e: {  	_ =	shalt  }
0x5f: {  	_ =	shalt  }
0x60: {  	_ =	shalt  }
0x61: {  	_ =	shalt  }
0x62: {  	_ =	shalt  }
0x63: {  	_ =	shalt  }
0x64: {  	_ =	shalt  }
0x65: {  	_ =	shalt  }
0x66: {  	_ =	shalt  }
0x67: {  	_ =	shalt  }
0x68: {  	_ =	shalt  }
0x69: {  	_ =	shalt  }
0x6a: {  	_ =	shalt  }
0x6b: {  	_ =	shalt  }
0x6c: {  	_ =	shalt  }
0x6d: {  	_ =	shalt  }
0x6e: {  	_ =	shalt  }
0x6f: {  	_ =	shalt  }
0x70: {  	_ =	shalt  }
0x71: {  	_ =	shalt  }
0x72: {  	_ =	shalt  }
0x73: {  	_ =	shalt  }
0x74: {  	_ =	shalt  }
0x75: {  	_ =	shalt  }
0x76: {  	_ =	shalt  }
0x77: {  	_ =	shalt  }
0x78: {  	_ =	shalt  }
0x79: {  	_ =	shalt  }
0x7a: {  	_ =	shalt  }
0x7b: {  	_ =	shalt  }
0x7c: {  	_ =	shalt  }
0x7d: {  	_ =	shalt  }
0x7e: {  	_ =	shalt  }
0x7f: {  	_ =	shalt  }
0x80: {  	_ =	shalt  }
0x81: {  	_ =	shalt  }
0x82: {  	_ =	shalt  }
0x83: {  	_ =	shalt  }
0x84: {  	_ =	shalt  }
0x85: {  	_ =	shalt  }
0x86: {  	_ =	shalt  }
0x87: {  	_ =	shalt  }
.Lfunc_end0:
.L_simem_size_0:
called_computation_lowered:
.L_overlay_start_0:
0x88: {  	s2 =	sld [smem:$0x3FD9]  }
0x89: {  	s3 =	sld [smem:$0x3FFE];
	_ =	sdelay $0x1  }
0x8a: {  	s1 =	srdreg.scid  }
0x8b: {  	s0 =	sand.u32 $0x1, s1  }
0x8c: {  	s17 =	sshll.u32 s0, $0xA;
	s2 =	sadd.s32 s3, s2  }
0x8d: {  	s2 =	sadd.s32 s2, s17  }
0x8e: {  	[smem:$0x3FC2] =	sst s2  }
0x8f: {  	_ = 	snop  }
0x90: {  	s2 =	sld [smem:$0x3FD0];
	(tm) =	ssettm $0x1  }
0x91: {  	s18 =	sld [smem:$0x3FFB];
	_ =	sdelay $0x3  }
0x92: {  	_ =	strace s18  }
0x93: {  	s3 =	sld [smem:$0x3FFC];
	_ =	sdelay $0x3  }
0x94: {  	_ =	strace s3  }
0x95: {  	s3 =	sld [smem:$0x3FFD];
	_ =	sdelay $0x3  }
0x96: {  	_ =	strace s3  }
0x97: {  	_ =	strace $0x8FFFFFFF  }
0x98: {  	s19 =	sld [smem:$0x3FDB];
	_ =	sdelay $0x1  }
0x99: {  	s4 =	simm.s32 $_scs_section_size  }
0x9a: {  	s5 =	simm.s32 $_size__tile_overlayer_lowered;
	s6 =	simm.s32 $_tile_overlayer_lowered  }
0x9b: {  	s22 =	simm.s32 $0x1BFF;
	s21 =	sshll.u32 s6, $0x1;
	s3 =	sadd.s32 s4, s19  }
0x9c: {  	s7 =	simm.s32 $0x0;
	s20 =	sshll.u32 s5, $0x1;
	s5 =	sadd.s32 s21, s3  }
0x9d: {  	[timem:s7], [sflag:s22] =	dma.local [hbm:s5], s20  }
0x9e: {  	_ =	swait.ge [sflag:s22], s20  }
0x9f: {  	s4 =	ssub.s32 $0x0, s20;
	[sflag:s22] =	ssyncset.done $0x0  }
0xa0: {  	[sflag:s22] =	ssyncadd.s32 s4;
	_ =	sdelay $0x1  }
0xa1: {  	s23 =	simm.s32 $0x1B8B  }
0xa2: {  	_ =	swait.ge [sflag:s23], $0x1  }
0xa3: {  	[sflag:s23] =	ssyncset.done $0x0  }
0xa4: {  	s25 =	simm.s32 $0x1B8E;
	s24 =	sld [smem:$0x3FFE];
	[sflag:s23] =	ssyncadd.s32 $0xFFFFFFFF  }
0xa5: {  	s26 =	simm.s32 $execute0_lowered;
	[smem:$0x3FD2] =	sst s25  }
0xa6: {  	s5 =	sshll.u32 s26, $0x1;
	_ =	strace $0x80000046;
	[dreg:$0x1] =	wrdreg $0xFFFFFFFF  }
0xa7: {  	s28 =	simm.s32 $_size_execute0_lowered;
	s3 =	sadd.s32 s3, s5;
	[dreg:$0x0] =	wrdreg $0x0  }
0xa8: {  	s5 =	sshll.u32 s28, $0x1;
	[dreg:$0x2] =	wrdreg s3  }
0xa9: {  	[dreg:$0x3] =	wrdreg s5  }
0xaa: {  	[dreg:$0x4] =	wrdreg $0xC0  }
0xab: {  	_ =	task [dreg:s7], $0x5FFFF  }
0xac: {  	[dreg:$0x1] =	wrdreg $0xFFFFFFFF  }
0xad: {  	[dreg:$0x0] =	wrdreg $0x60  }
0xae: {  	[dreg:$0x2] =	wrdreg s24  }
0xaf: {  	[dreg:$0x3] =	wrdreg s2  }
0xb0: {  	[dreg:$0x4] =	wrdreg $0x4100  }
0xb1: {  	[dreg:$0x5] =	wrdreg $0x9  }
0xb2: {  	_ =	task.clear_ibuf [dreg:s7], $0x6FFFF;
	_ =	strace $0x90000046  }
0xb3: {  	s29 =	simm.s32 $0x9;
	_ =	strace $0x80000048  }
0xb4: {  	_ =	swait.ge [sflag:s29], $0x1  }
0xb5: {  	[sflag:s29] =	ssyncadd.s32 $0xFFFFFFFF  }
0xb6: {  	_ =	strace $0x90000048  }
0xb7: {  	_ =	sfence  }
0xb8: {  	s30 =	sld [smem:$0x0];
	_ =	sdelay $0x2  }
0xb9: {  	s31 =	sshll.u32 s1, $0xD;
	s1 =	sshrl.u32 s1, $0x2  }
0xba: {  	s3 =	sand.u32 $0x4000, s31;
	s1 =	sadd.s32 s1, s30  }
0xbb: {  	s0 =	sor.u32 s3, s0;
	s1 =	sshll.u32 s1, $0x11  }
0xbc: {  	s0 =	sor.u32 s1, s0  }
0xbd: {  	s0 =	sadd.s32 $0x8F2B, s0  }
0xbe: {  	[sflag:s0] =	ssyncadd.remote.s32 $0x1  }
0xbf: {  	_ =	sfence.sel $0xFFFF  }
0xc0: {  	[dreg:$0x0] =	wrdreg $0xFFFFFFFF;
	(pc) =	sbr.abs _section_cstart, $3  }
0xc1: {  	[dreg:$0x1] =	wrdreg $0xFFFFFFFF  }
0xc2: {  	_ =	task.clear_ibuf [dreg:s7], $0x2FFFF;
	_ =	strace $0x9FFFFFFF  }
0xc3: {  	(tm) =	ssettm $0x7FFFFFFF  }
tec
execute0_lowered:
.L_overlay_start_1:
0x0: {  	(tag) =	ssettag $0x1  }
0x1: {  	s0 =	rddreg [dreg:$0x0]  }
0x2: {  	s1 =	rddreg [dreg:$0x1];
	s3 =	srdreg.scid  }
0x3: {  	s19 =	stileid.u32;
	s2 =	rddreg [dreg:$0x2];
	s20 =	simm.s32 $0x5  }
0x4: {  	s21 =	simm.s32 $0x50;
	s22 =	simm.s32 $0xA0;
	s28 =	simm.s32 $0x2  }
0x5: {  	s29 =	simm.s32 $0x3;
	s30 =	simm.s32 $0x4;
	s31 =	simm.s32 $0x0  }
0x6: {  	s7 =	sand.u32 $0x1, s3;
	s4 =	sshll.u32 s19, $0x1;
	s10 =	smul.u32 $0x280, s19  }
0x7: {  	s3 =	simm.s32 $0x0;
	s16 =	smul.u32 $0x4E20, s19;
	p0 =	seq.s32 s19, $0xF  }
0x8: {  	s4 =	sor.u32 s7, s4;
	[smem:$0x7FF] =	sst s3;
	s14 =	smul.u32 $0x2710, s7  }
0x9: {  	s5 =	ssub.s32 $0x2, s7;
	s6 =	smul.u32 $0x2710, s4;
	_ =	strace $0x80000047  }
0xa: {  	s8 =	sshrl.u32 s5, $0x1;
	s4 =	sadd.s32 $0xBE00, s0;
	s13 =	sadd.s32 $0x190, s10  }
0xb: {  	s23 =	ssub.s32 s5, s8;
	s5 =	sadd.s32 s10, s2;
	s10 =	sadd.s32 s10, s14  }
0xc: {  	s11 =	sadd.s32 s14, s13;
	s25 =	sadd.s32 s14, s16;
	s6 =	sshrl.u32 s6, $0x3  }
0xd: {  	s24 =	sadd.s32 $0x190, s5;
	s12 =	sshrl.u32 s10, $0x3;
	s15 =	sshrl.u32 s11, $0x3  }
0xe: {  	s26 =	sadd.s32 $0x230, s25;
	s16 =	sadd.s32 $0x1E0, s25;
	s17 =	sadd.s32 $0x190, s25  }
0xf: {  	s18 =	sadd.s32 $0x140, s25;
	s6 =	sadd.s32 s4, s6;
	[dreg:$0x4] =	wrdreg s24  }
0x10: {  	s11 =	sadd.s32 s1, s12;
	s12 =	sadd.s32 s1, s15;
	s1 =	sadd.s32 s13, s2  }
0x11: {  	s13 =	smax.u32 s23, $0x1;
	s15 =	sshrl.u32 s26, $0x3;
	s16 =	sshrl.u32 s16, $0x3  }
0x12: {  	s17 =	sshrl.u32 s17, $0x3;
	s23 =	simm.s32 $0xF0;
	s24 =	simm.s32 $0x1  }
0x13: {  	s26 =	simm.s32 $0x140;
	s8 =	sadd.s32 $0xA, s6;
	s9 =	sadd.s32 $0x14, s6  }
0x14: {  	s10 =	sadd.s32 $0x1E, s6;
	s14 =	sadd.s32 $0x4D8, s6;
	s15 =	sadd.s32 s15, s4  }
0x15: {  	v0 =	vimm.f32 $1.000000000e+00;
	v1 =	vimm.f32 $0.0e+00;
	s16 =	sadd.s32 s16, s4;
	s17 =	sadd.s32 s17, s4;
	s25 =	sshrl.u32 @!p0 s1, $0x3  }
.LBB2_1:
0x16: {  	[tilespmem:$0x140] =	vst v0  }
0x17: {  	[tilespmem:$0x150] =	vst v0  }
0x18: {  	[tilespmem:$0x160] =	vst v0  }
0x19: {  	[tilespmem:$0x170] =	vst v0  }
0x1a: {  	[tilespmem:$0x180] =	vst v0  }
0x1b: {  	[tilespmem:$0x190] =	vst v1  }
0x1c: {  	[tilespmem:$0x1A0] =	vst v1  }
0x1d: {  	[tilespmem:$0x1B0] =	vst v1  }
0x1e: {  	[tilespmem:$0x1C0] =	vst v1  }
0x1f: {  	[tilespmem:$0x1D0] =	vst v1  }
0x20: {  	[tilespmem:$0x1E0] =	vst v1  }
0x21: {  	[tilespmem:$0x1F0] =	vst v1  }
0x22: {  	[tilespmem:$0x200] =	vst v1  }
0x23: {  	[tilespmem:$0x210] =	vst v1  }
0x24: {  	[tilespmem:$0x220] =	vst v1  }
0x25: {  	[tilespmem:$0x230] =	vst v1  }
0x26: {  	[tilespmem:$0x240] =	vst v1  }
0x27: {  	[tilespmem:$0x250] =	vst v1  }
0x28: {  	[tilespmem:$0x260] =	vst v1  }
0x29: {  	[tilespmem:$0x270] =	vst v1  }
0x2a: {  	[tilespmem:$0x280] =	vst v1  }
0x2b: {  	[tilespmem:$0x290] =	vst v1  }
0x2c: {  	[tilespmem:$0x2A0] =	vst v1  }
0x2d: {  	[tilespmem:$0x2B0] =	vst v1  }
0x2e: {  	[tilespmem:$0x2C0] =	vst v1  }
0x2f: {  	[tilespmem:$0x2D0] =	vst v1  }
0x30: {  	[tilespmem:$0x2E0] =	vst v1  }
0x31: {  	[tilespmem:$0x2F0] =	vst v1  }
0x32: {  	[tilespmem:$0x300] =	vst v1  }
0x33: {  	[tilespmem:$0x310] =	vst v1  }
0x34: {  	[tilespmem:$0x320] =	vst v1  }
0x35: {  	[tilespmem:$0x330] =	vst v1  }
0x36: {  	[tilespmem:$0x340] =	vst v1  }
0x37: {  	[tilespmem:$0x350] =	vst v1  }
0x38: {  	[tilespmem:$0x360] =	vst v1  }
0x39: {  	[tilespmem:$0x370] =	vst v1  }
0x3a: {  	[tilespmem:$0x380] =	vst v1  }
0x3b: {  	[tilespmem:$0x390] =	vst v1  }
0x3c: {  	[tilespmem:$0x3A0] =	vst v1  }
0x3d: {  	[tilespmem:$0x3B0] =	vst v1  }
0x3e: {  	[tilespmem:$0x3C0] =	vst v1  }
0x3f: {  	[tilespmem:$0x3D0] =	vst v1  }
0x40: {  	[tilespmem:$0x3E0] =	vst v1  }
0x41: {  	[tilespmem:$0x3F0] =	vst v1  }
0x42: {  	[tilespmem:$0x400] =	vst v1;
	s0 =	simm.s32 $0x190  }
0x43: {  	[spmem:s5] =	stream.linear.scatter [tilespmem:s0], [sflag:$0x5], $0x190, $0x38;
	[tilespmem:$0x688] =	vst v63  }
0x44: {  	_ =	swait.ge [sflag:s20], $0x190  }
0x45: {  	[sflag:s20] =	ssyncset.done $0x0  }
0x46: {  	s0 =	simm.s32 @!p0 $0x190;
	s1 =	rddreg [dreg:$0x4];
	[sflag:s20] =	ssyncadd.s32 $0xFFFFFE70  }
0x47: {  	[spmem:s1] =	stream.linear.scatter @!p0 [tilespmem:s0], [sflag:$0x5], $0xF0, $0x38;
	[tilespmem:$0x688] =	vst v63  }
0x48: {  	s0 =	simm.s32 @!p0 $0x5  }
0x49: {  	_ =	swait.ge @!p0 [sflag:s0], $0xF0  }
0x4a: {  	[sflag:s0] =	ssyncset.done @!p0 $0x0  }
0x4b: {  	[sflag:s0] =	ssyncadd.s32 @!p0 $0xFFFFFF10  }
0x4c: {  	[bflag:$0x0] =	sbarrier.arrive $0xFFFF  }
0x4d: {  	[tilespmem:s3], [sflag:$0x1] =	stream.linear.gather [hbm4b:s6+s3], $0x50, $0x38;
	[tilespmem:$0x688] =	vst v63  }
0x4e: {  	_ = 	snop  }
0x4f: {  	[tilespmem:s21], [sflag:$0x2] =	stream.linear.gather [hbm4b:s8+s3], $0x50, $0x38;
	[tilespmem:$0x688] =	vst v63  }
0x50: {  	_ = 	snop  }
0x51: {  	[tilespmem:s22], [sflag:$0x3] =	stream.linear.gather [hbm4b:s9+s3], $0x50, $0x38;
	[tilespmem:$0x688] =	vst v63  }
0x52: {  	_ = 	snop  }
0x53: {  	[tilespmem:s23], [sflag:$0x4] =	stream.linear.gather [hbm4b:s10+s3], $0x50, $0x38;
	[tilespmem:$0x688] =	vst v63  }
0x54: {  	_ =	swait.ge [sflag:s24], $0x50  }
0x55: {  	[sflag:s24] =	ssyncset.done $0x0  }
0x56: {  	[sflag:s24] =	ssyncadd.s32 $0xFFFFFFB0  }
0x57: {  	[spmem:s2] =	stream.indirect.scatter.add.f32 [tilespmem:s26], [sflag:$0x5], $0x1, s3, s21, $0xb8;
	[tilespmem:$0x688] =	vst v63  }
0x58: {  	_ =	swait.ge [sflag:s20], $0x50  }
0x59: {  	s1 =	sshrl.u32 s18, $0x3;
	[sflag:s20] =	ssyncset.done $0x0  }
0x5a: {  	s0 =	sadd.s32 s4, s1;
	[sflag:s20] =	ssyncadd.s32 $0xFFFFFFB0  }
0x5b: {  	[tilespmem:s3], [sflag:$0x1] =	stream.linear.gather [hbm4b:s0+s3], $0x50, $0x38;
	[tilespmem:$0x688] =	vst v63  }
0x5c: {  	_ =	swait.ge [sflag:s28], $0x50  }
0x5d: {  	[sflag:s28] =	ssyncset.done $0x0  }
0x5e: {  	[sflag:s28] =	ssyncadd.s32 $0xFFFFFFB0  }
0x5f: {  	[spmem:s2] =	stream.indirect.scatter.add.f32 [tilespmem:s26], [sflag:$0x5], $0x1, s21, s21, $0xb8;
	[tilespmem:$0x688] =	vst v63  }
0x60: {  	_ =	swait.ge [sflag:s20], $0x50  }
0x61: {  	[sflag:s20] =	ssyncset.done $0x0  }
0x62: {  	s7 =	sadd.s32 $0x0, s17;
	[sflag:s20] =	ssyncadd.s32 $0xFFFFFFB0  }
0x63: {  	[tilespmem:s21], [sflag:$0x2] =	stream.linear.gather [hbm4b:s7+s3], $0x50, $0x38;
	[tilespmem:$0x688] =	vst v63  }
0x64: {  	_ =	swait.ge [sflag:s29], $0x50  }
0x65: {  	[sflag:s29] =	ssyncset.done $0x0  }
0x66: {  	[sflag:s29] =	ssyncadd.s32 $0xFFFFFFB0  }
0x67: {  	[spmem:s2] =	stream.indirect.scatter.add.f32 [tilespmem:s26], [sflag:$0x5], $0x1, s22, s21, $0xb8;
	[tilespmem:$0x688] =	vst v63  }
0x68: {  	_ =	swait.ge [sflag:s20], $0x50  }
0x69: {  	[sflag:s20] =	ssyncset.done $0x0  }
0x6a: {  	s19 =	sadd.s32 $0x0, s16;
	[sflag:s20] =	ssyncadd.s32 $0xFFFFFFB0  }
0x6b: {  	[tilespmem:s22], [sflag:$0x3] =	stream.linear.gather [hbm4b:s19+s3], $0x50, $0x38;
	[tilespmem:$0x688] =	vst v63  }
0x6c: {  	_ =	swait.ge [sflag:s30], $0x50  }
0x6d: {  	[sflag:s30] =	ssyncset.done $0x0  }
0x6e: {  	[sflag:s30] =	ssyncadd.s32 $0xFFFFFFB0  }
0x6f: {  	[spmem:s2] =	stream.indirect.scatter.add.f32 [tilespmem:s26], [sflag:$0x5], $0x1, s23, s21, $0xb8;
	[tilespmem:$0x688] =	vst v63  }
0x70: {  	_ =	swait.ge [sflag:s20], $0x50  }
0x71: {  	s1 =	simm.s32 $0x28;
	[sflag:s20] =	ssyncset.done $0x0  }
0x72: {  	s0 =	sadd.s32 $0x140, s18;
	s19 =	sadd.s32 $0x0, s15;
	[sflag:s20] =	ssyncadd.s32 $0xFFFFFFB0  }
.LBB2_2:
0x73: {  	[tilespmem:s23], [sflag:$0x4] =	stream.linear.gather [hbm4b:s19+s3], $0x50, $0x38;
	[tilespmem:$0x688] =	vst v63  }
0x74: {  	s19 =	smov.u32 s1  }
0x75: {  	p1 =	sne.s32 s1, $0x488;
	s1 =	sadd.s32 $0x28, s1;
	_ =	swait.ge [sflag:s24], $0x50  }
0x76: {  	[sflag:s24] =	ssyncset.done $0x0  }
0x77: {  	[sflag:s24] =	ssyncadd.s32 $0xFFFFFFB0  }
0x78: {  	[spmem:s2] =	stream.indirect.scatter.add.f32 [tilespmem:s26], [sflag:$0x5], $0x1, s3, s21, $0xb8;
	[tilespmem:$0x688] =	vst v63  }
0x79: {  	_ =	swait.ge [sflag:s20], $0x50  }
0x7a: {  	s7 =	sshrl.u32 s0, $0x3;
	[sflag:s20] =	ssyncset.done $0x0  }
0x7b: {  	s7 =	sadd.s32 s4, s7;
	[sflag:s20] =	ssyncadd.s32 $0xFFFFFFB0  }
0x7c: {  	[tilespmem:s3], [sflag:$0x1] =	stream.linear.gather [hbm4b:s7+s3], $0x50, $0x38;
	[tilespmem:$0x688] =	vst v63  }
0x7d: {  	_ =	swait.ge [sflag:s28], $0x50  }
0x7e: {  	[sflag:s28] =	ssyncset.done $0x0  }
0x7f: {  	[sflag:s28] =	ssyncadd.s32 $0xFFFFFFB0  }
0x80: {  	[spmem:s2] =	stream.indirect.scatter.add.f32 [tilespmem:s26], [sflag:$0x5], $0x1, s21, s21, $0xb8;
	[tilespmem:$0x688] =	vst v63  }
0x81: {  	_ =	swait.ge [sflag:s20], $0x50  }
0x82: {  	[sflag:s20] =	ssyncset.done $0x0  }
0x83: {  	s7 =	sadd.s32 s19, s17;
	[sflag:s20] =	ssyncadd.s32 $0xFFFFFFB0  }
0x84: {  	[tilespmem:s21], [sflag:$0x2] =	stream.linear.gather [hbm4b:s7+s3], $0x50, $0x38;
	[tilespmem:$0x688] =	vst v63  }
0x85: {  	_ =	swait.ge [sflag:s29], $0x50  }
0x86: {  	[sflag:s29] =	ssyncset.done $0x0  }
0x87: {  	[sflag:s29] =	ssyncadd.s32 $0xFFFFFFB0  }
0x88: {  	[spmem:s2] =	stream.indirect.scatter.add.f32 [tilespmem:s26], [sflag:$0x5], $0x1, s22, s21, $0xb8;
	[tilespmem:$0x688] =	vst v63  }
0x89: {  	_ =	swait.ge [sflag:s20], $0x50  }
0x8a: {  	[sflag:s20] =	ssyncset.done $0x0  }
0x8b: {  	s7 =	sadd.s32 s19, s16;
	[sflag:s20] =	ssyncadd.s32 $0xFFFFFFB0  }
0x8c: {  	[tilespmem:s22], [sflag:$0x3] =	stream.linear.gather [hbm4b:s7+s3], $0x50, $0x38;
	[tilespmem:$0x688] =	vst v63  }
0x8d: {  	_ =	swait.ge [sflag:s30], $0x50  }
0x8e: {  	[sflag:s30] =	ssyncset.done $0x0  }
.Ltmp0:
0x8f: {  	[sflag:s30] =	ssyncadd.s32 $0xFFFFFFB0;
	(pc) =	sbr.rel @p1 .LBB2_2-.Ltmp0, $4  }
0x90: {  	[spmem:s2] =	stream.indirect.scatter.add.f32 [tilespmem:s26], [sflag:$0x5], $0x1, s23, s21, $0xb8;
	[tilespmem:$0x688] =	vst v63  }
0x91: {  	_ =	swait.ge [sflag:s20], $0x50  }
0x92: {  	[sflag:s20] =	ssyncset.done $0x0  }
0x93: {  	s0 =	sadd.s32 $0x140, s0;
	s19 =	sadd.s32 s19, s15;
	[sflag:s20] =	ssyncadd.s32 $0xFFFFFFB0  }
0x94: {  	[tilespmem:s23], [sflag:$0x4] =	stream.linear.gather [hbm4b:s19+s3], $0x50, $0x38;
	[tilespmem:$0x688] =	vst v63  }
0x95: {  	_ =	swait.ge [sflag:s24], $0x50  }
0x96: {  	[sflag:s24] =	ssyncset.done $0x0  }
0x97: {  	[sflag:s24] =	ssyncadd.s32 $0xFFFFFFB0  }
0x98: {  	[spmem:s2] =	stream.indirect.scatter.add.f32 [tilespmem:s26], [sflag:$0x5], $0x1, s3, s21, $0xb8;
	[tilespmem:$0x688] =	vst v63  }
0x99: {  	_ =	swait.ge [sflag:s20], $0x50  }
0x9a: {  	[sflag:s20] =	ssyncset.done $0x0  }
0x9b: {  	[sflag:s20] =	ssyncadd.s32 $0xFFFFFFB0  }
0x9c: {  	[tilespmem:s3], [sflag:$0x1] =	stream.linear.gather [hbm4b:s14+s3], $0x50, $0x38;
	[tilespmem:$0x688] =	vst v63  }
0x9d: {  	_ =	swait.ge [sflag:s28], $0x50  }
0x9e: {  	[sflag:s28] =	ssyncset.done $0x0  }
0x9f: {  	[sflag:s28] =	ssyncadd.s32 $0xFFFFFFB0  }
0xa0: {  	[spmem:s2] =	stream.indirect.scatter.add.f32 [tilespmem:s26], [sflag:$0x5], $0x1, s21, s21, $0xb8;
	[tilespmem:$0x688] =	vst v63  }
0xa1: {  	_ =	swait.ge [sflag:s20], $0x50  }
0xa2: {  	[sflag:s20] =	ssyncset.done $0x0  }
0xa3: {  	[sflag:s20] =	ssyncadd.s32 $0xFFFFFFB0  }
0xa4: {  	_ =	swait.ge [sflag:s29], $0x50  }
0xa5: {  	[sflag:s29] =	ssyncset.done $0x0  }
0xa6: {  	[sflag:s29] =	ssyncadd.s32 $0xFFFFFFB0  }
0xa7: {  	[spmem:s2] =	stream.indirect.scatter.add.f32 [tilespmem:s26], [sflag:$0x5], $0x1, s22, s21, $0xb8;
	[tilespmem:$0x688] =	vst v63  }
0xa8: {  	_ =	swait.ge [sflag:s20], $0x50  }
0xa9: {  	[sflag:s20] =	ssyncset.done $0x0  }
0xaa: {  	[sflag:s20] =	ssyncadd.s32 $0xFFFFFFB0  }
0xab: {  	_ =	swait.ge [sflag:s30], $0x50  }
0xac: {  	[sflag:s30] =	ssyncset.done $0x0  }
0xad: {  	[sflag:s30] =	ssyncadd.s32 $0xFFFFFFB0  }
0xae: {  	[spmem:s2] =	stream.indirect.scatter.add.f32 [tilespmem:s26], [sflag:$0x5], $0x1, s23, s21, $0xb8;
	[tilespmem:$0x688] =	vst v63  }
0xaf: {  	_ =	swait.ge [sflag:s20], $0x50  }
0xb0: {  	[sflag:s20] =	ssyncset.done $0x0  }
0xb1: {  	[sflag:s20] =	ssyncadd.s32 $0xFFFFFFB0  }
0xb2: {  	_ =	swait.ge [sflag:s24], $0x50  }
0xb3: {  	[sflag:s24] =	ssyncset.done $0x0  }
0xb4: {  	[sflag:s24] =	ssyncadd.s32 $0xFFFFFFB0  }
0xb5: {  	[spmem:s2] =	stream.indirect.scatter.add.f32 [tilespmem:s26], [sflag:$0x5], $0x1, s3, s21, $0xb8;
	[tilespmem:$0x688] =	vst v63  }
0xb6: {  	_ =	swait.ge [sflag:s20], $0x50  }
0xb7: {  	s0 =	stileid.u32;
	[sflag:s20] =	ssyncset.done $0x0  }
0xb8: {  	s0 =	sshll.u32 s0, $0x6;
	[sflag:s20] =	ssyncadd.s32 $0xFFFFFFB0  }
0xb9: {  	s1 =	sshrl.u32 s5, $0x3;
	s0 =	sor.u32 $0x1C05, s0;
	[bflag:$0x0] =	sbarrier.arrive $0xFFFF  }
0xba: {  	[hbm:s11], [sflag:s0] =	dma.local [spmem:s1], $0x32  }
0xbb: {  	_ =	swait.ge [sflag:s20], $0x32  }
0xbc: {  	s31 =	sadd.s32 $0x1, s31;
	[sflag:s20] =	ssyncset.done $0x0  }
0xbd: {  	p1 =	sne.s32 s31, s13;
	[sflag:s20] =	ssyncadd.s32 $0xFFFFFFCE  }
0xbe: {  	[hbm:s12], [sflag:s0] =	dma.local @!p0 [spmem:s25], $0x1E  }
.Ltmp1:
0xbf: {  	_ = 	snop;
	(pc) =	sbr.rel @p1 .LBB2_1-.Ltmp1, $4  }
0xc0: {  	s0 =	simm.s32 @!p0 $0x5  }
0xc1: {  	_ =	swait.ge @!p0 [sflag:s0], $0x1E  }
0xc2: {  	[sflag:s0] =	ssyncset.done @!p0 $0x0  }
0xc3: {  	[sflag:s0] =	ssyncadd.s32 @!p0 $0xFFFFFFE2  }
0xc4: {  	_ =	sfence.sel $0x180000  }
0xc5: {  	[bflag:$0x0] =	sbarrier.arrive $0xFFFF  }
0xc6: {  	_ =	strace $0x90000047  }
0xc7: {  	s0 =	stileid.u32;
	[bflag:$0x2] =	sbarrier.arrive $0xFFFF  }
0xc8: {  	p0 =	sne.s32 s0, $0x0;
	s0 =	rddreg [dreg:$0x3]  }
0xc9: {  	s0 =	sadd.s32 @!p0 $0x100000, s0  }
0xca: {  	[sflag:s0] =	ssyncadd.tile.s32 @!p0 $0x1;
	_ =	shalt  }
.Lfunc_end2:
_tile_overlayer_lowered:
.L_overlay_start_2:
0xcb: {  	(tag) =	ssettag $0x2  }
0xcc: {  	s0 =	rddreg [dreg:$0x0];
	s2 =	stileid.u32  }
0xcd: {  	s1 =	rddreg [dreg:$0x1];
	p0 =	sne.s32 s2, $0x0  }
0xce: {  	s3 =	rddreg [dreg:$0x2];
	[bflag:$0x3] =	sbarrier.arrive $0xFFFF;
	s2 =	simm.s32 @!p0 $0x1C05  }
0xcf: {  	[timem:s3], [sflag:s2] =	dma.local @!p0 [hbm:s0], s1  }
0xd0: {  	s0 =	simm.s32 @!p0 $0x5  }
0xd1: {  	_ =	swait.ge @!p0 [sflag:s0], s1  }
0xd2: {  	s1 =	ssub.s32 @!p0 $0x0, s1;
	[sflag:s0] =	ssyncset.done @!p0 $0x0  }
0xd3: {  	[sflag:s0] =	ssyncadd.s32 @!p0 s1  }
0xd4: {  	[bflag:$0x3] =	sbarrier.arrive $0xFFFF  }
0xd5: {  	_ =	shalt  }

</sc_bundles>
